<compile_context>
chip_gen: v7x
topology: tpu7x:2x2x1
jax: 0.10.2.dev20260603
libtpu: 0.0.44.dev20260713+nightly
codegen_flags: <defaults>
</compile_context>

<pallas_src>
import functools

import jax
import jax.numpy as jnp
import numpy as np
from jax import lax
from jax.experimental import pallas as pl
from jax.experimental.pallas import tpu as pltpu
from jax.experimental.pallas import tpu_sc as plsc

HIDDEN = 256
NUM_HEAD = 4
BLOCKS = 3
INPUT_DIM = 1024
OUTPUT_DIM = 256
BIN_SIZE_D = 0.2
BIN_SIZE_A = 15.0
ANGLE_K = 3
MAX_NEIGHBOOR = 16
GEODESIC_RADIS = 0.5
BIN_FACTOR_A = 180.0 / (BIN_SIZE_A * np.pi)
BIN_SIZE_GEO = BIN_SIZE_D / 2.0




def _knn_body(pts_ref, ptsT_ref, nkd_ref, nki_ref):
    p = pts_ref[...]
    pt = ptsT_ref[...]
    n = p.shape[0]
    d2 = jnp.zeros((n, n), jnp.float32)
    for d in range(3):
        diff = p[:, d : d + 1] - pt[d : d + 1, :]
        d2 = d2 + diff * diff
    cols = lax.broadcasted_iota(jnp.int32, (n, n), 1)
    dist = jnp.sqrt(jnp.maximum(d2, 1e-12))
    for k in range(MAX_NEIGHBOOR):
        m = jnp.min(dist, axis=1, keepdims=True)
        am = jnp.min(jnp.where(dist <= m, cols, n), axis=1, keepdims=True)
        nkd_ref[:, k : k + 1] = m
        nki_ref[:, k : k + 1] = am
        dist = jnp.where(cols == am, jnp.inf, dist)


def _knn(points, interpret=False):
    n = points.shape[0]
    return pl.pallas_call(
        _knn_body,
        out_shape=(
            jax.ShapeDtypeStruct((n, MAX_NEIGHBOOR), jnp.float32),
            jax.ShapeDtypeStruct((n, MAX_NEIGHBOOR), jnp.int32),
        ),
        interpret=interpret,
    )(points, points.T)




def _sin_embed(x, d=HIDDEN):
    div = jnp.exp(jnp.arange(0, d, 2, dtype=jnp.float32) * (-np.log(10000.0) / d))
    om = x[..., None] * div
    e = jnp.stack([jnp.sin(om), jnp.cos(om)], axis=-1)
    return e.reshape(x.shape + (d,))


def _sin_embed_mm(x, w, b, d=HIDDEN):
    div = jnp.exp(jnp.arange(0, d, 2, dtype=jnp.float32) * (-np.log(10000.0) / d))
    om = x[..., None] * div
    return jnp.sin(om) @ w[0::2] + jnp.cos(om) @ w[1::2] + b



_N = 1024
_K = MAX_NEIGHBOOR
_NW = 32
_CPW = _N // _NW


def _geo_sc_body(edgeT_hbm, idxT_hbm, out_hbm, edge_v, idx_v, a_v, b_v, chg_v,
                 sem):
    wid = lax.axis_index("s") * 2 + lax.axis_index("c")
    pltpu.sync_copy(edgeT_hbm, edge_v)
    pltpu.sync_copy(idxT_hbm, idx_v)
    lanes = jax.lax.iota(jnp.int32, 16)
    inf16 = jnp.full((16,), jnp.inf, jnp.float32)

    def init_g(g, _):
        rows = lanes + g * 16
        for c in range(_CPW):
            a_v[pl.ds(c * _N + g * 16, 16)] = jnp.where(
                rows == wid * _CPW + c, 0.0, inf16)
        return 0
    lax.fori_loop(0, _N // 16, init_g, 0)

    def relax(s_ref, d_ref, tracked):
        def g_body(g, chg):
            i0 = g * 16
            nv = [idx_v[k, pl.ds(i0, 16)] for k in range(_K)]
            ev = [edge_v[k, pl.ds(i0, 16)] for k in range(_K)]

            def c_body(cc, chg):
                base = cc * _N
                bvec = jnp.full((16,), base, jnp.int32)
                cand = [
                    ev[k] + plsc.load_gather(s_ref, [nv[k] + bvec])
                    for k in range(_K)
                ]
                while len(cand) > 1:
                    cand = [jnp.minimum(cand[2 * i], cand[2 * i + 1])
                            for i in range(len(cand) // 2)]
                old = s_ref[pl.ds(base + i0, 16)]
                acc = jnp.minimum(old, cand[0])
                d_ref[pl.ds(base + i0, 16)] = acc
                if tracked:
                    chg = jnp.where(acc != old, jnp.int32(1), chg)
                return chg

            return lax.fori_loop(0, _CPW, c_body, chg)

        return lax.fori_loop(0, _N // 16, g_body,
                             jnp.zeros((16,), jnp.int32))

    chg_v[...] = jnp.ones((16,), jnp.int32)

    def pair_body(t, conv):
        @pl.when(conv > 0)
        def _():
            relax(a_v, b_v, False)
            chg_v[...] = relax(b_v, a_v, True)

        return jnp.max(chg_v[...])

    lax.fori_loop(0, 16, pair_body, jnp.int32(1))
    pltpu.sync_copy(a_v, out_hbm.at[pl.ds(wid * _CPW * _N, _CPW * _N)])


def _geodesic_sc(edge_d, nki, interpret=False):
    mesh = plsc.VectorSubcoreMesh(core_axis_name="c", subcore_axis_name="s")
    kern = pl.kernel(
        _geo_sc_body,
        out_type=jax.ShapeDtypeStruct((_N * _N,), jnp.float32),
        mesh=mesh,
        compiler_params=pltpu.CompilerParams(
            needs_layout_passes=False, use_tc_tiling_on_sc=False),
        scratch_types=[
            pltpu.VMEM((_K, _N), jnp.float32),
            pltpu.VMEM((_K, _N), jnp.int32),
            pltpu.VMEM((_CPW * _N,), jnp.float32),
            pltpu.VMEM((_CPW * _N,), jnp.float32),
            pltpu.VMEM((16,), jnp.int32),
            pltpu.SemaphoreType.DMA,
        ],
        interpret=interpret,
    )
    return kern(edge_d.T, nki.T).reshape(_N, _N)


def _geodesic(nkd, nki, max_step=32):
    n = nkd.shape[0]
    edge_d = jnp.where(nkd <= GEODESIC_RADIS, nkd, jnp.inf)
    geoT = _geodesic_sc(edge_d, nki)
    return jnp.where(jnp.isinf(geoT), -1.0, geoT)


def _ln(x, g, b):
    mu = x.mean(-1, keepdims=True)
    v = ((x - mu) ** 2).mean(-1, keepdims=True)
    return (x - mu) / jnp.sqrt(v + 1e-5) * g + b


def _geom_embed(points, nkd, nki, oh, p, geodesic):
    masks = None
    hi = jax.lax.Precision.HIGHEST
    nkp = jnp.einsum('nkj,jc->nkc', oh, points, precision=hi)
    rde_idx = nkd / BIN_SIZE_D
    knn_pts = nkp[:, 1 : 1 + ANGLE_K, :]
    rv = (knn_pts - points[:, None, :]).reshape(-1, ANGLE_K * 3)
    anc_vec = nkp[:, None, :, :] - points[:, None, None, :]
    ref_vec = jnp.einsum('nkj,jc->nkc', oh, rv, precision=hi)
    ref_vec = ref_vec.reshape(-1, MAX_NEIGHBOOR, ANGLE_K, 3)[:, None]
    anc_vec = jnp.broadcast_to(anc_vec[:, :, :, None, :], ref_vec.shape)
    sinv = jnp.linalg.norm(jnp.cross(ref_vec, anc_vec), axis=-1)
    cosv = jnp.sum(ref_vec * anc_vec, axis=-1)
    rae_idx = jnp.arctan2(sinv, cosv) * BIN_FACTOR_A
    rde = _sin_embed_mm(rde_idx[:, None], p['rde_w'], p['rde_b'])
    rae = _sin_embed_mm(rae_idx, p['rae_w'], p['rae_b'])
    rae = rae.max(axis=3)
    rge = rde + rae
    if geodesic:
        geoW = _geodesic(nkd, nki)
        mctx = geoW.max(axis=0)
        mval = mctx.max()
        mctx = jnp.where(mctx < 0, mval, mctx)
        gd0 = jnp.take_along_axis(geoW, nki.T, axis=0).T
        gd = jnp.where(gd0 < 0, mctx[:, None], gd0) / BIN_SIZE_GEO
        rdi = _sin_embed_mm(gd[:, None], p['rdi_w'], p['rdi_b']) + rde
        return rge, rdi, masks
    return rge, masks


def _self_block(x, emb, knn_oh, p, i):
    n, d = x.shape
    h = NUM_HEAD
    dh = d // h
    q = x @ p['sa_wq'][i]
    k = x @ p['sa_wk'][i]
    v = x @ p['sa_wv'][i]
    pe = emb[:, 0] @ p['sa_wp'][i]
    kn = jnp.einsum('nkj,jd->nkd', knn_oh, k,
                    precision=jax.lax.Precision.HIGHEST) + pe
    vn = jnp.einsum('nkj,jd->nkd', knn_oh, v,
                    precision=jax.lax.Precision.HIGHEST)
    qh = q.reshape(n, h, dh)
    knh = kn.reshape(n, -1, h, dh)
    vnh = vn.reshape(n, -1, h, dh)
    att = jax.nn.softmax(jnp.einsum('nhd,nkhd->nhk', qh, knh) / np.sqrt(dh), axis=-1)
    o = jnp.einsum('nhk,nkhd->nhd', att, vnh).reshape(n, d) @ p['sa_wo'][i]
    x = _ln(x + o, p['sa_n1g'][i], p['sa_n1b'][i])
    hdn = jax.nn.relu(x @ p['sa_w1'][i] + p['sa_b1'][i]) @ p['sa_w2'][i] + p['sa_b2'][i]
    return _ln(x + hdn, p['sa_n2g'][i], p['sa_n2b'][i])


def _cross_block(x, y, p, i):
    n, d = x.shape
    h = NUM_HEAD
    dh = d // h
    q = (x @ p['ca_wq'][i]).reshape(n, h, dh)
    k = (y @ p['ca_wk'][i]).reshape(-1, h, dh)
    v = (y @ p['ca_wv'][i]).reshape(-1, h, dh)
    att = jax.nn.softmax(jnp.einsum('nhd,mhd->hnm', q, k) / np.sqrt(dh), axis=-1)
    o = jnp.einsum('hnm,mhd->nhd', att, v).reshape(n, d) @ p['ca_wo'][i]
    x = _ln(x + o, p['ca_n1g'][i], p['ca_n1b'][i])
    hdn = jax.nn.relu(x @ p['ca_w1'][i] + p['ca_b1'][i]) @ p['ca_w2'][i] + p['ca_b2'][i]
    return _ln(x + hdn, p['ca_n2g'][i], p['ca_n2b'][i])


def kernel(ref_points, src_points, ref_feats, src_feats, Radis, params):
    nkd_r, nki_r = _knn(ref_points)
    nkd_s, nki_s = _knn(src_points)
    oh_r = (nki_r[:, :, None] == jnp.arange(ref_points.shape[0])).astype(jnp.float32)
    oh_s = (nki_s[:, :, None] == jnp.arange(src_points.shape[0])).astype(jnp.float32)
    rge_r, cpe, _ = _geom_embed(ref_points, nkd_r, nki_r, oh_r, params, True)
    rge_s, _ = _geom_embed(src_points, nkd_s, nki_s, oh_s, params, False)
    rf = ref_feats @ params['in_w'] + params['in_b']
    sf = src_feats @ params['in_w'] + params['in_b']
    cpe_pool = cpe[:, 0].max(axis=1)
    masks_list = []
    for i in range(BLOCKS):
        rf = _self_block(rf, rge_r, oh_r, params, i)
        sf = _self_block(sf, rge_s, oh_s, params, i)
        rf2 = _cross_block(rf + cpe_pool, sf, params, i)
        sf2 = _cross_block(sf, rf, params, i)
        rf, sf = rf2, sf2
        m = jax.nn.sigmoid((rf @ params['mask_w'][i]) @ sf.T / np.sqrt(HIDDEN))
        masks_list.append(m)
    rf = rf @ params['out_w'] + params['out_b']
    sf = sf @ params['out_w'] + params['out_b']
    return rf, sf, nki_r, nki_s, tuple(masks_list)

# --- scband reference (transcript-rebuilt; emitter-appended) ---
"""Pipeline reference for scband-instance-aware-geo-transformer-35064113005037 (READ-ONLY COPY).

The authoritative reference and input builder live on the scoring server;
editing this copy changes nothing except your own understanding.
"""

import jax, jax.numpy as jnp
import numpy as np

HIDDEN = 256
NUM_HEAD = 4
BLOCKS = 3
INPUT_DIM = 1024
OUTPUT_DIM = 256
BIN_SIZE_D = 0.2
BIN_SIZE_A = 15.0
ANGLE_K = 3
MAX_NEIGHBOOR = 16
GEODESIC_RADIS = 0.5
BIN_FACTOR_A = 180.0 / (BIN_SIZE_A * np.pi)
BIN_SIZE_GEO = BIN_SIZE_D / 2.0


def sin_embed(x, d=HIDDEN):
    div = jnp.exp(jnp.arange(0, d, 2, dtype=jnp.float32) * (-np.log(10000.0) / d))
    om = x[..., None] * div
    e = jnp.stack([jnp.sin(om), jnp.cos(om)], axis=-1)
    return e.reshape(x.shape + (d,))


def get_knn_indices(q, s, k):
    d2 = jnp.sum((q[:, None, :] - s[None, :, :]) ** 2, axis=-1)
    dist = jnp.sqrt(jnp.maximum(d2, 1e-12))
    neg, idx = jax.lax.top_k(-dist, k)
    return -neg, idx


def cal_geodesic_vectorize(q_points, s_points, max_step, neighbor, radius):
    N = s_points.shape[0]
    dist, idx = get_knn_indices(s_points, s_points, neighbor)
    edge_d = jnp.where(dist <= radius, dist, jnp.inf)
    geo0 = jnp.full((N, N), jnp.inf, dtype=jnp.float32)
    geo0 = geo0.at[jnp.arange(N), jnp.arange(N)].set(0.0)
    def body(_, geo):
        cand = edge_d[:, :, None] + geo[idx]
        return jnp.minimum(geo, jnp.min(cand, axis=1))
    geo = jax.lax.fori_loop(0, max_step, body, geo0)
    return jnp.where(jnp.isinf(geo), -1.0, geo)


def ln(x, g, b):
    mu = x.mean(-1, keepdims=True)
    v = ((x - mu) ** 2).mean(-1, keepdims=True)
    return (x - mu) / jnp.sqrt(v + 1e-5) * g + b


def geom_embed(points, Radis, p, geodesic):
    K = MAX_NEIGHBOOR
    nkd, nki = get_knn_indices(points, points, K)
    masks = nkd > Radis * 0.5
    nkp = points[nki]
    rde_idx = jax.lax.stop_gradient(nkd / BIN_SIZE_D)
    knn_pts = nkp[:, 1:1 + ANGLE_K, :]
    ref_vec = knn_pts - points[:, None, :]
    anc_vec = nkp[:, None, :, :] - points[:, None, None, :]
    ref_vec = ref_vec[nki][:, None]
    anc_vec = jnp.broadcast_to(anc_vec[:, :, :, None, :], ref_vec.shape)
    sinv = jnp.linalg.norm(jnp.cross(ref_vec, anc_vec), axis=-1)
    cosv = jnp.sum(ref_vec * anc_vec, axis=-1)
    rae_idx = jax.lax.stop_gradient(jnp.arctan2(sinv, cosv) * BIN_FACTOR_A)
    rde = sin_embed(rde_idx[:, None]) @ p['rde_w'] + p['rde_b']
    rae = sin_embed(rae_idx) @ p['rae_w'] + p['rae_b']
    rae = rae.max(axis=3)
    rge = rde + rae
    if geodesic:
        N = points.shape[0]
        nb = min(K, N)
        geo = cal_geodesic_vectorize(points, points, 32, nb, GEODESIC_RADIS)
        mctx = geo.max(axis=1)
        mval = mctx.max()
        mctx = jnp.where(mctx < 0, mval, mctx)
        geo = jnp.where(geo < 0, mctx[:, None], geo)
        gd = jax.lax.stop_gradient(jnp.take_along_axis(geo, nki, axis=1) / BIN_SIZE_GEO)
        rdi = sin_embed(gd[:, None]) @ p['rdi_w'] + p['rdi_b'] + rde
        return rge, rdi, nki, masks
    return rge, nki, masks


def self_block(x, emb, knn_idx, p, i):
    N, d = x.shape
    H = NUM_HEAD
    dh = d // H
    q = x @ p['sa_wq'][i]
    k = x @ p['sa_wk'][i]
    v = x @ p['sa_wv'][i]
    pe = emb[:, 0] @ p['sa_wp'][i]
    kn = k[knn_idx] + pe
    vn = v[knn_idx]
    qh = q.reshape(N, H, dh)
    knh = kn.reshape(N, -1, H, dh)
    vnh = vn.reshape(N, -1, H, dh)
    att = jax.nn.softmax(jnp.einsum('nhd,nkhd->nhk', qh, knh) / np.sqrt(dh), axis=-1)
    o = jnp.einsum('nhk,nkhd->nhd', att, vnh).reshape(N, d) @ p['sa_wo'][i]
    x = ln(x + o, p['sa_n1g'][i], p['sa_n1b'][i])
    h = jax.nn.relu(x @ p['sa_w1'][i] + p['sa_b1'][i]) @ p['sa_w2'][i] + p['sa_b2'][i]
    return ln(x + h, p['sa_n2g'][i], p['sa_n2b'][i])


def cross_block(x, y, p, i):
    N, d = x.shape
    H = NUM_HEAD
    dh = d // H
    q = (x @ p['ca_wq'][i]).reshape(N, H, dh)
    k = (y @ p['ca_wk'][i]).reshape(-1, H, dh)
    v = (y @ p['ca_wv'][i]).reshape(-1, H, dh)
    att = jax.nn.softmax(jnp.einsum('nhd,mhd->hnm', q, k) / np.sqrt(dh), axis=-1)
    o = jnp.einsum('hnm,mhd->nhd', att, v).reshape(N, d) @ p['ca_wo'][i]
    x = ln(x + o, p['ca_n1g'][i], p['ca_n1b'][i])
    h = jax.nn.relu(x @ p['ca_w1'][i] + p['ca_b1'][i]) @ p['ca_w2'][i] + p['ca_b2'][i]
    return ln(x + h, p['ca_n2g'][i], p['ca_n2b'][i])


def forward_fn(ref_points, src_points, ref_feats, src_feats, Radis, params):
    rge_r, cpe, nki_r, _ = geom_embed(ref_points, Radis, params, True)
    rge_s, nki_s, _ = geom_embed(src_points, Radis, params, False)
    rf = ref_feats @ params['in_w'] + params['in_b']
    sf = src_feats @ params['in_w'] + params['in_b']
    cpe_pool = cpe[:, 0].max(axis=1)
    masks_list = []
    for i in range(BLOCKS):
        rf = self_block(rf, rge_r, nki_r, params, i)
        sf = self_block(sf, rge_s, nki_s, params, i)
        rf2 = cross_block(rf + cpe_pool, sf, params, i)
        sf2 = cross_block(sf, rf, params, i)
        rf, sf = rf2, sf2
        m = jax.nn.sigmoid((rf @ params['mask_w'][i]) @ sf.T / np.sqrt(HIDDEN))
        masks_list.append(m)
    rf = rf @ params['out_w'] + params['out_b']
    sf = sf @ params['out_w'] + params['out_b']
    return rf, sf, nki_r, nki_s, tuple(masks_list)


def setup_inputs(seed: int = 0):
    key = jax.random.key(seed)
    kit = iter(jax.random.split(key, 64))
    N = 1024
    M = 1024
    d = HIDDEN
    B = BLOCKS
    ff = 2 * d
    def w(shape):
        return jax.random.normal(next(kit), shape, dtype=jnp.float32) * 0.02
    ref_points = jax.random.uniform(next(kit), (N, 3), dtype=jnp.float32)
    src_points = jax.random.uniform(next(kit), (M, 3), dtype=jnp.float32)
    ref_feats = jax.random.normal(next(kit), (N, INPUT_DIM), dtype=jnp.float32)
    src_feats = jax.random.normal(next(kit), (M, INPUT_DIM), dtype=jnp.float32)
    params = {
        'in_w': w((INPUT_DIM, d)), 'in_b': jnp.zeros((d,), jnp.float32),
        'rde_w': w((d, d)), 'rde_b': jnp.zeros((d,), jnp.float32),
        'rae_w': w((d, d)), 'rae_b': jnp.zeros((d,), jnp.float32),
        'rdi_w': w((d, d)), 'rdi_b': jnp.zeros((d,), jnp.float32),
        'out_w': w((d, OUTPUT_DIM)), 'out_b': jnp.zeros((OUTPUT_DIM,), jnp.float32),
        'sa_wq': w((B, d, d)), 'sa_wk': w((B, d, d)), 'sa_wv': w((B, d, d)),
        'sa_wp': w((B, d, d)), 'sa_wo': w((B, d, d)),
        'sa_n1g': jnp.ones((B, d), jnp.float32), 'sa_n1b': jnp.zeros((B, d), jnp.float32),
        'sa_w1': w((B, d, ff)), 'sa_b1': jnp.zeros((B, ff), jnp.float32),
        'sa_w2': w((B, ff, d)), 'sa_b2': jnp.zeros((B, d), jnp.float32),
        'sa_n2g': jnp.ones((B, d), jnp.float32), 'sa_n2b': jnp.zeros((B, d), jnp.float32),
        'ca_wq': w((B, d, d)), 'ca_wk': w((B, d, d)), 'ca_wv': w((B, d, d)), 'ca_wo': w((B, d, d)),
        'ca_n1g': jnp.ones((B, d), jnp.float32), 'ca_n1b': jnp.zeros((B, d), jnp.float32),
        'ca_w1': w((B, d, ff)), 'ca_b1': jnp.zeros((B, ff), jnp.float32),
        'ca_w2': w((B, ff, d)), 'ca_b2': jnp.zeros((B, d), jnp.float32),
        'ca_n2g': jnp.ones((B, d), jnp.float32), 'ca_n2b': jnp.zeros((B, d), jnp.float32),
        'mask_w': w((B, d, d)),
    }
    return {'ref_points': ref_points, 'src_points': src_points, 'ref_feats': ref_feats,
            'src_feats': src_feats, 'Radis': jnp.float32(0.1), 'params': params}


def reference(ref_points, src_points, ref_feats, src_feats, Radis, params):
    return forward_fn(ref_points, src_points, ref_feats, src_feats, Radis, params)

if __name__ == "__main__":
    import jax
    _d = setup_inputs()
    print(jax.jit(kernel)(*tuple(_d.values())))

</pallas_src>

<mosaic_0001>
#map = affine_map<(d0, d1) -> (0, 0)>
#map1 = affine_map<(d0, d1) -> (0)>
module attributes {stable_mosaic.version = 14 : i64} {
  func.func @_geo_sc_body(%arg0: i32, %arg1: i32, %arg2: memref<16x1024xf32, #tpu.memory_space<hbm>>, %arg3: memref<16x1024xi32, #tpu.memory_space<hbm>>, %arg4: memref<1048576xf32, #tpu.memory_space<hbm>>, %arg5: memref<16x1024xf32, #tpu.memory_space<vmem>>, %arg6: memref<16x1024xi32, #tpu.memory_space<vmem>>, %arg7: memref<32768xf32, #tpu.memory_space<vmem>>, %arg8: memref<32768xf32, #tpu.memory_space<vmem>>, %arg9: memref<16xi32, #tpu.memory_space<vmem>>, %arg10: memref<!tpu.dma_semaphore, #tpu.memory_space<semaphore_mem>>) attributes {dimension_semantics = [#tpu.dimension_semantics<core_parallel>, #tpu.dimension_semantics<subcore_parallel>], iteration_bounds = array<i64: 2, 16>, scalar_prefetch = 0 : i64, scratch_operands = 6 : i64, tpu.core_type = #tpu.core_type<sc_vector_subcore>, window_params = [{transform_indices = #map}, {transform_indices = #map}, {transform_indices = #map1}]} {
    %mul3A = arith.constant 2 : i32
    %mul3A_0 = arith.muli %arg1, %mul3A : i32
    %add3A = arith.addi %mul3A_0, %arg0 : i32
    "tpu.region"() ({
      %run_scoped3A = tpu.sem_alloc : memref<!tpu.dma_semaphore, #tpu.memory_space<semaphore_mem>>
      tpu.enqueue_dma source(%arg2 : memref<16x1024xf32, #tpu.memory_space<hbm>>) target(%arg5 : memref<16x1024xf32, #tpu.memory_space<vmem>>) target_semaphore(%run_scoped3A : memref<!tpu.dma_semaphore, #tpu.memory_space<semaphore_mem>>)
      tpu.wait_dma2 semaphore(%run_scoped3A : memref<!tpu.dma_semaphore, #tpu.memory_space<semaphore_mem>>) src(%arg2 : memref<16x1024xf32, #tpu.memory_space<hbm>>) dst(%arg5 : memref<16x1024xf32, #tpu.memory_space<vmem>>)
      tpu.yield
    }) : () -> ()
    "tpu.region"() ({
      %run_scoped3A = tpu.sem_alloc : memref<!tpu.dma_semaphore, #tpu.memory_space<semaphore_mem>>
      tpu.enqueue_dma source(%arg3 : memref<16x1024xi32, #tpu.memory_space<hbm>>) target(%arg6 : memref<16x1024xi32, #tpu.memory_space<vmem>>) target_semaphore(%run_scoped3A : memref<!tpu.dma_semaphore, #tpu.memory_space<semaphore_mem>>)
      tpu.wait_dma2 semaphore(%run_scoped3A : memref<!tpu.dma_semaphore, #tpu.memory_space<semaphore_mem>>) src(%arg3 : memref<16x1024xi32, #tpu.memory_space<hbm>>) dst(%arg6 : memref<16x1024xi32, #tpu.memory_space<vmem>>)
      tpu.yield
    }) : () -> ()
    %iota3A = tpu.iota {dimensions = array<i32: 0>} : vector<16xi32>
    %broadcast_in_dim3A = arith.constant 0x7F800000 : f32
    %broadcast_in_dim3A_1 = vector.broadcast %broadcast_in_dim3A : f32 to vector<16xf32>
    %scan3A = arith.constant 0 : i32
    %scan3A_2 = arith.constant 0 : i32
    %scan3A_3 = arith.constant 64 : i32
    %scan3A_4 = arith.addi %scan3A_2, %scan3A_3 : i32
    %scan3A_5 = arith.constant 1 : i32
    %scan3A_6 = scf.for %scan3A_22 = %scan3A_2 to %scan3A_4 step %scan3A_5 iter_args(%scan3A_23 = %scan3A) -> (i32)  : i32 {
      %mul3A_24 = arith.constant 16 : i32
      %mul3A_25 = arith.muli %scan3A_22, %mul3A_24 : i32
      %add3A_26 = vector.broadcast %mul3A_25 : i32 to vector<16xi32>
      %add3A_27 = arith.addi %iota3A, %add3A_26 : vector<16xi32>
      %mul3A_28 = arith.constant 32 : i32
      %mul3A_29 = arith.muli %add3A, %mul3A_28 : i32
      %add3A_30 = arith.constant 0 : i32
      %add3A_31 = arith.addi %mul3A_29, %add3A_30 : i32
      %eq3A = vector.broadcast %add3A_31 : i32 to vector<16xi32>
      %eq3A_32 = arith.cmpi eq, %add3A_27, %eq3A : vector<16xi32>
      %jit3A = arith.constant 0.000000e+00 : f32
      %broadcast_in_dim3A_33 = vector.broadcast %jit3A : f32 to vector<16xf32>
      %select_n3A = arith.select %eq3A_32, %broadcast_in_dim3A_33, %broadcast_in_dim3A_1 : vector<16xi1>, vector<16xf32>
      %mul3A_34 = arith.constant 16 : i32
      %mul3A_35 = arith.muli %scan3A_22, %mul3A_34 : i32
      %add3A_36 = arith.constant 0 : i32
      %add3A_37 = arith.addi %add3A_36, %mul3A_35 : i32
      %swap3A_38 = arith.index_cast %add3A_37 : i32 to index
      %swap3A_39 = tpu.vector_load %arg7[%swap3A_38] {strides = array<i32>} : memref<32768xf32, #tpu.memory_space<vmem>>, vector<16xf32>,
      tpu.vector_store %arg7[%swap3A_38], %select_n3A {strides = array<i32>} : memref<32768xf32, #tpu.memory_space<vmem>>, vector<16xf32>,
      %mul3A_40 = arith.constant 32 : i32
      %mul3A_41 = arith.muli %add3A, %mul3A_40 : i32
      %add3A_42 = arith.constant 1 : i32
      %add3A_43 = arith.addi %mul3A_41, %add3A_42 : i32
      %eq3A_44 = vector.broadcast %add3A_43 : i32 to vector<16xi32>
      %eq3A_45 = arith.cmpi eq, %add3A_27, %eq3A_44 : vector<16xi32>
      %jit3A_46 = arith.constant 0.000000e+00 : f32
      %broadcast_in_dim3A_47 = vector.broadcast %jit3A_46 : f32 to vector<16xf32>
      %select_n3A_48 = arith.select %eq3A_45, %broadcast_in_dim3A_47, %broadcast_in_dim3A_1 : vector<16xi1>, vector<16xf32>
      %mul3A_49 = arith.constant 16 : i32
      %mul3A_50 = arith.muli %scan3A_22, %mul3A_49 : i32
      %add3A_51 = arith.constant 1024 : i32
      %add3A_52 = arith.addi %add3A_51, %mul3A_50 : i32
      %swap3A_53 = arith.index_cast %add3A_52 : i32 to index
      %swap3A_54 = tpu.vector_load %arg7[%swap3A_53] {strides = array<i32>} : memref<32768xf32, #tpu.memory_space<vmem>>, vector<16xf32>,
      tpu.vector_store %arg7[%swap3A_53], %select_n3A_48 {strides = array<i32>} : memref<32768xf32, #tpu.memory_space<vmem>>, vector<16xf32>,
      %mul3A_55 = arith.constant 32 : i32
      %mul3A_56 = arith.muli %add3A, %mul3A_55 : i32
      %add3A_57 = arith.constant 2 : i32
      %add3A_58 = arith.addi %mul3A_56, %add3A_57 : i32
      %eq3A_59 = vector.broadcast %add3A_58 : i32 to vector<16xi32>
      %eq3A_60 = arith.cmpi eq, %add3A_27, %eq3A_59 : vector<16xi32>
      %jit3A_61 = arith.constant 0.000000e+00 : f32
      %broadcast_in_dim3A_62 = vector.broadcast %jit3A_61 : f32 to vector<16xf32>
      %select_n3A_63 = arith.select %eq3A_60, %broadcast_in_dim3A_62, %broadcast_in_dim3A_1 : vector<16xi1>, vector<16xf32>
      %mul3A_64 = arith.constant 16 : i32
      %mul3A_65 = arith.muli %scan3A_22, %mul3A_64 : i32
      %add3A_66 = arith.constant 2048 : i32
      %add3A_67 = arith.addi %add3A_66, %mul3A_65 : i32
      %swap3A_68 = arith.index_cast %add3A_67 : i32 to index
      %swap3A_69 = tpu.vector_load %arg7[%swap3A_68] {strides = array<i32>} : memref<32768xf32, #tpu.memory_space<vmem>>, vector<16xf32>,
      tpu.vector_store %arg7[%swap3A_68], %select_n3A_63 {strides = array<i32>} : memref<32768xf32, #tpu.memory_space<vmem>>, vector<16xf32>,
      %mul3A_70 = arith.constant 32 : i32
      %mul3A_71 = arith.muli %add3A, %mul3A_70 : i32
      %add3A_72 = arith.constant 3 : i32
      %add3A_73 = arith.addi %mul3A_71, %add3A_72 : i32
      %eq3A_74 = vector.broadcast %add3A_73 : i32 to vector<16xi32>
      %eq3A_75 = arith.cmpi eq, %add3A_27, %eq3A_74 : vector<16xi32>
      %jit3A_76 = arith.constant 0.000000e+00 : f32
      %broadcast_in_dim3A_77 = vector.broadcast %jit3A_76 : f32 to vector<16xf32>
      %select_n3A_78 = arith.select %eq3A_75, %broadcast_in_dim3A_77, %broadcast_in_dim3A_1 : vector<16xi1>, vector<16xf32>
      %mul3A_79 = arith.constant 16 : i32
      %mul3A_80 = arith.muli %scan3A_22, %mul3A_79 : i32
      %add3A_81 = arith.constant 3072 : i32
      %add3A_82 = arith.addi %add3A_81, %mul3A_80 : i32
      %swap3A_83 = arith.index_cast %add3A_82 : i32 to index
      %swap3A_84 = tpu.vector_load %arg7[%swap3A_83] {strides = array<i32>} : memref<32768xf32, #tpu.memory_space<vmem>>, vector<16xf32>,
      tpu.vector_store %arg7[%swap3A_83], %select_n3A_78 {strides = array<i32>} : memref<32768xf32, #tpu.memory_space<vmem>>, vector<16xf32>,
      %mul3A_85 = arith.constant 32 : i32
      %mul3A_86 = arith.muli %add3A, %mul3A_85 : i32
      %add3A_87 = arith.constant 4 : i32
      %add3A_88 = arith.addi %mul3A_86, %add3A_87 : i32
      %eq3A_89 = vector.broadcast %add3A_88 : i32 to vector<16xi32>
      %eq3A_90 = arith.cmpi eq, %add3A_27, %eq3A_89 : vector<16xi32>
      %jit3A_91 = arith.constant 0.000000e+00 : f32
      %broadcast_in_dim3A_92 = vector.broadcast %jit3A_91 : f32 to vector<16xf32>
      %select_n3A_93 = arith.select %eq3A_90, %broadcast_in_dim3A_92, %broadcast_in_dim3A_1 : vector<16xi1>, vector<16xf32>
      %mul3A_94 = arith.constant 16 : i32
      %mul3A_95 = arith.muli %scan3A_22, %mul3A_94 : i32
      %add3A_96 = arith.constant 4096 : i32
      %add3A_97 = arith.addi %add3A_96, %mul3A_95 : i32
      %swap3A_98 = arith.index_cast %add3A_97 : i32 to index
      %swap3A_99 = tpu.vector_load %arg7[%swap3A_98] {strides = array<i32>} : memref<32768xf32, #tpu.memory_space<vmem>>, vector<16xf32>,
      tpu.vector_store %arg7[%swap3A_98], %select_n3A_93 {strides = array<i32>} : memref<32768xf32, #tpu.memory_space<vmem>>, vector<16xf32>,
      %mul3A_100 = arith.constant 32 : i32
      %mul3A_101 = arith.muli %add3A, %mul3A_100 : i32
      %add3A_102 = arith.constant 5 : i32
      %add3A_103 = arith.addi %mul3A_101, %add3A_102 : i32
      %eq3A_104 = vector.broadcast %add3A_103 : i32 to vector<16xi32>
      %eq3A_105 = arith.cmpi eq, %add3A_27, %eq3A_104 : vector<16xi32>
      %jit3A_106 = arith.constant 0.000000e+00 : f32
      %broadcast_in_dim3A_107 = vector.broadcast %jit3A_106 : f32 to vector<16xf32>
      %select_n3A_108 = arith.select %eq3A_105, %broadcast_in_dim3A_107, %broadcast_in_dim3A_1 : vector<16xi1>, vector<16xf32>
      %mul3A_109 = arith.constant 16 : i32
      %mul3A_110 = arith.muli %scan3A_22, %mul3A_109 : i32
      %add3A_111 = arith.constant 5120 : i32
      %add3A_112 = arith.addi %add3A_111, %mul3A_110 : i32
      %swap3A_113 = arith.index_cast %add3A_112 : i32 to index
      %swap3A_114 = tpu.vector_load %arg7[%swap3A_113] {strides = array<i32>} : memref<32768xf32, #tpu.memory_space<vmem>>, vector<16xf32>,
      tpu.vector_store %arg7[%swap3A_113], %select_n3A_108 {strides = array<i32>} : memref<32768xf32, #tpu.memory_space<vmem>>, vector<16xf32>,
      %mul3A_115 = arith.constant 32 : i32
      %mul3A_116 = arith.muli %add3A, %mul3A_115 : i32
      %add3A_117 = arith.constant 6 : i32
      %add3A_118 = arith.addi %mul3A_116, %add3A_117 : i32
      %eq3A_119 = vector.broadcast %add3A_118 : i32 to vector<16xi32>
      %eq3A_120 = arith.cmpi eq, %add3A_27, %eq3A_119 : vector<16xi32>
      %jit3A_121 = arith.constant 0.000000e+00 : f32
      %broadcast_in_dim3A_122 = vector.broadcast %jit3A_121 : f32 to vector<16xf32>
      %select_n3A_123 = arith.select %eq3A_120, %broadcast_in_dim3A_122, %broadcast_in_dim3A_1 : vector<16xi1>, vector<16xf32>
      %mul3A_124 = arith.constant 16 : i32
      %mul3A_125 = arith.muli %scan3A_22, %mul3A_124 : i32
      %add3A_126 = arith.constant 6144 : i32
      %add3A_127 = arith.addi %add3A_126, %mul3A_125 : i32
      %swap3A_128 = arith.index_cast %add3A_127 : i32 to index
      %swap3A_129 = tpu.vector_load %arg7[%swap3A_128] {strides = array<i32>} : memref<32768xf32, #tpu.memory_space<vmem>>, vector<16xf32>,
      tpu.vector_store %arg7[%swap3A_128], %select_n3A_123 {strides = array<i32>} : memref<32768xf32, #tpu.memory_space<vmem>>, vector<16xf32>,
      %mul3A_130 = arith.constant 32 : i32
      %mul3A_131 = arith.muli %add3A, %mul3A_130 : i32
      %add3A_132 = arith.constant 7 : i32
      %add3A_133 = arith.addi %mul3A_131, %add3A_132 : i32
      %eq3A_134 = vector.broadcast %add3A_133 : i32 to vector<16xi32>
      %eq3A_135 = arith.cmpi eq, %add3A_27, %eq3A_134 : vector<16xi32>
      %jit3A_136 = arith.constant 0.000000e+00 : f32
      %broadcast_in_dim3A_137 = vector.broadcast %jit3A_136 : f32 to vector<16xf32>
      %select_n3A_138 = arith.select %eq3A_135, %broadcast_in_dim3A_137, %broadcast_in_dim3A_1 : vector<16xi1>, vector<16xf32>
      %mul3A_139 = arith.constant 16 : i32
      %mul3A_140 = arith.muli %scan3A_22, %mul3A_139 : i32
      %add3A_141 = arith.constant 7168 : i32
      %add3A_142 = arith.addi %add3A_141, %mul3A_140 : i32
      %swap3A_143 = arith.index_cast %add3A_142 : i32 to index
      %swap3A_144 = tpu.vector_load %arg7[%swap3A_143] {strides = array<i32>} : memref<32768xf32, #tpu.memory_space<vmem>>, vector<16xf32>,
      tpu.vector_store %arg7[%swap3A_143], %select_n3A_138 {strides = array<i32>} : memref<32768xf32, #tpu.memory_space<vmem>>, vector<16xf32>,
      %mul3A_145 = arith.constant 32 : i32
      %mul3A_146 = arith.muli %add3A, %mul3A_145 : i32
      %add3A_147 = arith.constant 8 : i32
      %add3A_148 = arith.addi %mul3A_146, %add3A_147 : i32
      %eq3A_149 = vector.broadcast %add3A_148 : i32 to vector<16xi32>
      %eq3A_150 = arith.cmpi eq, %add3A_27, %eq3A_149 : vector<16xi32>
      %jit3A_151 = arith.constant 0.000000e+00 : f32
      %broadcast_in_dim3A_152 = vector.broadcast %jit3A_151 : f32 to vector<16xf32>
      %select_n3A_153 = arith.select %eq3A_150, %broadcast_in_dim3A_152, %broadcast_in_dim3A_1 : vector<16xi1>, vector<16xf32>
      %mul3A_154 = arith.constant 16 : i32
      %mul3A_155 = arith.muli %scan3A_22, %mul3A_154 : i32
      %add3A_156 = arith.constant 8192 : i32
      %add3A_157 = arith.addi %add3A_156, %mul3A_155 : i32
      %swap3A_158 = arith.index_cast %add3A_157 : i32 to index
      %swap3A_159 = tpu.vector_load %arg7[%swap3A_158] {strides = array<i32>} : memref<32768xf32, #tpu.memory_space<vmem>>, vector<16xf32>,
      tpu.vector_store %arg7[%swap3A_158], %select_n3A_153 {strides = array<i32>} : memref<32768xf32, #tpu.memory_space<vmem>>, vector<16xf32>,
      %mul3A_160 = arith.constant 32 : i32
      %mul3A_161 = arith.muli %add3A, %mul3A_160 : i32
      %add3A_162 = arith.constant 9 : i32
      %add3A_163 = arith.addi %mul3A_161, %add3A_162 : i32
      %eq3A_164 = vector.broadcast %add3A_163 : i32 to vector<16xi32>
      %eq3A_165 = arith.cmpi eq, %add3A_27, %eq3A_164 : vector<16xi32>
      %jit3A_166 = arith.constant 0.000000e+00 : f32
      %broadcast_in_dim3A_167 = vector.broadcast %jit3A_166 : f32 to vector<16xf32>
      %select_n3A_168 = arith.select %eq3A_165, %broadcast_in_dim3A_167, %broadcast_in_dim3A_1 : vector<16xi1>, vector<16xf32>
      %mul3A_169 = arith.constant 16 : i32
      %mul3A_170 = arith.muli %scan3A_22, %mul3A_169 : i32
      %add3A_171 = arith.constant 9216 : i32
      %add3A_172 = arith.addi %add3A_171, %mul3A_170 : i32
      %swap3A_173 = arith.index_cast %add3A_172 : i32 to index
      %swap3A_174 = tpu.vector_load %arg7[%swap3A_173] {strides = array<i32>} : memref<32768xf32, #tpu.memory_space<vmem>>, vector<16xf32>,
      tpu.vector_store %arg7[%swap3A_173], %select_n3A_168 {strides = array<i32>} : memref<32768xf32, #tpu.memory_space<vmem>>, vector<16xf32>,
      %mul3A_175 = arith.constant 32 : i32
      %mul3A_176 = arith.muli %add3A, %mul3A_175 : i32
      %add3A_177 = arith.constant 10 : i32
      %add3A_178 = arith.addi %mul3A_176, %add3A_177 : i32
      %eq3A_179 = vector.broadcast %add3A_178 : i32 to vector<16xi32>
      %eq3A_180 = arith.cmpi eq, %add3A_27, %eq3A_179 : vector<16xi32>
      %jit3A_181 = arith.constant 0.000000e+00 : f32
      %broadcast_in_dim3A_182 = vector.broadcast %jit3A_181 : f32 to vector<16xf32>
      %select_n3A_183 = arith.select %eq3A_180, %broadcast_in_dim3A_182, %broadcast_in_dim3A_1 : vector<16xi1>, vector<16xf32>
      %mul3A_184 = arith.constant 16 : i32
      %mul3A_185 = arith.muli %scan3A_22, %mul3A_184 : i32
      %add3A_186 = arith.constant 10240 : i32
      %add3A_187 = arith.addi %add3A_186, %mul3A_185 : i32
      %swap3A_188 = arith.index_cast %add3A_187 : i32 to index
      %swap3A_189 = tpu.vector_load %arg7[%swap3A_188] {strides = array<i32>} : memref<32768xf32, #tpu.memory_space<vmem>>, vector<16xf32>,
      tpu.vector_store %arg7[%swap3A_188], %select_n3A_183 {strides = array<i32>} : memref<32768xf32, #tpu.memory_space<vmem>>, vector<16xf32>,
      %mul3A_190 = arith.constant 32 : i32
      %mul3A_191 = arith.muli %add3A, %mul3A_190 : i32
      %add3A_192 = arith.constant 11 : i32
      %add3A_193 = arith.addi %mul3A_191, %add3A_192 : i32
      %eq3A_194 = vector.broadcast %add3A_193 : i32 to vector<16xi32>
      %eq3A_195 = arith.cmpi eq, %add3A_27, %eq3A_194 : vector<16xi32>
      %jit3A_196 = arith.constant 0.000000e+00 : f32
      %broadcast_in_dim3A_197 = vector.broadcast %jit3A_196 : f32 to vector<16xf32>
      %select_n3A_198 = arith.select %eq3A_195, %broadcast_in_dim3A_197, %broadcast_in_dim3A_1 : vector<16xi1>, vector<16xf32>
      %mul3A_199 = arith.constant 16 : i32
      %mul3A_200 = arith.muli %scan3A_22, %mul3A_199 : i32
      %add3A_201 = arith.constant 11264 : i32
      %add3A_202 = arith.addi %add3A_201, %mul3A_200 : i32
      %swap3A_203 = arith.index_cast %add3A_202 : i32 to index
      %swap3A_204 = tpu.vector_load %arg7[%swap3A_203] {strides = array<i32>} : memref<32768xf32, #tpu.memory_space<vmem>>, vector<16xf32>,
      tpu.vector_store %arg7[%swap3A_203], %select_n3A_198 {strides = array<i32>} : memref<32768xf32, #tpu.memory_space<vmem>>, vector<16xf32>,
      %mul3A_205 = arith.constant 32 : i32
      %mul3A_206 = arith.muli %add3A, %mul3A_205 : i32
      %add3A_207 = arith.constant 12 : i32
      %add3A_208 = arith.addi %mul3A_206, %add3A_207 : i32
      %eq3A_209 = vector.broadcast %add3A_208 : i32 to vector<16xi32>
      %eq3A_210 = arith.cmpi eq, %add3A_27, %eq3A_209 : vector<16xi32>
      %jit3A_211 = arith.constant 0.000000e+00 : f32
      %broadcast_in_dim3A_212 = vector.broadcast %jit3A_211 : f32 to vector<16xf32>
      %select_n3A_213 = arith.select %eq3A_210, %broadcast_in_dim3A_212, %broadcast_in_dim3A_1 : vector<16xi1>, vector<16xf32>
      %mul3A_214 = arith.constant 16 : i32
      %mul3A_215 = arith.muli %scan3A_22, %mul3A_214 : i32
      %add3A_216 = arith.constant 12288 : i32
      %add3A_217 = arith.addi %add3A_216, %mul3A_215 : i32
      %swap3A_218 = arith.index_cast %add3A_217 : i32 to index
      %swap3A_219 = tpu.vector_load %arg7[%swap3A_218] {strides = array<i32>} : memref<32768xf32, #tpu.memory_space<vmem>>, vector<16xf32>,
      tpu.vector_store %arg7[%swap3A_218], %select_n3A_213 {strides = array<i32>} : memref<32768xf32, #tpu.memory_space<vmem>>, vector<16xf32>,
      %mul3A_220 = arith.constant 32 : i32
      %mul3A_221 = arith.muli %add3A, %mul3A_220 : i32
      %add3A_222 = arith.constant 13 : i32
      %add3A_223 = arith.addi %mul3A_221, %add3A_222 : i32
      %eq3A_224 = vector.broadcast %add3A_223 : i32 to vector<16xi32>
      %eq3A_225 = arith.cmpi eq, %add3A_27, %eq3A_224 : vector<16xi32>
      %jit3A_226 = arith.constant 0.000000e+00 : f32
      %broadcast_in_dim3A_227 = vector.broadcast %jit3A_226 : f32 to vector<16xf32>
      %select_n3A_228 = arith.select %eq3A_225, %broadcast_in_dim3A_227, %broadcast_in_dim3A_1 : vector<16xi1>, vector<16xf32>
      %mul3A_229 = arith.constant 16 : i32
      %mul3A_230 = arith.muli %scan3A_22, %mul3A_229 : i32
      %add3A_231 = arith.constant 13312 : i32
      %add3A_232 = arith.addi %add3A_231, %mul3A_230 : i32
      %swap3A_233 = arith.index_cast %add3A_232 : i32 to index
      %swap3A_234 = tpu.vector_load %arg7[%swap3A_233] {strides = array<i32>} : memref<32768xf32, #tpu.memory_space<vmem>>, vector<16xf32>,
      tpu.vector_store %arg7[%swap3A_233], %select_n3A_228 {strides = array<i32>} : memref<32768xf32, #tpu.memory_space<vmem>>, vector<16xf32>,
      %mul3A_235 = arith.constant 32 : i32
      %mul3A_236 = arith.muli %add3A, %mul3A_235 : i32
      %add3A_237 = arith.constant 14 : i32
      %add3A_238 = arith.addi %mul3A_236, %add3A_237 : i32
      %eq3A_239 = vector.broadcast %add3A_238 : i32 to vector<16xi32>
      %eq3A_240 = arith.cmpi eq, %add3A_27, %eq3A_239 : vector<16xi32>
      %jit3A_241 = arith.constant 0.000000e+00 : f32
      %broadcast_in_dim3A_242 = vector.broadcast %jit3A_241 : f32 to vector<16xf32>
      %select_n3A_243 = arith.select %eq3A_240, %broadcast_in_dim3A_242, %broadcast_in_dim3A_1 : vector<16xi1>, vector<16xf32>
      %mul3A_244 = arith.constant 16 : i32
      %mul3A_245 = arith.muli %scan3A_22, %mul3A_244 : i32
      %add3A_246 = arith.constant 14336 : i32
      %add3A_247 = arith.addi %add3A_246, %mul3A_245 : i32
      %swap3A_248 = arith.index_cast %add3A_247 : i32 to index
      %swap3A_249 = tpu.vector_load %arg7[%swap3A_248] {strides = array<i32>} : memref<32768xf32, #tpu.memory_space<vmem>>, vector<16xf32>,
      tpu.vector_store %arg7[%swap3A_248], %select_n3A_243 {strides = array<i32>} : memref<32768xf32, #tpu.memory_space<vmem>>, vector<16xf32>,
      %mul3A_250 = arith.constant 32 : i32
      %mul3A_251 = arith.muli %add3A, %mul3A_250 : i32
      %add3A_252 = arith.constant 15 : i32
      %add3A_253 = arith.addi %mul3A_251, %add3A_252 : i32
      %eq3A_254 = vector.broadcast %add3A_253 : i32 to vector<16xi32>
      %eq3A_255 = arith.cmpi eq, %add3A_27, %eq3A_254 : vector<16xi32>
      %jit3A_256 = arith.constant 0.000000e+00 : f32
      %broadcast_in_dim3A_257 = vector.broadcast %jit3A_256 : f32 to vector<16xf32>
      %select_n3A_258 = arith.select %eq3A_255, %broadcast_in_dim3A_257, %broadcast_in_dim3A_1 : vector<16xi1>, vector<16xf32>
      %mul3A_259 = arith.constant 16 : i32
      %mul3A_260 = arith.muli %scan3A_22, %mul3A_259 : i32
      %add3A_261 = arith.constant 15360 : i32
      %add3A_262 = arith.addi %add3A_261, %mul3A_260 : i32
      %swap3A_263 = arith.index_cast %add3A_262 : i32 to index
      %swap3A_264 = tpu.vector_load %arg7[%swap3A_263] {strides = array<i32>} : memref<32768xf32, #tpu.memory_space<vmem>>, vector<16xf32>,
      tpu.vector_store %arg7[%swap3A_263], %select_n3A_258 {strides = array<i32>} : memref<32768xf32, #tpu.memory_space<vmem>>, vector<16xf32>,
      %mul3A_265 = arith.constant 32 : i32
      %mul3A_266 = arith.muli %add3A, %mul3A_265 : i32
      %add3A_267 = arith.constant 16 : i32
      %add3A_268 = arith.addi %mul3A_266, %add3A_267 : i32
      %eq3A_269 = vector.broadcast %add3A_268 : i32 to vector<16xi32>
      %eq3A_270 = arith.cmpi eq, %add3A_27, %eq3A_269 : vector<16xi32>
      %jit3A_271 = arith.constant 0.000000e+00 : f32
      %broadcast_in_dim3A_272 = vector.broadcast %jit3A_271 : f32 to vector<16xf32>
      %select_n3A_273 = arith.select %eq3A_270, %broadcast_in_dim3A_272, %broadcast_in_dim3A_1 : vector<16xi1>, vector<16xf32>
      %mul3A_274 = arith.constant 16 : i32
      %mul3A_275 = arith.muli %scan3A_22, %mul3A_274 : i32
      %add3A_276 = arith.constant 16384 : i32
      %add3A_277 = arith.addi %add3A_276, %mul3A_275 : i32
      %swap3A_278 = arith.index_cast %add3A_277 : i32 to index
      %swap3A_279 = tpu.vector_load %arg7[%swap3A_278] {strides = array<i32>} : memref<32768xf32, #tpu.memory_space<vmem>>, vector<16xf32>,
      tpu.vector_store %arg7[%swap3A_278], %select_n3A_273 {strides = array<i32>} : memref<32768xf32, #tpu.memory_space<vmem>>, vector<16xf32>,
      %mul3A_280 = arith.constant 32 : i32
      %mul3A_281 = arith.muli %add3A, %mul3A_280 : i32
      %add3A_282 = arith.constant 17 : i32
      %add3A_283 = arith.addi %mul3A_281, %add3A_282 : i32
      %eq3A_284 = vector.broadcast %add3A_283 : i32 to vector<16xi32>
      %eq3A_285 = arith.cmpi eq, %add3A_27, %eq3A_284 : vector<16xi32>
      %jit3A_286 = arith.constant 0.000000e+00 : f32
      %broadcast_in_dim3A_287 = vector.broadcast %jit3A_286 : f32 to vector<16xf32>
      %select_n3A_288 = arith.select %eq3A_285, %broadcast_in_dim3A_287, %broadcast_in_dim3A_1 : vector<16xi1>, vector<16xf32>
      %mul3A_289 = arith.constant 16 : i32
      %mul3A_290 = arith.muli %scan3A_22, %mul3A_289 : i32
      %add3A_291 = arith.constant 17408 : i32
      %add3A_292 = arith.addi %add3A_291, %mul3A_290 : i32
      %swap3A_293 = arith.index_cast %add3A_292 : i32 to index
      %swap3A_294 = tpu.vector_load %arg7[%swap3A_293] {strides = array<i32>} : memref<32768xf32, #tpu.memory_space<vmem>>, vector<16xf32>,
      tpu.vector_store %arg7[%swap3A_293], %select_n3A_288 {strides = array<i32>} : memref<32768xf32, #tpu.memory_space<vmem>>, vector<16xf32>,
      %mul3A_295 = arith.constant 32 : i32
      %mul3A_296 = arith.muli %add3A, %mul3A_295 : i32
      %add3A_297 = arith.constant 18 : i32
      %add3A_298 = arith.addi %mul3A_296, %add3A_297 : i32
      %eq3A_299 = vector.broadcast %add3A_298 : i32 to vector<16xi32>
      %eq3A_300 = arith.cmpi eq, %add3A_27, %eq3A_299 : vector<16xi32>
      %jit3A_301 = arith.constant 0.000000e+00 : f32
      %broadcast_in_dim3A_302 = vector.broadcast %jit3A_301 : f32 to vector<16xf32>
      %select_n3A_303 = arith.select %eq3A_300, %broadcast_in_dim3A_302, %broadcast_in_dim3A_1 : vector<16xi1>, vector<16xf32>
      %mul3A_304 = arith.constant 16 : i32
      %mul3A_305 = arith.muli %scan3A_22, %mul3A_304 : i32
      %add3A_306 = arith.constant 18432 : i32
      %add3A_307 = arith.addi %add3A_306, %mul3A_305 : i32
      %swap3A_308 = arith.index_cast %add3A_307 : i32 to index
      %swap3A_309 = tpu.vector_load %arg7[%swap3A_308] {strides = array<i32>} : memref<32768xf32, #tpu.memory_space<vmem>>, vector<16xf32>,
      tpu.vector_store %arg7[%swap3A_308], %select_n3A_303 {strides = array<i32>} : memref<32768xf32, #tpu.memory_space<vmem>>, vector<16xf32>,
      %mul3A_310 = arith.constant 32 : i32
      %mul3A_311 = arith.muli %add3A, %mul3A_310 : i32
      %add3A_312 = arith.constant 19 : i32
      %add3A_313 = arith.addi %mul3A_311, %add3A_312 : i32
      %eq3A_314 = vector.broadcast %add3A_313 : i32 to vector<16xi32>
      %eq3A_315 = arith.cmpi eq, %add3A_27, %eq3A_314 : vector<16xi32>
      %jit3A_316 = arith.constant 0.000000e+00 : f32
      %broadcast_in_dim3A_317 = vector.broadcast %jit3A_316 : f32 to vector<16xf32>
      %select_n3A_318 = arith.select %eq3A_315, %broadcast_in_dim3A_317, %broadcast_in_dim3A_1 : vector<16xi1>, vector<16xf32>
      %mul3A_319 = arith.constant 16 : i32
      %mul3A_320 = arith.muli %scan3A_22, %mul3A_319 : i32
      %add3A_321 = arith.constant 19456 : i32
      %add3A_322 = arith.addi %add3A_321, %mul3A_320 : i32
      %swap3A_323 = arith.index_cast %add3A_322 : i32 to index
      %swap3A_324 = tpu.vector_load %arg7[%swap3A_323] {strides = array<i32>} : memref<32768xf32, #tpu.memory_space<vmem>>, vector<16xf32>,
      tpu.vector_store %arg7[%swap3A_323], %select_n3A_318 {strides = array<i32>} : memref<32768xf32, #tpu.memory_space<vmem>>, vector<16xf32>,
      %mul3A_325 = arith.constant 32 : i32
      %mul3A_326 = arith.muli %add3A, %mul3A_325 : i32
      %add3A_327 = arith.constant 20 : i32
      %add3A_328 = arith.addi %mul3A_326, %add3A_327 : i32
      %eq3A_329 = vector.broadcast %add3A_328 : i32 to vector<16xi32>
      %eq3A_330 = arith.cmpi eq, %add3A_27, %eq3A_329 : vector<16xi32>
      %jit3A_331 = arith.constant 0.000000e+00 : f32
      %broadcast_in_dim3A_332 = vector.broadcast %jit3A_331 : f32 to vector<16xf32>
      %select_n3A_333 = arith.select %eq3A_330, %broadcast_in_dim3A_332, %broadcast_in_dim3A_1 : vector<16xi1>, vector<16xf32>
      %mul3A_334 = arith.constant 16 : i32
      %mul3A_335 = arith.muli %scan3A_22, %mul3A_334 : i32
      %add3A_336 = arith.constant 20480 : i32
      %add3A_337 = arith.addi %add3A_336, %mul3A_335 : i32
      %swap3A_338 = arith.index_cast %add3A_337 : i32 to index
      %swap3A_339 = tpu.vector_load %arg7[%swap3A_338] {strides = array<i32>} : memref<32768xf32, #tpu.memory_space<vmem>>, vector<16xf32>,
      tpu.vector_store %arg7[%swap3A_338], %select_n3A_333 {strides = array<i32>} : memref<32768xf32, #tpu.memory_space<vmem>>, vector<16xf32>,
      %mul3A_340 = arith.constant 32 : i32
      %mul3A_341 = arith.muli %add3A, %mul3A_340 : i32
      %add3A_342 = arith.constant 21 : i32
      %add3A_343 = arith.addi %mul3A_341, %add3A_342 : i32
      %eq3A_344 = vector.broadcast %add3A_343 : i32 to vector<16xi32>
      %eq3A_345 = arith.cmpi eq, %add3A_27, %eq3A_344 : vector<16xi32>
      %jit3A_346 = arith.constant 0.000000e+00 : f32
      %broadcast_in_dim3A_347 = vector.broadcast %jit3A_346 : f32 to vector<16xf32>
      %select_n3A_348 = arith.select %eq3A_345, %broadcast_in_dim3A_347, %broadcast_in_dim3A_1 : vector<16xi1>, vector<16xf32>
      %mul3A_349 = arith.constant 16 : i32
      %mul3A_350 = arith.muli %scan3A_22, %mul3A_349 : i32
      %add3A_351 = arith.constant 21504 : i32
      %add3A_352 = arith.addi %add3A_351, %mul3A_350 : i32
      %swap3A_353 = arith.index_cast %add3A_352 : i32 to index
      %swap3A_354 = tpu.vector_load %arg7[%swap3A_353] {strides = array<i32>} : memref<32768xf32, #tpu.memory_space<vmem>>, vector<16xf32>,
      tpu.vector_store %arg7[%swap3A_353], %select_n3A_348 {strides = array<i32>} : memref<32768xf32, #tpu.memory_space<vmem>>, vector<16xf32>,
      %mul3A_355 = arith.constant 32 : i32
      %mul3A_356 = arith.muli %add3A, %mul3A_355 : i32
      %add3A_357 = arith.constant 22 : i32
      %add3A_358 = arith.addi %mul3A_356, %add3A_357 : i32
      %eq3A_359 = vector.broadcast %add3A_358 : i32 to vector<16xi32>
      %eq3A_360 = arith.cmpi eq, %add3A_27, %eq3A_359 : vector<16xi32>
      %jit3A_361 = arith.constant 0.000000e+00 : f32
      %broadcast_in_dim3A_362 = vector.broadcast %jit3A_361 : f32 to vector<16xf32>
      %select_n3A_363 = arith.select %eq3A_360, %broadcast_in_dim3A_362, %broadcast_in_dim3A_1 : vector<16xi1>, vector<16xf32>
      %mul3A_364 = arith.constant 16 : i32
      %mul3A_365 = arith.muli %scan3A_22, %mul3A_364 : i32
      %add3A_366 = arith.constant 22528 : i32
      %add3A_367 = arith.addi %add3A_366, %mul3A_365 : i32
      %swap3A_368 = arith.index_cast %add3A_367 : i32 to index
      %swap3A_369 = tpu.vector_load %arg7[%swap3A_368] {strides = array<i32>} : memref<32768xf32, #tpu.memory_space<vmem>>, vector<16xf32>,
      tpu.vector_store %arg7[%swap3A_368], %select_n3A_363 {strides = array<i32>} : memref<32768xf32, #tpu.memory_space<vmem>>, vector<16xf32>,
      %mul3A_370 = arith.constant 32 : i32
      %mul3A_371 = arith.muli %add3A, %mul3A_370 : i32
      %add3A_372 = arith.constant 23 : i32
      %add3A_373 = arith.addi %mul3A_371, %add3A_372 : i32
      %eq3A_374 = vector.broadcast %add3A_373 : i32 to vector<16xi32>
      %eq3A_375 = arith.cmpi eq, %add3A_27, %eq3A_374 : vector<16xi32>
      %jit3A_376 = arith.constant 0.000000e+00 : f32
      %broadcast_in_dim3A_377 = vector.broadcast %jit3A_376 : f32 to vector<16xf32>
      %select_n3A_378 = arith.select %eq3A_375, %broadcast_in_dim3A_377, %broadcast_in_dim3A_1 : vector<16xi1>, vector<16xf32>
      %mul3A_379 = arith.constant 16 : i32
      %mul3A_380 = arith.muli %scan3A_22, %mul3A_379 : i32
      %add3A_381 = arith.constant 23552 : i32
      %add3A_382 = arith.addi %add3A_381, %mul3A_380 : i32
      %swap3A_383 = arith.index_cast %add3A_382 : i32 to index
      %swap3A_384 = tpu.vector_load %arg7[%swap3A_383] {strides = array<i32>} : memref<32768xf32, #tpu.memory_space<vmem>>, vector<16xf32>,
      tpu.vector_store %arg7[%swap3A_383], %select_n3A_378 {strides = array<i32>} : memref<32768xf32, #tpu.memory_space<vmem>>, vector<16xf32>,
      %mul3A_385 = arith.constant 32 : i32
      %mul3A_386 = arith.muli %add3A, %mul3A_385 : i32
      %add3A_387 = arith.constant 24 : i32
      %add3A_388 = arith.addi %mul3A_386, %add3A_387 : i32
      %eq3A_389 = vector.broadcast %add3A_388 : i32 to vector<16xi32>
      %eq3A_390 = arith.cmpi eq, %add3A_27, %eq3A_389 : vector<16xi32>
      %jit3A_391 = arith.constant 0.000000e+00 : f32
      %broadcast_in_dim3A_392 = vector.broadcast %jit3A_391 : f32 to vector<16xf32>
      %select_n3A_393 = arith.select %eq3A_390, %broadcast_in_dim3A_392, %broadcast_in_dim3A_1 : vector<16xi1>, vector<16xf32>
      %mul3A_394 = arith.constant 16 : i32
      %mul3A_395 = arith.muli %scan3A_22, %mul3A_394 : i32
      %add3A_396 = arith.constant 24576 : i32
      %add3A_397 = arith.addi %add3A_396, %mul3A_395 : i32
      %swap3A_398 = arith.index_cast %add3A_397 : i32 to index
      %swap3A_399 = tpu.vector_load %arg7[%swap3A_398] {strides = array<i32>} : memref<32768xf32, #tpu.memory_space<vmem>>, vector<16xf32>,
      tpu.vector_store %arg7[%swap3A_398], %select_n3A_393 {strides = array<i32>} : memref<32768xf32, #tpu.memory_space<vmem>>, vector<16xf32>,
      %mul3A_400 = arith.constant 32 : i32
      %mul3A_401 = arith.muli %add3A, %mul3A_400 : i32
      %add3A_402 = arith.constant 25 : i32
      %add3A_403 = arith.addi %mul3A_401, %add3A_402 : i32
      %eq3A_404 = vector.broadcast %add3A_403 : i32 to vector<16xi32>
      %eq3A_405 = arith.cmpi eq, %add3A_27, %eq3A_404 : vector<16xi32>
      %jit3A_406 = arith.constant 0.000000e+00 : f32
      %broadcast_in_dim3A_407 = vector.broadcast %jit3A_406 : f32 to vector<16xf32>
      %select_n3A_408 = arith.select %eq3A_405, %broadcast_in_dim3A_407, %broadcast_in_dim3A_1 : vector<16xi1>, vector<16xf32>
      %mul3A_409 = arith.constant 16 : i32
      %mul3A_410 = arith.muli %scan3A_22, %mul3A_409 : i32
      %add3A_411 = arith.constant 25600 : i32
      %add3A_412 = arith.addi %add3A_411, %mul3A_410 : i32
      %swap3A_413 = arith.index_cast %add3A_412 : i32 to index
      %swap3A_414 = tpu.vector_load %arg7[%swap3A_413] {strides = array<i32>} : memref<32768xf32, #tpu.memory_space<vmem>>, vector<16xf32>,
      tpu.vector_store %arg7[%swap3A_413], %select_n3A_408 {strides = array<i32>} : memref<32768xf32, #tpu.memory_space<vmem>>, vector<16xf32>,
      %mul3A_415 = arith.constant 32 : i32
      %mul3A_416 = arith.muli %add3A, %mul3A_415 : i32
      %add3A_417 = arith.constant 26 : i32
      %add3A_418 = arith.addi %mul3A_416, %add3A_417 : i32
      %eq3A_419 = vector.broadcast %add3A_418 : i32 to vector<16xi32>
      %eq3A_420 = arith.cmpi eq, %add3A_27, %eq3A_419 : vector<16xi32>
      %jit3A_421 = arith.constant 0.000000e+00 : f32
      %broadcast_in_dim3A_422 = vector.broadcast %jit3A_421 : f32 to vector<16xf32>
      %select_n3A_423 = arith.select %eq3A_420, %broadcast_in_dim3A_422, %broadcast_in_dim3A_1 : vector<16xi1>, vector<16xf32>
      %mul3A_424 = arith.constant 16 : i32
      %mul3A_425 = arith.muli %scan3A_22, %mul3A_424 : i32
      %add3A_426 = arith.constant 26624 : i32
      %add3A_427 = arith.addi %add3A_426, %mul3A_425 : i32
      %swap3A_428 = arith.index_cast %add3A_427 : i32 to index
      %swap3A_429 = tpu.vector_load %arg7[%swap3A_428] {strides = array<i32>} : memref<32768xf32, #tpu.memory_space<vmem>>, vector<16xf32>,
      tpu.vector_store %arg7[%swap3A_428], %select_n3A_423 {strides = array<i32>} : memref<32768xf32, #tpu.memory_space<vmem>>, vector<16xf32>,
      %mul3A_430 = arith.constant 32 : i32
      %mul3A_431 = arith.muli %add3A, %mul3A_430 : i32
      %add3A_432 = arith.constant 27 : i32
      %add3A_433 = arith.addi %mul3A_431, %add3A_432 : i32
      %eq3A_434 = vector.broadcast %add3A_433 : i32 to vector<16xi32>
      %eq3A_435 = arith.cmpi eq, %add3A_27, %eq3A_434 : vector<16xi32>
      %jit3A_436 = arith.constant 0.000000e+00 : f32
      %broadcast_in_dim3A_437 = vector.broadcast %jit3A_436 : f32 to vector<16xf32>
      %select_n3A_438 = arith.select %eq3A_435, %broadcast_in_dim3A_437, %broadcast_in_dim3A_1 : vector<16xi1>, vector<16xf32>
      %mul3A_439 = arith.constant 16 : i32
      %mul3A_440 = arith.muli %scan3A_22, %mul3A_439 : i32
      %add3A_441 = arith.constant 27648 : i32
      %add3A_442 = arith.addi %add3A_441, %mul3A_440 : i32
      %swap3A_443 = arith.index_cast %add3A_442 : i32 to index
      %swap3A_444 = tpu.vector_load %arg7[%swap3A_443] {strides = array<i32>} : memref<32768xf32, #tpu.memory_space<vmem>>, vector<16xf32>,
      tpu.vector_store %arg7[%swap3A_443], %select_n3A_438 {strides = array<i32>} : memref<32768xf32, #tpu.memory_space<vmem>>, vector<16xf32>,
      %mul3A_445 = arith.constant 32 : i32
      %mul3A_446 = arith.muli %add3A, %mul3A_445 : i32
      %add3A_447 = arith.constant 28 : i32
      %add3A_448 = arith.addi %mul3A_446, %add3A_447 : i32
      %eq3A_449 = vector.broadcast %add3A_448 : i32 to vector<16xi32>
      %eq3A_450 = arith.cmpi eq, %add3A_27, %eq3A_449 : vector<16xi32>
      %jit3A_451 = arith.constant 0.000000e+00 : f32
      %broadcast_in_dim3A_452 = vector.broadcast %jit3A_451 : f32 to vector<16xf32>
      %select_n3A_453 = arith.select %eq3A_450, %broadcast_in_dim3A_452, %broadcast_in_dim3A_1 : vector<16xi1>, vector<16xf32>
      %mul3A_454 = arith.constant 16 : i32
      %mul3A_455 = arith.muli %scan3A_22, %mul3A_454 : i32
      %add3A_456 = arith.constant 28672 : i32
      %add3A_457 = arith.addi %add3A_456, %mul3A_455 : i32
      %swap3A_458 = arith.index_cast %add3A_457 : i32 to index
      %swap3A_459 = tpu.vector_load %arg7[%swap3A_458] {strides = array<i32>} : memref<32768xf32, #tpu.memory_space<vmem>>, vector<16xf32>,
      tpu.vector_store %arg7[%swap3A_458], %select_n3A_453 {strides = array<i32>} : memref<32768xf32, #tpu.memory_space<vmem>>, vector<16xf32>,
      %mul3A_460 = arith.constant 32 : i32
      %mul3A_461 = arith.muli %add3A, %mul3A_460 : i32
      %add3A_462 = arith.constant 29 : i32
      %add3A_463 = arith.addi %mul3A_461, %add3A_462 : i32
      %eq3A_464 = vector.broadcast %add3A_463 : i32 to vector<16xi32>
      %eq3A_465 = arith.cmpi eq, %add3A_27, %eq3A_464 : vector<16xi32>
      %jit3A_466 = arith.constant 0.000000e+00 : f32
      %broadcast_in_dim3A_467 = vector.broadcast %jit3A_466 : f32 to vector<16xf32>
      %select_n3A_468 = arith.select %eq3A_465, %broadcast_in_dim3A_467, %broadcast_in_dim3A_1 : vector<16xi1>, vector<16xf32>
      %mul3A_469 = arith.constant 16 : i32
      %mul3A_470 = arith.muli %scan3A_22, %mul3A_469 : i32
      %add3A_471 = arith.constant 29696 : i32
      %add3A_472 = arith.addi %add3A_471, %mul3A_470 : i32
      %swap3A_473 = arith.index_cast %add3A_472 : i32 to index
      %swap3A_474 = tpu.vector_load %arg7[%swap3A_473] {strides = array<i32>} : memref<32768xf32, #tpu.memory_space<vmem>>, vector<16xf32>,
      tpu.vector_store %arg7[%swap3A_473], %select_n3A_468 {strides = array<i32>} : memref<32768xf32, #tpu.memory_space<vmem>>, vector<16xf32>,
      %mul3A_475 = arith.constant 32 : i32
      %mul3A_476 = arith.muli %add3A, %mul3A_475 : i32
      %add3A_477 = arith.constant 30 : i32
      %add3A_478 = arith.addi %mul3A_476, %add3A_477 : i32
      %eq3A_479 = vector.broadcast %add3A_478 : i32 to vector<16xi32>
      %eq3A_480 = arith.cmpi eq, %add3A_27, %eq3A_479 : vector<16xi32>
      %jit3A_481 = arith.constant 0.000000e+00 : f32
      %broadcast_in_dim3A_482 = vector.broadcast %jit3A_481 : f32 to vector<16xf32>
      %select_n3A_483 = arith.select %eq3A_480, %broadcast_in_dim3A_482, %broadcast_in_dim3A_1 : vector<16xi1>, vector<16xf32>
      %mul3A_484 = arith.constant 16 : i32
      %mul3A_485 = arith.muli %scan3A_22, %mul3A_484 : i32
      %add3A_486 = arith.constant 30720 : i32
      %add3A_487 = arith.addi %add3A_486, %mul3A_485 : i32
      %swap3A_488 = arith.index_cast %add3A_487 : i32 to index
      %swap3A_489 = tpu.vector_load %arg7[%swap3A_488] {strides = array<i32>} : memref<32768xf32, #tpu.memory_space<vmem>>, vector<16xf32>,
      tpu.vector_store %arg7[%swap3A_488], %select_n3A_483 {strides = array<i32>} : memref<32768xf32, #tpu.memory_space<vmem>>, vector<16xf32>,
      %mul3A_490 = arith.constant 32 : i32
      %mul3A_491 = arith.muli %add3A, %mul3A_490 : i32
      %add3A_492 = arith.constant 31 : i32
      %add3A_493 = arith.addi %mul3A_491, %add3A_492 : i32
      %eq3A_494 = vector.broadcast %add3A_493 : i32 to vector<16xi32>
      %eq3A_495 = arith.cmpi eq, %add3A_27, %eq3A_494 : vector<16xi32>
      %jit3A_496 = arith.constant 0.000000e+00 : f32
      %broadcast_in_dim3A_497 = vector.broadcast %jit3A_496 : f32 to vector<16xf32>
      %select_n3A_498 = arith.select %eq3A_495, %broadcast_in_dim3A_497, %broadcast_in_dim3A_1 : vector<16xi1>, vector<16xf32>
      %mul3A_499 = arith.constant 16 : i32
      %mul3A_500 = arith.muli %scan3A_22, %mul3A_499 : i32
      %add3A_501 = arith.constant 31744 : i32
      %add3A_502 = arith.addi %add3A_501, %mul3A_500 : i32
      %swap3A_503 = arith.index_cast %add3A_502 : i32 to index
      %swap3A_504 = tpu.vector_load %arg7[%swap3A_503] {strides = array<i32>} : memref<32768xf32, #tpu.memory_space<vmem>>, vector<16xf32>,
      tpu.vector_store %arg7[%swap3A_503], %select_n3A_498 {strides = array<i32>} : memref<32768xf32, #tpu.memory_space<vmem>>, vector<16xf32>,
      %scan3A_505 = arith.constant 0 : i32
      scf.yield %scan3A_505 : i32
    }
    %scan3A_7 = arith.constant 64 : i32
    %broadcast_in_dim3A_8 = arith.constant 1 : i32
    %broadcast_in_dim3A_9 = vector.broadcast %broadcast_in_dim3A_8 : i32 to vector<16xi32>
    %swap3A = arith.constant 0 : index
    %swap3A_10 = tpu.vector_load %arg9[%swap3A] {strides = array<i32>} : memref<16xi32, #tpu.memory_space<vmem>>, vector<16xi32>,
    tpu.vector_store %arg9[%swap3A], %broadcast_in_dim3A_9 {strides = array<i32>} : memref<16xi32, #tpu.memory_space<vmem>>, vector<16xi32>,
    %scan3A_11 = arith.constant 1 : i32
    %scan3A_12 = arith.constant 0 : i32
    %scan3A_13 = arith.constant 16 : i32
    %scan3A_14 = arith.addi %scan3A_12, %scan3A_13 : i32
    %scan3A_15 = arith.constant 1 : i32
    %scan3A_16 = scf.for %scan3A_22 = %scan3A_12 to %scan3A_14 step %scan3A_15 iter_args(%scan3A_23 = %scan3A_11) -> (i32)  : i32 {
      %gt3A = arith.constant 0 : i32
      %gt3A_24 = arith.cmpi sgt, %scan3A_23, %gt3A : i32
      %convert_element_type3A = arith.extui %gt3A_24 : i1 to i32
      %cond3A = arith.constant 0 : i32
      %cond3A_25 = arith.cmpi ne, %convert_element_type3A, %cond3A : i32
      scf.if %cond3A_25 {
        %broadcast_in_dim3A_34 = arith.constant 0 : i32
        %broadcast_in_dim3A_35 = vector.broadcast %broadcast_in_dim3A_34 : i32 to vector<16xi32>
        %scan3A_36 = arith.constant 0 : i32
        %scan3A_37 = arith.constant 64 : i32
        %scan3A_38 = arith.addi %scan3A_36, %scan3A_37 : i32
        %scan3A_39 = arith.constant 1 : i32
        scf.for %scan3A_51 = %scan3A_36 to %scan3A_38 step %scan3A_39  : i32 {
          %mul3A_52 = arith.constant 16 : i32
          %mul3A_53 = arith.muli %scan3A_51, %mul3A_52 : i32
          %get3A_54 = arith.constant 0 : i32
          %get3A_55 = arith.index_cast %get3A_54 : i32 to index
          %get3A_56 = arith.index_cast %mul3A_53 : i32 to index
          %get3A_57 = tpu.vector_load %arg6[%get3A_55, %get3A_56] {strides = array<i32>} : memref<16x1024xi32, #tpu.memory_space<vmem>>, vector<16xi32>,
          %get3A_58 = arith.constant 1 : i32
          %get3A_59 = arith.index_cast %get3A_58 : i32 to index
          %get3A_60 = arith.index_cast %mul3A_53 : i32 to index
          %get3A_61 = tpu.vector_load %arg6[%get3A_59, %get3A_60] {strides = array<i32>} : memref<16x1024xi32, #tpu.memory_space<vmem>>, vector<16xi32>,
          %get3A_62 = arith.constant 2 : i32
          %get3A_63 = arith.index_cast %get3A_62 : i32 to index
          %get3A_64 = arith.index_cast %mul3A_53 : i32 to index
          %get3A_65 = tpu.vector_load %arg6[%get3A_63, %get3A_64] {strides = array<i32>} : memref<16x1024xi32, #tpu.memory_space<vmem>>, vector<16xi32>,
          %get3A_66 = arith.constant 3 : i32
          %get3A_67 = arith.index_cast %get3A_66 : i32 to index
          %get3A_68 = arith.index_cast %mul3A_53 : i32 to index
          %get3A_69 = tpu.vector_load %arg6[%get3A_67, %get3A_68] {strides = array<i32>} : memref<16x1024xi32, #tpu.memory_space<vmem>>, vector<16xi32>,
          %get3A_70 = arith.constant 4 : i32
          %get3A_71 = arith.index_cast %get3A_70 : i32 to index
          %get3A_72 = arith.index_cast %mul3A_53 : i32 to index
          %get3A_73 = tpu.vector_load %arg6[%get3A_71, %get3A_72] {strides = array<i32>} : memref<16x1024xi32, #tpu.memory_space<vmem>>, vector<16xi32>,
          %get3A_74 = arith.constant 5 : i32
          %get3A_75 = arith.index_cast %get3A_74 : i32 to index
          %get3A_76 = arith.index_cast %mul3A_53 : i32 to index
          %get3A_77 = tpu.vector_load %arg6[%get3A_75, %get3A_76] {strides = array<i32>} : memref<16x1024xi32, #tpu.memory_space<vmem>>, vector<16xi32>,
          %get3A_78 = arith.constant 6 : i32
          %get3A_79 = arith.index_cast %get3A_78 : i32 to index
          %get3A_80 = arith.index_cast %mul3A_53 : i32 to index
          %get3A_81 = tpu.vector_load %arg6[%get3A_79, %get3A_80] {strides = array<i32>} : memref<16x1024xi32, #tpu.memory_space<vmem>>, vector<16xi32>,
          %get3A_82 = arith.constant 7 : i32
          %get3A_83 = arith.index_cast %get3A_82 : i32 to index
          %get3A_84 = arith.index_cast %mul3A_53 : i32 to index
          %get3A_85 = tpu.vector_load %arg6[%get3A_83, %get3A_84] {strides = array<i32>} : memref<16x1024xi32, #tpu.memory_space<vmem>>, vector<16xi32>,
          %get3A_86 = arith.constant 8 : i32
          %get3A_87 = arith.index_cast %get3A_86 : i32 to index
          %get3A_88 = arith.index_cast %mul3A_53 : i32 to index
          %get3A_89 = tpu.vector_load %arg6[%get3A_87, %get3A_88] {strides = array<i32>} : memref<16x1024xi32, #tpu.memory_space<vmem>>, vector<16xi32>,
          %get3A_90 = arith.constant 9 : i32
          %get3A_91 = arith.index_cast %get3A_90 : i32 to index
          %get3A_92 = arith.index_cast %mul3A_53 : i32 to index
          %get3A_93 = tpu.vector_load %arg6[%get3A_91, %get3A_92] {strides = array<i32>} : memref<16x1024xi32, #tpu.memory_space<vmem>>, vector<16xi32>,
          %get3A_94 = arith.constant 10 : i32
          %get3A_95 = arith.index_cast %get3A_94 : i32 to index
          %get3A_96 = arith.index_cast %mul3A_53 : i32 to index
          %get3A_97 = tpu.vector_load %arg6[%get3A_95, %get3A_96] {strides = array<i32>} : memref<16x1024xi32, #tpu.memory_space<vmem>>, vector<16xi32>,
          %get3A_98 = arith.constant 11 : i32
          %get3A_99 = arith.index_cast %get3A_98 : i32 to index
          %get3A_100 = arith.index_cast %mul3A_53 : i32 to index
          %get3A_101 = tpu.vector_load %arg6[%get3A_99, %get3A_100] {strides = array<i32>} : memref<16x1024xi32, #tpu.memory_space<vmem>>, vector<16xi32>,
          %get3A_102 = arith.constant 12 : i32
          %get3A_103 = arith.index_cast %get3A_102 : i32 to index
          %get3A_104 = arith.index_cast %mul3A_53 : i32 to index
          %get3A_105 = tpu.vector_load %arg6[%get3A_103, %get3A_104] {strides = array<i32>} : memref<16x1024xi32, #tpu.memory_space<vmem>>, vector<16xi32>,
          %get3A_106 = arith.constant 13 : i32
          %get3A_107 = arith.index_cast %get3A_106 : i32 to index
          %get3A_108 = arith.index_cast %mul3A_53 : i32 to index
          %get3A_109 = tpu.vector_load %arg6[%get3A_107, %get3A_108] {strides = array<i32>} : memref<16x1024xi32, #tpu.memory_space<vmem>>, vector<16xi32>,
          %get3A_110 = arith.constant 14 : i32
          %get3A_111 = arith.index_cast %get3A_110 : i32 to index
          %get3A_112 = arith.index_cast %mul3A_53 : i32 to index
          %get3A_113 = tpu.vector_load %arg6[%get3A_111, %get3A_112] {strides = array<i32>} : memref<16x1024xi32, #tpu.memory_space<vmem>>, vector<16xi32>,
          %get3A_114 = arith.constant 15 : i32
          %get3A_115 = arith.index_cast %get3A_114 : i32 to index
          %get3A_116 = arith.index_cast %mul3A_53 : i32 to index
          %get3A_117 = tpu.vector_load %arg6[%get3A_115, %get3A_116] {strides = array<i32>} : memref<16x1024xi32, #tpu.memory_space<vmem>>, vector<16xi32>,
          %get3A_118 = arith.constant 0 : i32
          %get3A_119 = arith.index_cast %get3A_118 : i32 to index
          %get3A_120 = arith.index_cast %mul3A_53 : i32 to index
          %get3A_121 = tpu.vector_load %arg5[%get3A_119, %get3A_120] {strides = array<i32>} : memref<16x1024xf32, #tpu.memory_space<vmem>>, vector<16xf32>,
          %get3A_122 = arith.constant 1 : i32
          %get3A_123 = arith.index_cast %get3A_122 : i32 to index
          %get3A_124 = arith.index_cast %mul3A_53 : i32 to index
          %get3A_125 = tpu.vector_load %arg5[%get3A_123, %get3A_124] {strides = array<i32>} : memref<16x1024xf32, #tpu.memory_space<vmem>>, vector<16xf32>,
          %get3A_126 = arith.constant 2 : i32
          %get3A_127 = arith.index_cast %get3A_126 : i32 to index
          %get3A_128 = arith.index_cast %mul3A_53 : i32 to index
          %get3A_129 = tpu.vector_load %arg5[%get3A_127, %get3A_128] {strides = array<i32>} : memref<16x1024xf32, #tpu.memory_space<vmem>>, vector<16xf32>,
          %get3A_130 = arith.constant 3 : i32
          %get3A_131 = arith.index_cast %get3A_130 : i32 to index
          %get3A_132 = arith.index_cast %mul3A_53 : i32 to index
          %get3A_133 = tpu.vector_load %arg5[%get3A_131, %get3A_132] {strides = array<i32>} : memref<16x1024xf32, #tpu.memory_space<vmem>>, vector<16xf32>,
          %get3A_134 = arith.constant 4 : i32
          %get3A_135 = arith.index_cast %get3A_134 : i32 to index
          %get3A_136 = arith.index_cast %mul3A_53 : i32 to index
          %get3A_137 = tpu.vector_load %arg5[%get3A_135, %get3A_136] {strides = array<i32>} : memref<16x1024xf32, #tpu.memory_space<vmem>>, vector<16xf32>,
          %get3A_138 = arith.constant 5 : i32
          %get3A_139 = arith.index_cast %get3A_138 : i32 to index
          %get3A_140 = arith.index_cast %mul3A_53 : i32 to index
          %get3A_141 = tpu.vector_load %arg5[%get3A_139, %get3A_140] {strides = array<i32>} : memref<16x1024xf32, #tpu.memory_space<vmem>>, vector<16xf32>,
          %get3A_142 = arith.constant 6 : i32
          %get3A_143 = arith.index_cast %get3A_142 : i32 to index
          %get3A_144 = arith.index_cast %mul3A_53 : i32 to index
          %get3A_145 = tpu.vector_load %arg5[%get3A_143, %get3A_144] {strides = array<i32>} : memref<16x1024xf32, #tpu.memory_space<vmem>>, vector<16xf32>,
          %get3A_146 = arith.constant 7 : i32
          %get3A_147 = arith.index_cast %get3A_146 : i32 to index
          %get3A_148 = arith.index_cast %mul3A_53 : i32 to index
          %get3A_149 = tpu.vector_load %arg5[%get3A_147, %get3A_148] {strides = array<i32>} : memref<16x1024xf32, #tpu.memory_space<vmem>>, vector<16xf32>,
          %get3A_150 = arith.constant 8 : i32
          %get3A_151 = arith.index_cast %get3A_150 : i32 to index
          %get3A_152 = arith.index_cast %mul3A_53 : i32 to index
          %get3A_153 = tpu.vector_load %arg5[%get3A_151, %get3A_152] {strides = array<i32>} : memref<16x1024xf32, #tpu.memory_space<vmem>>, vector<16xf32>,
          %get3A_154 = arith.constant 9 : i32
          %get3A_155 = arith.index_cast %get3A_154 : i32 to index
          %get3A_156 = arith.index_cast %mul3A_53 : i32 to index
          %get3A_157 = tpu.vector_load %arg5[%get3A_155, %get3A_156] {strides = array<i32>} : memref<16x1024xf32, #tpu.memory_space<vmem>>, vector<16xf32>,
          %get3A_158 = arith.constant 10 : i32
          %get3A_159 = arith.index_cast %get3A_158 : i32 to index
          %get3A_160 = arith.index_cast %mul3A_53 : i32 to index
          %get3A_161 = tpu.vector_load %arg5[%get3A_159, %get3A_160] {strides = array<i32>} : memref<16x1024xf32, #tpu.memory_space<vmem>>, vector<16xf32>,
          %get3A_162 = arith.constant 11 : i32
          %get3A_163 = arith.index_cast %get3A_162 : i32 to index
          %get3A_164 = arith.index_cast %mul3A_53 : i32 to index
          %get3A_165 = tpu.vector_load %arg5[%get3A_163, %get3A_164] {strides = array<i32>} : memref<16x1024xf32, #tpu.memory_space<vmem>>, vector<16xf32>,
          %get3A_166 = arith.constant 12 : i32
          %get3A_167 = arith.index_cast %get3A_166 : i32 to index
          %get3A_168 = arith.index_cast %mul3A_53 : i32 to index
          %get3A_169 = tpu.vector_load %arg5[%get3A_167, %get3A_168] {strides = array<i32>} : memref<16x1024xf32, #tpu.memory_space<vmem>>, vector<16xf32>,
          %get3A_170 = arith.constant 13 : i32
          %get3A_171 = arith.index_cast %get3A_170 : i32 to index
          %get3A_172 = arith.index_cast %mul3A_53 : i32 to index
          %get3A_173 = tpu.vector_load %arg5[%get3A_171, %get3A_172] {strides = array<i32>} : memref<16x1024xf32, #tpu.memory_space<vmem>>, vector<16xf32>,
          %get3A_174 = arith.constant 14 : i32
          %get3A_175 = arith.index_cast %get3A_174 : i32 to index
          %get3A_176 = arith.index_cast %mul3A_53 : i32 to index
          %get3A_177 = tpu.vector_load %arg5[%get3A_175, %get3A_176] {strides = array<i32>} : memref<16x1024xf32, #tpu.memory_space<vmem>>, vector<16xf32>,
          %get3A_178 = arith.constant 15 : i32
          %get3A_179 = arith.index_cast %get3A_178 : i32 to index
          %get3A_180 = arith.index_cast %mul3A_53 : i32 to index
          %get3A_181 = tpu.vector_load %arg5[%get3A_179, %get3A_180] {strides = array<i32>} : memref<16x1024xf32, #tpu.memory_space<vmem>>, vector<16xf32>,
          %scan3A_182 = arith.constant 0 : i32
          %scan3A_183 = arith.constant 32 : i32
          %scan3A_184 = arith.addi %scan3A_182, %scan3A_183 : i32
          %scan3A_185 = arith.constant 1 : i32
          scf.for %scan3A_187 = %scan3A_182 to %scan3A_184 step %scan3A_185  : i32 {
            %mul3A_188 = arith.constant 1024 : i32
            %mul3A_189 = arith.muli %scan3A_187, %mul3A_188 : i32
            %broadcast_in_dim3A_190 = vector.broadcast %mul3A_189 : i32 to vector<16xi32>
            %add3A_191 = arith.addi %get3A_57, %broadcast_in_dim3A_190 : vector<16xi32>
            %gather3A = tpu.vector_load_idx %arg7[%add3A_191] : memref<32768xf32, #tpu.memory_space<vmem>>[vector<16xi32>], vector<16xf32>,
            %add3A_192 = arith.addf %get3A_121, %gather3A : vector<16xf32>
            %add3A_193 = arith.addi %get3A_61, %broadcast_in_dim3A_190 : vector<16xi32>
            %gather3A_194 = tpu.vector_load_idx %arg7[%add3A_193] : memref<32768xf32, #tpu.memory_space<vmem>>[vector<16xi32>], vector<16xf32>,
            %add3A_195 = arith.addf %get3A_125, %gather3A_194 : vector<16xf32>
            %add3A_196 = arith.addi %get3A_65, %broadcast_in_dim3A_190 : vector<16xi32>
            %gather3A_197 = tpu.vector_load_idx %arg7[%add3A_196] : memref<32768xf32, #tpu.memory_space<vmem>>[vector<16xi32>], vector<16xf32>,
            %add3A_198 = arith.addf %get3A_129, %gather3A_197 : vector<16xf32>
            %add3A_199 = arith.addi %get3A_69, %broadcast_in_dim3A_190 : vector<16xi32>
            %gather3A_200 = tpu.vector_load_idx %arg7[%add3A_199] : memref<32768xf32, #tpu.memory_space<vmem>>[vector<16xi32>], vector<16xf32>,
            %add3A_201 = arith.addf %get3A_133, %gather3A_200 : vector<16xf32>
            %add3A_202 = arith.addi %get3A_73, %broadcast_in_dim3A_190 : vector<16xi32>
            %gather3A_203 = tpu.vector_load_idx %arg7[%add3A_202] : memref<32768xf32, #tpu.memory_space<vmem>>[vector<16xi32>], vector<16xf32>,
            %add3A_204 = arith.addf %get3A_137, %gather3A_203 : vector<16xf32>
            %add3A_205 = arith.addi %get3A_77, %broadcast_in_dim3A_190 : vector<16xi32>
            %gather3A_206 = tpu.vector_load_idx %arg7[%add3A_205] : memref<32768xf32, #tpu.memory_space<vmem>>[vector<16xi32>], vector<16xf32>,
            %add3A_207 = arith.addf %get3A_141, %gather3A_206 : vector<16xf32>
            %add3A_208 = arith.addi %get3A_81, %broadcast_in_dim3A_190 : vector<16xi32>
            %gather3A_209 = tpu.vector_load_idx %arg7[%add3A_208] : memref<32768xf32, #tpu.memory_space<vmem>>[vector<16xi32>], vector<16xf32>,
            %add3A_210 = arith.addf %get3A_145, %gather3A_209 : vector<16xf32>
            %add3A_211 = arith.addi %get3A_85, %broadcast_in_dim3A_190 : vector<16xi32>
            %gather3A_212 = tpu.vector_load_idx %arg7[%add3A_211] : memref<32768xf32, #tpu.memory_space<vmem>>[vector<16xi32>], vector<16xf32>,
            %add3A_213 = arith.addf %get3A_149, %gather3A_212 : vector<16xf32>
            %add3A_214 = arith.addi %get3A_89, %broadcast_in_dim3A_190 : vector<16xi32>
            %gather3A_215 = tpu.vector_load_idx %arg7[%add3A_214] : memref<32768xf32, #tpu.memory_space<vmem>>[vector<16xi32>], vector<16xf32>,
            %add3A_216 = arith.addf %get3A_153, %gather3A_215 : vector<16xf32>
            %add3A_217 = arith.addi %get3A_93, %broadcast_in_dim3A_190 : vector<16xi32>
            %gather3A_218 = tpu.vector_load_idx %arg7[%add3A_217] : memref<32768xf32, #tpu.memory_space<vmem>>[vector<16xi32>], vector<16xf32>,
            %add3A_219 = arith.addf %get3A_157, %gather3A_218 : vector<16xf32>
            %add3A_220 = arith.addi %get3A_97, %broadcast_in_dim3A_190 : vector<16xi32>
            %gather3A_221 = tpu.vector_load_idx %arg7[%add3A_220] : memref<32768xf32, #tpu.memory_space<vmem>>[vector<16xi32>], vector<16xf32>,
            %add3A_222 = arith.addf %get3A_161, %gather3A_221 : vector<16xf32>
            %add3A_223 = arith.addi %get3A_101, %broadcast_in_dim3A_190 : vector<16xi32>
            %gather3A_224 = tpu.vector_load_idx %arg7[%add3A_223] : memref<32768xf32, #tpu.memory_space<vmem>>[vector<16xi32>], vector<16xf32>,
            %add3A_225 = arith.addf %get3A_165, %gather3A_224 : vector<16xf32>
            %add3A_226 = arith.addi %get3A_105, %broadcast_in_dim3A_190 : vector<16xi32>
            %gather3A_227 = tpu.vector_load_idx %arg7[%add3A_226] : memref<32768xf32, #tpu.memory_space<vmem>>[vector<16xi32>], vector<16xf32>,
            %add3A_228 = arith.addf %get3A_169, %gather3A_227 : vector<16xf32>
            %add3A_229 = arith.addi %get3A_109, %broadcast_in_dim3A_190 : vector<16xi32>
            %gather3A_230 = tpu.vector_load_idx %arg7[%add3A_229] : memref<32768xf32, #tpu.memory_space<vmem>>[vector<16xi32>], vector<16xf32>,
            %add3A_231 = arith.addf %get3A_173, %gather3A_230 : vector<16xf32>
            %add3A_232 = arith.addi %get3A_113, %broadcast_in_dim3A_190 : vector<16xi32>
            %gather3A_233 = tpu.vector_load_idx %arg7[%add3A_232] : memref<32768xf32, #tpu.memory_space<vmem>>[vector<16xi32>], vector<16xf32>,
            %add3A_234 = arith.addf %get3A_177, %gather3A_233 : vector<16xf32>
            %add3A_235 = arith.addi %get3A_117, %broadcast_in_dim3A_190 : vector<16xi32>
            %gather3A_236 = tpu.vector_load_idx %arg7[%add3A_235] : memref<32768xf32, #tpu.memory_space<vmem>>[vector<16xi32>], vector<16xf32>,
            %add3A_237 = arith.addf %get3A_181, %gather3A_236 : vector<16xf32>
            %min3A = arith.minimumf %add3A_192, %add3A_195 : vector<16xf32>
            %min3A_238 = arith.minimumf %add3A_198, %add3A_201 : vector<16xf32>
            %min3A_239 = arith.minimumf %add3A_204, %add3A_207 : vector<16xf32>
            %min3A_240 = arith.minimumf %add3A_210, %add3A_213 : vector<16xf32>
            %min3A_241 = arith.minimumf %add3A_216, %add3A_219 : vector<16xf32>
            %min3A_242 = arith.minimumf %add3A_222, %add3A_225 : vector<16xf32>
            %min3A_243 = arith.minimumf %add3A_228, %add3A_231 : vector<16xf32>
            %min3A_244 = arith.minimumf %add3A_234, %add3A_237 : vector<16xf32>
            %min3A_245 = arith.minimumf %min3A, %min3A_238 : vector<16xf32>
            %min3A_246 = arith.minimumf %min3A_239, %min3A_240 : vector<16xf32>
            %min3A_247 = arith.minimumf %min3A_241, %min3A_242 : vector<16xf32>
            %min3A_248 = arith.minimumf %min3A_243, %min3A_244 : vector<16xf32>
            %min3A_249 = arith.minimumf %min3A_245, %min3A_246 : vector<16xf32>
            %min3A_250 = arith.minimumf %min3A_247, %min3A_248 : vector<16xf32>
            %min3A_251 = arith.minimumf %min3A_249, %min3A_250 : vector<16xf32>
            %add3A_252 = arith.addi %mul3A_189, %mul3A_53 : i32
            %get3A_253 = arith.index_cast %add3A_252 : i32 to index
            %get3A_254 = tpu.vector_load %arg7[%get3A_253] {strides = array<i32>} : memref<32768xf32, #tpu.memory_space<vmem>>, vector<16xf32>,
            %min3A_255 = arith.minimumf %get3A_254, %min3A_251 : vector<16xf32>
            %add3A_256 = arith.addi %mul3A_189, %mul3A_53 : i32
            %swap3A_257 = arith.index_cast %add3A_256 : i32 to index
            %swap3A_258 = tpu.vector_load %arg8[%swap3A_257] {strides = array<i32>} : memref<32768xf32, #tpu.memory_space<vmem>>, vector<16xf32>,
            tpu.vector_store %arg8[%swap3A_257], %min3A_255 {strides = array<i32>} : memref<32768xf32, #tpu.memory_space<vmem>>, vector<16xf32>,
          }
          %scan3A_186 = arith.constant 32 : i32
        }
        %scan3A_40 = arith.constant 64 : i32
        %broadcast_in_dim3A_41 = arith.constant 0 : i32
        %broadcast_in_dim3A_42 = vector.broadcast %broadcast_in_dim3A_41 : i32 to vector<16xi32>
        %scan3A_43 = arith.constant 0 : i32
        %scan3A_44 = arith.constant 64 : i32
        %scan3A_45 = arith.addi %scan3A_43, %scan3A_44 : i32
        %scan3A_46 = arith.constant 1 : i32
        %scan3A_47 = scf.for %scan3A_51 = %scan3A_43 to %scan3A_45 step %scan3A_46 iter_args(%scan3A_52 = %broadcast_in_dim3A_42) -> (vector<16xi32>)  : i32 {
          %mul3A_53 = arith.constant 16 : i32
          %mul3A_54 = arith.muli %scan3A_51, %mul3A_53 : i32
          %get3A_55 = arith.constant 0 : i32
          %get3A_56 = arith.index_cast %get3A_55 : i32 to index
          %get3A_57 = arith.index_cast %mul3A_54 : i32 to index
          %get3A_58 = tpu.vector_load %arg6[%get3A_56, %get3A_57] {strides = array<i32>} : memref<16x1024xi32, #tpu.memory_space<vmem>>, vector<16xi32>,
          %get3A_59 = arith.constant 1 : i32
          %get3A_60 = arith.index_cast %get3A_59 : i32 to index
          %get3A_61 = arith.index_cast %mul3A_54 : i32 to index
          %get3A_62 = tpu.vector_load %arg6[%get3A_60, %get3A_61] {strides = array<i32>} : memref<16x1024xi32, #tpu.memory_space<vmem>>, vector<16xi32>,
          %get3A_63 = arith.constant 2 : i32
          %get3A_64 = arith.index_cast %get3A_63 : i32 to index
          %get3A_65 = arith.index_cast %mul3A_54 : i32 to index
          %get3A_66 = tpu.vector_load %arg6[%get3A_64, %get3A_65] {strides = array<i32>} : memref<16x1024xi32, #tpu.memory_space<vmem>>, vector<16xi32>,
          %get3A_67 = arith.constant 3 : i32
          %get3A_68 = arith.index_cast %get3A_67 : i32 to index
          %get3A_69 = arith.index_cast %mul3A_54 : i32 to index
          %get3A_70 = tpu.vector_load %arg6[%get3A_68, %get3A_69] {strides = array<i32>} : memref<16x1024xi32, #tpu.memory_space<vmem>>, vector<16xi32>,
          %get3A_71 = arith.constant 4 : i32
          %get3A_72 = arith.index_cast %get3A_71 : i32 to index
          %get3A_73 = arith.index_cast %mul3A_54 : i32 to index
          %get3A_74 = tpu.vector_load %arg6[%get3A_72, %get3A_73] {strides = array<i32>} : memref<16x1024xi32, #tpu.memory_space<vmem>>, vector<16xi32>,
          %get3A_75 = arith.constant 5 : i32
          %get3A_76 = arith.index_cast %get3A_75 : i32 to index
          %get3A_77 = arith.index_cast %mul3A_54 : i32 to index
          %get3A_78 = tpu.vector_load %arg6[%get3A_76, %get3A_77] {strides = array<i32>} : memref<16x1024xi32, #tpu.memory_space<vmem>>, vector<16xi32>,
          %get3A_79 = arith.constant 6 : i32
          %get3A_80 = arith.index_cast %get3A_79 : i32 to index
          %get3A_81 = arith.index_cast %mul3A_54 : i32 to index
          %get3A_82 = tpu.vector_load %arg6[%get3A_80, %get3A_81] {strides = array<i32>} : memref<16x1024xi32, #tpu.memory_space<vmem>>, vector<16xi32>,
          %get3A_83 = arith.constant 7 : i32
          %get3A_84 = arith.index_cast %get3A_83 : i32 to index
          %get3A_85 = arith.index_cast %mul3A_54 : i32 to index
          %get3A_86 = tpu.vector_load %arg6[%get3A_84, %get3A_85] {strides = array<i32>} : memref<16x1024xi32, #tpu.memory_space<vmem>>, vector<16xi32>,
          %get3A_87 = arith.constant 8 : i32
          %get3A_88 = arith.index_cast %get3A_87 : i32 to index
          %get3A_89 = arith.index_cast %mul3A_54 : i32 to index
          %get3A_90 = tpu.vector_load %arg6[%get3A_88, %get3A_89] {strides = array<i32>} : memref<16x1024xi32, #tpu.memory_space<vmem>>, vector<16xi32>,
          %get3A_91 = arith.constant 9 : i32
          %get3A_92 = arith.index_cast %get3A_91 : i32 to index
          %get3A_93 = arith.index_cast %mul3A_54 : i32 to index
          %get3A_94 = tpu.vector_load %arg6[%get3A_92, %get3A_93] {strides = array<i32>} : memref<16x1024xi32, #tpu.memory_space<vmem>>, vector<16xi32>,
          %get3A_95 = arith.constant 10 : i32
          %get3A_96 = arith.index_cast %get3A_95 : i32 to index
          %get3A_97 = arith.index_cast %mul3A_54 : i32 to index
          %get3A_98 = tpu.vector_load %arg6[%get3A_96, %get3A_97] {strides = array<i32>} : memref<16x1024xi32, #tpu.memory_space<vmem>>, vector<16xi32>,
          %get3A_99 = arith.constant 11 : i32
          %get3A_100 = arith.index_cast %get3A_99 : i32 to index
          %get3A_101 = arith.index_cast %mul3A_54 : i32 to index
          %get3A_102 = tpu.vector_load %arg6[%get3A_100, %get3A_101] {strides = array<i32>} : memref<16x1024xi32, #tpu.memory_space<vmem>>, vector<16xi32>,
          %get3A_103 = arith.constant 12 : i32
          %get3A_104 = arith.index_cast %get3A_103 : i32 to index
          %get3A_105 = arith.index_cast %mul3A_54 : i32 to index
          %get3A_106 = tpu.vector_load %arg6[%get3A_104, %get3A_105] {strides = array<i32>} : memref<16x1024xi32, #tpu.memory_space<vmem>>, vector<16xi32>,
          %get3A_107 = arith.constant 13 : i32
          %get3A_108 = arith.index_cast %get3A_107 : i32 to index
          %get3A_109 = arith.index_cast %mul3A_54 : i32 to index
          %get3A_110 = tpu.vector_load %arg6[%get3A_108, %get3A_109] {strides = array<i32>} : memref<16x1024xi32, #tpu.memory_space<vmem>>, vector<16xi32>,
          %get3A_111 = arith.constant 14 : i32
          %get3A_112 = arith.index_cast %get3A_111 : i32 to index
          %get3A_113 = arith.index_cast %mul3A_54 : i32 to index
          %get3A_114 = tpu.vector_load %arg6[%get3A_112, %get3A_113] {strides = array<i32>} : memref<16x1024xi32, #tpu.memory_space<vmem>>, vector<16xi32>,
          %get3A_115 = arith.constant 15 : i32
          %get3A_116 = arith.index_cast %get3A_115 : i32 to index
          %get3A_117 = arith.index_cast %mul3A_54 : i32 to index
          %get3A_118 = tpu.vector_load %arg6[%get3A_116, %get3A_117] {strides = array<i32>} : memref<16x1024xi32, #tpu.memory_space<vmem>>, vector<16xi32>,
          %get3A_119 = arith.constant 0 : i32
          %get3A_120 = arith.index_cast %get3A_119 : i32 to index
          %get3A_121 = arith.index_cast %mul3A_54 : i32 to index
          %get3A_122 = tpu.vector_load %arg5[%get3A_120, %get3A_121] {strides = array<i32>} : memref<16x1024xf32, #tpu.memory_space<vmem>>, vector<16xf32>,
          %get3A_123 = arith.constant 1 : i32
          %get3A_124 = arith.index_cast %get3A_123 : i32 to index
          %get3A_125 = arith.index_cast %mul3A_54 : i32 to index
          %get3A_126 = tpu.vector_load %arg5[%get3A_124, %get3A_125] {strides = array<i32>} : memref<16x1024xf32, #tpu.memory_space<vmem>>, vector<16xf32>,
          %get3A_127 = arith.constant 2 : i32
          %get3A_128 = arith.index_cast %get3A_127 : i32 to index
          %get3A_129 = arith.index_cast %mul3A_54 : i32 to index
          %get3A_130 = tpu.vector_load %arg5[%get3A_128, %get3A_129] {strides = array<i32>} : memref<16x1024xf32, #tpu.memory_space<vmem>>, vector<16xf32>,
          %get3A_131 = arith.constant 3 : i32
          %get3A_132 = arith.index_cast %get3A_131 : i32 to index
          %get3A_133 = arith.index_cast %mul3A_54 : i32 to index
          %get3A_134 = tpu.vector_load %arg5[%get3A_132, %get3A_133] {strides = array<i32>} : memref<16x1024xf32, #tpu.memory_space<vmem>>, vector<16xf32>,
          %get3A_135 = arith.constant 4 : i32
          %get3A_136 = arith.index_cast %get3A_135 : i32 to index
          %get3A_137 = arith.index_cast %mul3A_54 : i32 to index
          %get3A_138 = tpu.vector_load %arg5[%get3A_136, %get3A_137] {strides = array<i32>} : memref<16x1024xf32, #tpu.memory_space<vmem>>, vector<16xf32>,
          %get3A_139 = arith.constant 5 : i32
          %get3A_140 = arith.index_cast %get3A_139 : i32 to index
          %get3A_141 = arith.index_cast %mul3A_54 : i32 to index
          %get3A_142 = tpu.vector_load %arg5[%get3A_140, %get3A_141] {strides = array<i32>} : memref<16x1024xf32, #tpu.memory_space<vmem>>, vector<16xf32>,
          %get3A_143 = arith.constant 6 : i32
          %get3A_144 = arith.index_cast %get3A_143 : i32 to index
          %get3A_145 = arith.index_cast %mul3A_54 : i32 to index
          %get3A_146 = tpu.vector_load %arg5[%get3A_144, %get3A_145] {strides = array<i32>} : memref<16x1024xf32, #tpu.memory_space<vmem>>, vector<16xf32>,
          %get3A_147 = arith.constant 7 : i32
          %get3A_148 = arith.index_cast %get3A_147 : i32 to index
          %get3A_149 = arith.index_cast %mul3A_54 : i32 to index
          %get3A_150 = tpu.vector_load %arg5[%get3A_148, %get3A_149] {strides = array<i32>} : memref<16x1024xf32, #tpu.memory_space<vmem>>, vector<16xf32>,
          %get3A_151 = arith.constant 8 : i32
          %get3A_152 = arith.index_cast %get3A_151 : i32 to index
          %get3A_153 = arith.index_cast %mul3A_54 : i32 to index
          %get3A_154 = tpu.vector_load %arg5[%get3A_152, %get3A_153] {strides = array<i32>} : memref<16x1024xf32, #tpu.memory_space<vmem>>, vector<16xf32>,
          %get3A_155 = arith.constant 9 : i32
          %get3A_156 = arith.index_cast %get3A_155 : i32 to index
          %get3A_157 = arith.index_cast %mul3A_54 : i32 to index
          %get3A_158 = tpu.vector_load %arg5[%get3A_156, %get3A_157] {strides = array<i32>} : memref<16x1024xf32, #tpu.memory_space<vmem>>, vector<16xf32>,
          %get3A_159 = arith.constant 10 : i32
          %get3A_160 = arith.index_cast %get3A_159 : i32 to index
          %get3A_161 = arith.index_cast %mul3A_54 : i32 to index
          %get3A_162 = tpu.vector_load %arg5[%get3A_160, %get3A_161] {strides = array<i32>} : memref<16x1024xf32, #tpu.memory_space<vmem>>, vector<16xf32>,
          %get3A_163 = arith.constant 11 : i32
          %get3A_164 = arith.index_cast %get3A_163 : i32 to index
          %get3A_165 = arith.index_cast %mul3A_54 : i32 to index
          %get3A_166 = tpu.vector_load %arg5[%get3A_164, %get3A_165] {strides = array<i32>} : memref<16x1024xf32, #tpu.memory_space<vmem>>, vector<16xf32>,
          %get3A_167 = arith.constant 12 : i32
          %get3A_168 = arith.index_cast %get3A_167 : i32 to index
          %get3A_169 = arith.index_cast %mul3A_54 : i32 to index
          %get3A_170 = tpu.vector_load %arg5[%get3A_168, %get3A_169] {strides = array<i32>} : memref<16x1024xf32, #tpu.memory_space<vmem>>, vector<16xf32>,
          %get3A_171 = arith.constant 13 : i32
          %get3A_172 = arith.index_cast %get3A_171 : i32 to index
          %get3A_173 = arith.index_cast %mul3A_54 : i32 to index
          %get3A_174 = tpu.vector_load %arg5[%get3A_172, %get3A_173] {strides = array<i32>} : memref<16x1024xf32, #tpu.memory_space<vmem>>, vector<16xf32>,
          %get3A_175 = arith.constant 14 : i32
          %get3A_176 = arith.index_cast %get3A_175 : i32 to index
          %get3A_177 = arith.index_cast %mul3A_54 : i32 to index
          %get3A_178 = tpu.vector_load %arg5[%get3A_176, %get3A_177] {strides = array<i32>} : memref<16x1024xf32, #tpu.memory_space<vmem>>, vector<16xf32>,
          %get3A_179 = arith.constant 15 : i32
          %get3A_180 = arith.index_cast %get3A_179 : i32 to index
          %get3A_181 = arith.index_cast %mul3A_54 : i32 to index
          %get3A_182 = tpu.vector_load %arg5[%get3A_180, %get3A_181] {strides = array<i32>} : memref<16x1024xf32, #tpu.memory_space<vmem>>, vector<16xf32>,
          %scan3A_183 = arith.constant 0 : i32
          %scan3A_184 = arith.constant 32 : i32
          %scan3A_185 = arith.addi %scan3A_183, %scan3A_184 : i32
          %scan3A_186 = arith.constant 1 : i32
          %scan3A_187 = scf.for %scan3A_189 = %scan3A_183 to %scan3A_185 step %scan3A_186 iter_args(%scan3A_190 = %scan3A_52) -> (vector<16xi32>)  : i32 {
            %mul3A_191 = arith.constant 1024 : i32
            %mul3A_192 = arith.muli %scan3A_189, %mul3A_191 : i32
            %broadcast_in_dim3A_193 = vector.broadcast %mul3A_192 : i32 to vector<16xi32>
            %add3A_194 = arith.addi %get3A_58, %broadcast_in_dim3A_193 : vector<16xi32>
            %gather3A = tpu.vector_load_idx %arg8[%add3A_194] : memref<32768xf32, #tpu.memory_space<vmem>>[vector<16xi32>], vector<16xf32>,
            %add3A_195 = arith.addf %get3A_122, %gather3A : vector<16xf32>
            %add3A_196 = arith.addi %get3A_62, %broadcast_in_dim3A_193 : vector<16xi32>
            %gather3A_197 = tpu.vector_load_idx %arg8[%add3A_196] : memref<32768xf32, #tpu.memory_space<vmem>>[vector<16xi32>], vector<16xf32>,
            %add3A_198 = arith.addf %get3A_126, %gather3A_197 : vector<16xf32>
            %add3A_199 = arith.addi %get3A_66, %broadcast_in_dim3A_193 : vector<16xi32>
            %gather3A_200 = tpu.vector_load_idx %arg8[%add3A_199] : memref<32768xf32, #tpu.memory_space<vmem>>[vector<16xi32>], vector<16xf32>,
            %add3A_201 = arith.addf %get3A_130, %gather3A_200 : vector<16xf32>
            %add3A_202 = arith.addi %get3A_70, %broadcast_in_dim3A_193 : vector<16xi32>
            %gather3A_203 = tpu.vector_load_idx %arg8[%add3A_202] : memref<32768xf32, #tpu.memory_space<vmem>>[vector<16xi32>], vector<16xf32>,
            %add3A_204 = arith.addf %get3A_134, %gather3A_203 : vector<16xf32>
            %add3A_205 = arith.addi %get3A_74, %broadcast_in_dim3A_193 : vector<16xi32>
            %gather3A_206 = tpu.vector_load_idx %arg8[%add3A_205] : memref<32768xf32, #tpu.memory_space<vmem>>[vector<16xi32>], vector<16xf32>,
            %add3A_207 = arith.addf %get3A_138, %gather3A_206 : vector<16xf32>
            %add3A_208 = arith.addi %get3A_78, %broadcast_in_dim3A_193 : vector<16xi32>
            %gather3A_209 = tpu.vector_load_idx %arg8[%add3A_208] : memref<32768xf32, #tpu.memory_space<vmem>>[vector<16xi32>], vector<16xf32>,
            %add3A_210 = arith.addf %get3A_142, %gather3A_209 : vector<16xf32>
            %add3A_211 = arith.addi %get3A_82, %broadcast_in_dim3A_193 : vector<16xi32>
            %gather3A_212 = tpu.vector_load_idx %arg8[%add3A_211] : memref<32768xf32, #tpu.memory_space<vmem>>[vector<16xi32>], vector<16xf32>,
            %add3A_213 = arith.addf %get3A_146, %gather3A_212 : vector<16xf32>
            %add3A_214 = arith.addi %get3A_86, %broadcast_in_dim3A_193 : vector<16xi32>
            %gather3A_215 = tpu.vector_load_idx %arg8[%add3A_214] : memref<32768xf32, #tpu.memory_space<vmem>>[vector<16xi32>], vector<16xf32>,
            %add3A_216 = arith.addf %get3A_150, %gather3A_215 : vector<16xf32>
            %add3A_217 = arith.addi %get3A_90, %broadcast_in_dim3A_193 : vector<16xi32>
            %gather3A_218 = tpu.vector_load_idx %arg8[%add3A_217] : memref<32768xf32, #tpu.memory_space<vmem>>[vector<16xi32>], vector<16xf32>,
            %add3A_219 = arith.addf %get3A_154, %gather3A_218 : vector<16xf32>
            %add3A_220 = arith.addi %get3A_94, %broadcast_in_dim3A_193 : vector<16xi32>
            %gather3A_221 = tpu.vector_load_idx %arg8[%add3A_220] : memref<32768xf32, #tpu.memory_space<vmem>>[vector<16xi32>], vector<16xf32>,
            %add3A_222 = arith.addf %get3A_158, %gather3A_221 : vector<16xf32>
            %add3A_223 = arith.addi %get3A_98, %broadcast_in_dim3A_193 : vector<16xi32>
            %gather3A_224 = tpu.vector_load_idx %arg8[%add3A_223] : memref<32768xf32, #tpu.memory_space<vmem>>[vector<16xi32>], vector<16xf32>,
            %add3A_225 = arith.addf %get3A_162, %gather3A_224 : vector<16xf32>
            %add3A_226 = arith.addi %get3A_102, %broadcast_in_dim3A_193 : vector<16xi32>
            %gather3A_227 = tpu.vector_load_idx %arg8[%add3A_226] : memref<32768xf32, #tpu.memory_space<vmem>>[vector<16xi32>], vector<16xf32>,
            %add3A_228 = arith.addf %get3A_166, %gather3A_227 : vector<16xf32>
            %add3A_229 = arith.addi %get3A_106, %broadcast_in_dim3A_193 : vector<16xi32>
            %gather3A_230 = tpu.vector_load_idx %arg8[%add3A_229] : memref<32768xf32, #tpu.memory_space<vmem>>[vector<16xi32>], vector<16xf32>,
            %add3A_231 = arith.addf %get3A_170, %gather3A_230 : vector<16xf32>
            %add3A_232 = arith.addi %get3A_110, %broadcast_in_dim3A_193 : vector<16xi32>
            %gather3A_233 = tpu.vector_load_idx %arg8[%add3A_232] : memref<32768xf32, #tpu.memory_space<vmem>>[vector<16xi32>], vector<16xf32>,
            %add3A_234 = arith.addf %get3A_174, %gather3A_233 : vector<16xf32>
            %add3A_235 = arith.addi %get3A_114, %broadcast_in_dim3A_193 : vector<16xi32>
            %gather3A_236 = tpu.vector_load_idx %arg8[%add3A_235] : memref<32768xf32, #tpu.memory_space<vmem>>[vector<16xi32>], vector<16xf32>,
            %add3A_237 = arith.addf %get3A_178, %gather3A_236 : vector<16xf32>
            %add3A_238 = arith.addi %get3A_118, %broadcast_in_dim3A_193 : vector<16xi32>
            %gather3A_239 = tpu.vector_load_idx %arg8[%add3A_238] : memref<32768xf32, #tpu.memory_space<vmem>>[vector<16xi32>], vector<16xf32>,
            %add3A_240 = arith.addf %get3A_182, %gather3A_239 : vector<16xf32>
            %min3A = arith.minimumf %add3A_195, %add3A_198 : vector<16xf32>
            %min3A_241 = arith.minimumf %add3A_201, %add3A_204 : vector<16xf32>
            %min3A_242 = arith.minimumf %add3A_207, %add3A_210 : vector<16xf32>
            %min3A_243 = arith.minimumf %add3A_213, %add3A_216 : vector<16xf32>
            %min3A_244 = arith.minimumf %add3A_219, %add3A_222 : vector<16xf32>
            %min3A_245 = arith.minimumf %add3A_225, %add3A_228 : vector<16xf32>
            %min3A_246 = arith.minimumf %add3A_231, %add3A_234 : vector<16xf32>
            %min3A_247 = arith.minimumf %add3A_237, %add3A_240 : vector<16xf32>
            %min3A_248 = arith.minimumf %min3A, %min3A_241 : vector<16xf32>
            %min3A_249 = arith.minimumf %min3A_242, %min3A_243 : vector<16xf32>
            %min3A_250 = arith.minimumf %min3A_244, %min3A_245 : vector<16xf32>
            %min3A_251 = arith.minimumf %min3A_246, %min3A_247 : vector<16xf32>
            %min3A_252 = arith.minimumf %min3A_248, %min3A_249 : vector<16xf32>
            %min3A_253 = arith.minimumf %min3A_250, %min3A_251 : vector<16xf32>
            %min3A_254 = arith.minimumf %min3A_252, %min3A_253 : vector<16xf32>
            %add3A_255 = arith.addi %mul3A_192, %mul3A_54 : i32
            %get3A_256 = arith.index_cast %add3A_255 : i32 to index
            %get3A_257 = tpu.vector_load %arg8[%get3A_256] {strides = array<i32>} : memref<32768xf32, #tpu.memory_space<vmem>>, vector<16xf32>,
            %min3A_258 = arith.minimumf %get3A_257, %min3A_254 : vector<16xf32>
            %add3A_259 = arith.addi %mul3A_192, %mul3A_54 : i32
            %swap3A_260 = arith.index_cast %add3A_259 : i32 to index
            %swap3A_261 = tpu.vector_load %arg7[%swap3A_260] {strides = array<i32>} : memref<32768xf32, #tpu.memory_space<vmem>>, vector<16xf32>,
            tpu.vector_store %arg7[%swap3A_260], %min3A_258 {strides = array<i32>} : memref<32768xf32, #tpu.memory_space<vmem>>, vector<16xf32>,
            %ne3A = arith.cmpf one, %min3A_258, %get3A_257 : vector<16xf32>
            %jit3A = arith.constant 1 : i32
            %broadcast_in_dim3A_262 = vector.broadcast %jit3A : i32 to vector<16xi32>
            %select_n3A = arith.select %ne3A, %broadcast_in_dim3A_262, %scan3A_190 : vector<16xi1>, vector<16xi32>
            scf.yield %select_n3A : vector<16xi32>
          }
          %scan3A_188 = arith.constant 32 : i32
          scf.yield %scan3A_187 : vector<16xi32>
        }
        %scan3A_48 = arith.constant 64 : i32
        %swap3A_49 = arith.constant 0 : index
        %swap3A_50 = tpu.vector_load %arg9[%swap3A_49] {strides = array<i32>} : memref<16xi32, #tpu.memory_space<vmem>>, vector<16xi32>,
        tpu.vector_store %arg9[%swap3A_49], %scan3A_47 {strides = array<i32>} : memref<16xi32, #tpu.memory_space<vmem>>, vector<16xi32>,
      } else {
      }
      %get3A = arith.constant 0 : index
      %get3A_26 = tpu.vector_load %arg9[%get3A] {strides = array<i32>} : memref<16xi32, #tpu.memory_space<vmem>>, vector<16xi32>,
      %reduce_max3A = arith.constant true
      %reduce_max3A_27 = vector.broadcast %reduce_max3A : i1 to vector<16xi1>
      %reduce_max3A_28 = arith.constant -2147483648 : i32
      %reduce_max3A_29 = vector.broadcast %reduce_max3A_28 : i32 to vector<16xi32>
      %reduce_max3A_30 = arith.xori %get3A_26, %reduce_max3A_29 : vector<16xi32>
      %reduce_max3A_31 = tpu.scan <max>, %reduce_max3A_30 masked %reduce_max3A_27 : vector<16xi32>, vector<16xi1> -> vector<16xi32>
      %reduce_max3A_32 = arith.xori %reduce_max3A_31, %reduce_max3A_29 : vector<16xi32>
      %reduce_max3A_33 = vector.extract %reduce_max3A_32[15] : i32 from vector<16xi32>
      scf.yield %reduce_max3A_33 : i32
    }
    %scan3A_17 = arith.constant 16 : i32
    %mul3A_18 = arith.constant 32 : i32
    %mul3A_19 = arith.muli %add3A, %mul3A_18 : i32
    %mul3A_20 = arith.constant 1024 : i32
    %mul3A_21 = arith.muli %mul3A_19, %mul3A_20 : i32
    "tpu.region"() ({
      %run_scoped3A = tpu.sem_alloc : memref<!tpu.dma_semaphore, #tpu.memory_space<semaphore_mem>>
      %dma_start3A = tpu.memref_slice %arg4[%mul3A_21] : memref<1048576xf32, #tpu.memory_space<hbm>> -> memref<32768xf32, #tpu.memory_space<hbm>>
      %dma_start3A_22 = tpu.memref_slice %arg4[%mul3A_21] : memref<1048576xf32, #tpu.memory_space<hbm>> -> memref<32768xf32, #tpu.memory_space<hbm>>
      tpu.enqueue_dma source(%arg7 : memref<32768xf32, #tpu.memory_space<vmem>>) target(%dma_start3A_22 : memref<32768xf32, #tpu.memory_space<hbm>>) target_semaphore(%run_scoped3A : memref<!tpu.dma_semaphore, #tpu.memory_space<semaphore_mem>>)
      %dma_wait3A = tpu.memref_slice %arg4[%mul3A_21] : memref<1048576xf32, #tpu.memory_space<hbm>> -> memref<32768xf32, #tpu.memory_space<hbm>>
      %dma_wait3A_23 = tpu.memref_slice %arg4[%mul3A_21] : memref<1048576xf32, #tpu.memory_space<hbm>> -> memref<32768xf32, #tpu.memory_space<hbm>>
      tpu.wait_dma2 semaphore(%run_scoped3A : memref<!tpu.dma_semaphore, #tpu.memory_space<semaphore_mem>>) src(%arg7 : memref<32768xf32, #tpu.memory_space<vmem>>) dst(%dma_wait3A_23 : memref<32768xf32, #tpu.memory_space<hbm>>)
      tpu.yield
    }) : () -> ()
    return
  }
}

module attributes {stable_mosaic.version = 14 : i64} {
  func.func @_knn_body(%arg0: memref<1024x3xf32, #tpu.memory_space<vmem>>, %arg1: memref<3x1024xf32, #tpu.memory_space<vmem>>, %arg2: memref<1024x16xf32, #tpu.memory_space<vmem>>, %arg3: memref<1024x16xi32, #tpu.memory_space<vmem>>) attributes {dimension_semantics = [], scalar_prefetch = 0 : i64, scratch_operands = 0 : i64, tpu.core_type = #tpu.core_type<tc>} {
    %get3A = arith.constant 0 : index
    %get3A_0 = arith.constant 0 : index
    %get3A_1 = vector.load %arg0[%get3A, %get3A_0] : memref<1024x3xf32, #tpu.memory_space<vmem>>, vector<1024x3xf32>
    %get3A_2 = arith.constant 0 : index
    %get3A_3 = arith.constant 0 : index
    %get3A_4 = vector.load %arg1[%get3A_2, %get3A_3] : memref<3x1024xf32, #tpu.memory_space<vmem>>, vector<3x1024xf32>
    %broadcast_in_dim3A = arith.constant 0.000000e+00 : f32
    %broadcast_in_dim3A_5 = vector.broadcast %broadcast_in_dim3A : f32 to vector<1024x1024xf32>
    %slice3A = vector.extract_strided_slice %get3A_1 {offsets = [0, 0], sizes = [1024, 1], strides = [1, 1]} : vector<1024x3xf32> to vector<1024x1xf32>
    %slice3A_6 = vector.extract_strided_slice %get3A_4 {offsets = [0, 0], sizes = [1, 1024], strides = [1, 1]} : vector<3x1024xf32> to vector<1x1024xf32>
    %sub3A = vector.broadcast %slice3A : vector<1024x1xf32> to vector<1024x1024xf32>
    %sub3A_7 = vector.broadcast %slice3A_6 : vector<1x1024xf32> to vector<1024x1024xf32>
    %sub3A_8 = arith.subf %sub3A, %sub3A_7 : vector<1024x1024xf32>
    %mul3A = arith.mulf %sub3A_8, %sub3A_8 : vector<1024x1024xf32>
    %add3A = arith.addf %broadcast_in_dim3A_5, %mul3A : vector<1024x1024xf32>
    %slice3A_9 = vector.extract_strided_slice %get3A_1 {offsets = [0, 1], sizes = [1024, 1], strides = [1, 1]} : vector<1024x3xf32> to vector<1024x1xf32>
    %slice3A_10 = vector.extract_strided_slice %get3A_4 {offsets = [1, 0], sizes = [1, 1024], strides = [1, 1]} : vector<3x1024xf32> to vector<1x1024xf32>
    %sub3A_11 = vector.broadcast %slice3A_9 : vector<1024x1xf32> to vector<1024x1024xf32>
    %sub3A_12 = vector.broadcast %slice3A_10 : vector<1x1024xf32> to vector<1024x1024xf32>
    %sub3A_13 = arith.subf %sub3A_11, %sub3A_12 : vector<1024x1024xf32>
    %mul3A_14 = arith.mulf %sub3A_13, %sub3A_13 : vector<1024x1024xf32>
    %add3A_15 = arith.addf %add3A, %mul3A_14 : vector<1024x1024xf32>
    %slice3A_16 = vector.extract_strided_slice %get3A_1 {offsets = [0, 2], sizes = [1024, 1], strides = [1, 1]} : vector<1024x3xf32> to vector<1024x1xf32>
    %slice3A_17 = vector.extract_strided_slice %get3A_4 {offsets = [2, 0], sizes = [1, 1024], strides = [1, 1]} : vector<3x1024xf32> to vector<1x1024xf32>
    %sub3A_18 = vector.broadcast %slice3A_16 : vector<1024x1xf32> to vector<1024x1024xf32>
    %sub3A_19 = vector.broadcast %slice3A_17 : vector<1x1024xf32> to vector<1024x1024xf32>
    %sub3A_20 = arith.subf %sub3A_18, %sub3A_19 : vector<1024x1024xf32>
    %mul3A_21 = arith.mulf %sub3A_20, %sub3A_20 : vector<1024x1024xf32>
    %add3A_22 = arith.addf %add3A_15, %mul3A_21 : vector<1024x1024xf32>
    %iota3A = tpu.iota {dimensions = array<i32: 1>} : vector<1024x1024xi32>
    %max3A = arith.constant 9.99999996E-13 : f32
    %max3A_23 = vector.broadcast %max3A : f32 to vector<1024x1024xf32>
    %max3A_24 = arith.maximumf %add3A_22, %max3A_23 : vector<1024x1024xf32>
    %sqrt3A = math.sqrt %max3A_24 : vector<1024x1024xf32>
    %reduce_min3A = arith.constant dense<0x7F800000> : vector<1024xf32>
    %reduce_min3A_25 = vector.multi_reduction <minimumf>, %sqrt3A, %reduce_min3A [1] : vector<1024x1024xf32> to vector<1024xf32>
    %broadcast_in_dim3A_26 = vector.shape_cast %reduce_min3A_25 : vector<1024xf32> to vector<1024x1xf32>
    %le3A = vector.broadcast %broadcast_in_dim3A_26 : vector<1024x1xf32> to vector<1024x1024xf32>
    %le3A_27 = arith.cmpf ole, %sqrt3A, %le3A : vector<1024x1024xf32>
    %jit3A = arith.constant 1024 : i32
    %broadcast_in_dim3A_28 = vector.broadcast %jit3A : i32 to vector<1024x1024xi32>
    %select_n3A = arith.select %le3A_27, %iota3A, %broadcast_in_dim3A_28 : vector<1024x1024xi1>, vector<1024x1024xi32>
    %reduce_min3A_29 = arith.constant dense<2147483647> : vector<1024xi32>
    %reduce_min3A_30 = vector.multi_reduction <minsi>, %select_n3A, %reduce_min3A_29 [1] : vector<1024x1024xi32> to vector<1024xi32>
    %broadcast_in_dim3A_31 = vector.shape_cast %reduce_min3A_30 : vector<1024xi32> to vector<1024x1xi32>
    %swap3A = arith.constant 0 : index
    %swap3A_32 = arith.constant 0 : index
    %swap3A_33 = vector.load %arg2[%swap3A, %swap3A_32] : memref<1024x16xf32, #tpu.memory_space<vmem>>, vector<1024x1xf32>
    tpu.vector_store %arg2[%swap3A, %swap3A_32], %broadcast_in_dim3A_26 {strides = array<i32>} : memref<1024x16xf32, #tpu.memory_space<vmem>>, vector<1024x1xf32>,
    %swap3A_34 = arith.constant 0 : index
    %swap3A_35 = arith.constant 0 : index
    %swap3A_36 = vector.load %arg3[%swap3A_34, %swap3A_35] : memref<1024x16xi32, #tpu.memory_space<vmem>>, vector<1024x1xi32>
    tpu.vector_store %arg3[%swap3A_34, %swap3A_35], %broadcast_in_dim3A_31 {strides = array<i32>} : memref<1024x16xi32, #tpu.memory_space<vmem>>, vector<1024x1xi32>,
    %eq3A = vector.broadcast %broadcast_in_dim3A_31 : vector<1024x1xi32> to vector<1024x1024xi32>
    %eq3A_37 = arith.cmpi eq, %iota3A, %eq3A : vector<1024x1024xi32>
    %jit3A_38 = arith.constant 0x7F800000 : f32
    %broadcast_in_dim3A_39 = vector.broadcast %jit3A_38 : f32 to vector<1024x1024xf32>
    %select_n3A_40 = arith.select %eq3A_37, %broadcast_in_dim3A_39, %sqrt3A : vector<1024x1024xi1>, vector<1024x1024xf32>
    %reduce_min3A_41 = arith.constant dense<0x7F800000> : vector<1024xf32>
    %reduce_min3A_42 = vector.multi_reduction <minimumf>, %select_n3A_40, %reduce_min3A_41 [1] : vector<1024x1024xf32> to vector<1024xf32>
    %broadcast_in_dim3A_43 = vector.shape_cast %reduce_min3A_42 : vector<1024xf32> to vector<1024x1xf32>
    %le3A_44 = vector.broadcast %broadcast_in_dim3A_43 : vector<1024x1xf32> to vector<1024x1024xf32>
    %le3A_45 = arith.cmpf ole, %select_n3A_40, %le3A_44 : vector<1024x1024xf32>
    %jit3A_46 = arith.constant 1024 : i32
    %broadcast_in_dim3A_47 = vector.broadcast %jit3A_46 : i32 to vector<1024x1024xi32>
    %select_n3A_48 = arith.select %le3A_45, %iota3A, %broadcast_in_dim3A_47 : vector<1024x1024xi1>, vector<1024x1024xi32>
    %reduce_min3A_49 = arith.constant dense<2147483647> : vector<1024xi32>
    %reduce_min3A_50 = vector.multi_reduction <minsi>, %select_n3A_48, %reduce_min3A_49 [1] : vector<1024x1024xi32> to vector<1024xi32>
    %broadcast_in_dim3A_51 = vector.shape_cast %reduce_min3A_50 : vector<1024xi32> to vector<1024x1xi32>
    %swap3A_52 = arith.constant 0 : index
    %swap3A_53 = arith.constant 1 : index
    %swap3A_54 = vector.load %arg2[%swap3A_52, %swap3A_53] : memref<1024x16xf32, #tpu.memory_space<vmem>>, vector<1024x1xf32>
    tpu.vector_store %arg2[%swap3A_52, %swap3A_53], %broadcast_in_dim3A_43 {strides = array<i32>} : memref<1024x16xf32, #tpu.memory_space<vmem>>, vector<1024x1xf32>,
    %swap3A_55 = arith.constant 0 : index
    %swap3A_56 = arith.constant 1 : index
    %swap3A_57 = vector.load %arg3[%swap3A_55, %swap3A_56] : memref<1024x16xi32, #tpu.memory_space<vmem>>, vector<1024x1xi32>
    tpu.vector_store %arg3[%swap3A_55, %swap3A_56], %broadcast_in_dim3A_51 {strides = array<i32>} : memref<1024x16xi32, #tpu.memory_space<vmem>>, vector<1024x1xi32>,
    %eq3A_58 = vector.broadcast %broadcast_in_dim3A_51 : vector<1024x1xi32> to vector<1024x1024xi32>
    %eq3A_59 = arith.cmpi eq, %iota3A, %eq3A_58 : vector<1024x1024xi32>
    %jit3A_60 = arith.constant 0x7F800000 : f32
    %broadcast_in_dim3A_61 = vector.broadcast %jit3A_60 : f32 to vector<1024x1024xf32>
    %select_n3A_62 = arith.select %eq3A_59, %broadcast_in_dim3A_61, %select_n3A_40 : vector<1024x1024xi1>, vector<1024x1024xf32>
    %reduce_min3A_63 = arith.constant dense<0x7F800000> : vector<1024xf32>
    %reduce_min3A_64 = vector.multi_reduction <minimumf>, %select_n3A_62, %reduce_min3A_63 [1] : vector<1024x1024xf32> to vector<1024xf32>
    %broadcast_in_dim3A_65 = vector.shape_cast %reduce_min3A_64 : vector<1024xf32> to vector<1024x1xf32>
    %le3A_66 = vector.broadcast %broadcast_in_dim3A_65 : vector<1024x1xf32> to vector<1024x1024xf32>
    %le3A_67 = arith.cmpf ole, %select_n3A_62, %le3A_66 : vector<1024x1024xf32>
    %jit3A_68 = arith.constant 1024 : i32
    %broadcast_in_dim3A_69 = vector.broadcast %jit3A_68 : i32 to vector<1024x1024xi32>
    %select_n3A_70 = arith.select %le3A_67, %iota3A, %broadcast_in_dim3A_69 : vector<1024x1024xi1>, vector<1024x1024xi32>
    %reduce_min3A_71 = arith.constant dense<2147483647> : vector<1024xi32>
    %reduce_min3A_72 = vector.multi_reduction <minsi>, %select_n3A_70, %reduce_min3A_71 [1] : vector<1024x1024xi32> to vector<1024xi32>
    %broadcast_in_dim3A_73 = vector.shape_cast %reduce_min3A_72 : vector<1024xi32> to vector<1024x1xi32>
    %swap3A_74 = arith.constant 0 : index
    %swap3A_75 = arith.constant 2 : index
    %swap3A_76 = vector.load %arg2[%swap3A_74, %swap3A_75] : memref<1024x16xf32, #tpu.memory_space<vmem>>, vector<1024x1xf32>
    tpu.vector_store %arg2[%swap3A_74, %swap3A_75], %broadcast_in_dim3A_65 {strides = array<i32>} : memref<1024x16xf32, #tpu.memory_space<vmem>>, vector<1024x1xf32>,
    %swap3A_77 = arith.constant 0 : index
    %swap3A_78 = arith.constant 2 : index
    %swap3A_79 = vector.load %arg3[%swap3A_77, %swap3A_78] : memref<1024x16xi32, #tpu.memory_space<vmem>>, vector<1024x1xi32>
    tpu.vector_store %arg3[%swap3A_77, %swap3A_78], %broadcast_in_dim3A_73 {strides = array<i32>} : memref<1024x16xi32, #tpu.memory_space<vmem>>, vector<1024x1xi32>,
    %eq3A_80 = vector.broadcast %broadcast_in_dim3A_73 : vector<1024x1xi32> to vector<1024x1024xi32>
    %eq3A_81 = arith.cmpi eq, %iota3A, %eq3A_80 : vector<1024x1024xi32>
    %jit3A_82 = arith.constant 0x7F800000 : f32
    %broadcast_in_dim3A_83 = vector.broadcast %jit3A_82 : f32 to vector<1024x1024xf32>
    %select_n3A_84 = arith.select %eq3A_81, %broadcast_in_dim3A_83, %select_n3A_62 : vector<1024x1024xi1>, vector<1024x1024xf32>
    %reduce_min3A_85 = arith.constant dense<0x7F800000> : vector<1024xf32>
    %reduce_min3A_86 = vector.multi_reduction <minimumf>, %select_n3A_84, %reduce_min3A_85 [1] : vector<1024x1024xf32> to vector<1024xf32>
    %broadcast_in_dim3A_87 = vector.shape_cast %reduce_min3A_86 : vector<1024xf32> to vector<1024x1xf32>
    %le3A_88 = vector.broadcast %broadcast_in_dim3A_87 : vector<1024x1xf32> to vector<1024x1024xf32>
    %le3A_89 = arith.cmpf ole, %select_n3A_84, %le3A_88 : vector<1024x1024xf32>
    %jit3A_90 = arith.constant 1024 : i32
    %broadcast_in_dim3A_91 = vector.broadcast %jit3A_90 : i32 to vector<1024x1024xi32>
    %select_n3A_92 = arith.select %le3A_89, %iota3A, %broadcast_in_dim3A_91 : vector<1024x1024xi1>, vector<1024x1024xi32>
    %reduce_min3A_93 = arith.constant dense<2147483647> : vector<1024xi32>
    %reduce_min3A_94 = vector.multi_reduction <minsi>, %select_n3A_92, %reduce_min3A_93 [1] : vector<1024x1024xi32> to vector<1024xi32>
    %broadcast_in_dim3A_95 = vector.shape_cast %reduce_min3A_94 : vector<1024xi32> to vector<1024x1xi32>
    %swap3A_96 = arith.constant 0 : index
    %swap3A_97 = arith.constant 3 : index
    %swap3A_98 = vector.load %arg2[%swap3A_96, %swap3A_97] : memref<1024x16xf32, #tpu.memory_space<vmem>>, vector<1024x1xf32>
    tpu.vector_store %arg2[%swap3A_96, %swap3A_97], %broadcast_in_dim3A_87 {strides = array<i32>} : memref<1024x16xf32, #tpu.memory_space<vmem>>, vector<1024x1xf32>,
    %swap3A_99 = arith.constant 0 : index
    %swap3A_100 = arith.constant 3 : index
    %swap3A_101 = vector.load %arg3[%swap3A_99, %swap3A_100] : memref<1024x16xi32, #tpu.memory_space<vmem>>, vector<1024x1xi32>
    tpu.vector_store %arg3[%swap3A_99, %swap3A_100], %broadcast_in_dim3A_95 {strides = array<i32>} : memref<1024x16xi32, #tpu.memory_space<vmem>>, vector<1024x1xi32>,
    %eq3A_102 = vector.broadcast %broadcast_in_dim3A_95 : vector<1024x1xi32> to vector<1024x1024xi32>
    %eq3A_103 = arith.cmpi eq, %iota3A, %eq3A_102 : vector<1024x1024xi32>
    %jit3A_104 = arith.constant 0x7F800000 : f32
    %broadcast_in_dim3A_105 = vector.broadcast %jit3A_104 : f32 to vector<1024x1024xf32>
    %select_n3A_106 = arith.select %eq3A_103, %broadcast_in_dim3A_105, %select_n3A_84 : vector<1024x1024xi1>, vector<1024x1024xf32>
    %reduce_min3A_107 = arith.constant dense<0x7F800000> : vector<1024xf32>
    %reduce_min3A_108 = vector.multi_reduction <minimumf>, %select_n3A_106, %reduce_min3A_107 [1] : vector<1024x1024xf32> to vector<1024xf32>
    %broadcast_in_dim3A_109 = vector.shape_cast %reduce_min3A_108 : vector<1024xf32> to vector<1024x1xf32>
    %le3A_110 = vector.broadcast %broadcast_in_dim3A_109 : vector<1024x1xf32> to vector<1024x1024xf32>
    %le3A_111 = arith.cmpf ole, %select_n3A_106, %le3A_110 : vector<1024x1024xf32>
    %jit3A_112 = arith.constant 1024 : i32
    %broadcast_in_dim3A_113 = vector.broadcast %jit3A_112 : i32 to vector<1024x1024xi32>
    %select_n3A_114 = arith.select %le3A_111, %iota3A, %broadcast_in_dim3A_113 : vector<1024x1024xi1>, vector<1024x1024xi32>
    %reduce_min3A_115 = arith.constant dense<2147483647> : vector<1024xi32>
    %reduce_min3A_116 = vector.multi_reduction <minsi>, %select_n3A_114, %reduce_min3A_115 [1] : vector<1024x1024xi32> to vector<1024xi32>
    %broadcast_in_dim3A_117 = vector.shape_cast %reduce_min3A_116 : vector<1024xi32> to vector<1024x1xi32>
    %swap3A_118 = arith.constant 0 : index
    %swap3A_119 = arith.constant 4 : index
    %swap3A_120 = vector.load %arg2[%swap3A_118, %swap3A_119] : memref<1024x16xf32, #tpu.memory_space<vmem>>, vector<1024x1xf32>
    tpu.vector_store %arg2[%swap3A_118, %swap3A_119], %broadcast_in_dim3A_109 {strides = array<i32>} : memref<1024x16xf32, #tpu.memory_space<vmem>>, vector<1024x1xf32>,
    %swap3A_121 = arith.constant 0 : index
    %swap3A_122 = arith.constant 4 : index
    %swap3A_123 = vector.load %arg3[%swap3A_121, %swap3A_122] : memref<1024x16xi32, #tpu.memory_space<vmem>>, vector<1024x1xi32>
    tpu.vector_store %arg3[%swap3A_121, %swap3A_122], %broadcast_in_dim3A_117 {strides = array<i32>} : memref<1024x16xi32, #tpu.memory_space<vmem>>, vector<1024x1xi32>,
    %eq3A_124 = vector.broadcast %broadcast_in_dim3A_117 : vector<1024x1xi32> to vector<1024x1024xi32>
    %eq3A_125 = arith.cmpi eq, %iota3A, %eq3A_124 : vector<1024x1024xi32>
    %jit3A_126 = arith.constant 0x7F800000 : f32
    %broadcast_in_dim3A_127 = vector.broadcast %jit3A_126 : f32 to vector<1024x1024xf32>
    %select_n3A_128 = arith.select %eq3A_125, %broadcast_in_dim3A_127, %select_n3A_106 : vector<1024x1024xi1>, vector<1024x1024xf32>
    %reduce_min3A_129 = arith.constant dense<0x7F800000> : vector<1024xf32>
    %reduce_min3A_130 = vector.multi_reduction <minimumf>, %select_n3A_128, %reduce_min3A_129 [1] : vector<1024x1024xf32> to vector<1024xf32>
    %broadcast_in_dim3A_131 = vector.shape_cast %reduce_min3A_130 : vector<1024xf32> to vector<1024x1xf32>
    %le3A_132 = vector.broadcast %broadcast_in_dim3A_131 : vector<1024x1xf32> to vector<1024x1024xf32>
    %le3A_133 = arith.cmpf ole, %select_n3A_128, %le3A_132 : vector<1024x1024xf32>
    %jit3A_134 = arith.constant 1024 : i32
    %broadcast_in_dim3A_135 = vector.broadcast %jit3A_134 : i32 to vector<1024x1024xi32>
    %select_n3A_136 = arith.select %le3A_133, %iota3A, %broadcast_in_dim3A_135 : vector<1024x1024xi1>, vector<1024x1024xi32>
    %reduce_min3A_137 = arith.constant dense<2147483647> : vector<1024xi32>
    %reduce_min3A_138 = vector.multi_reduction <minsi>, %select_n3A_136, %reduce_min3A_137 [1] : vector<1024x1024xi32> to vector<1024xi32>
    %broadcast_in_dim3A_139 = vector.shape_cast %reduce_min3A_138 : vector<1024xi32> to vector<1024x1xi32>
    %swap3A_140 = arith.constant 0 : index
    %swap3A_141 = arith.constant 5 : index
    %swap3A_142 = vector.load %arg2[%swap3A_140, %swap3A_141] : memref<1024x16xf32, #tpu.memory_space<vmem>>, vector<1024x1xf32>
    tpu.vector_store %arg2[%swap3A_140, %swap3A_141], %broadcast_in_dim3A_131 {strides = array<i32>} : memref<1024x16xf32, #tpu.memory_space<vmem>>, vector<1024x1xf32>,
    %swap3A_143 = arith.constant 0 : index
    %swap3A_144 = arith.constant 5 : index
    %swap3A_145 = vector.load %arg3[%swap3A_143, %swap3A_144] : memref<1024x16xi32, #tpu.memory_space<vmem>>, vector<1024x1xi32>
    tpu.vector_store %arg3[%swap3A_143, %swap3A_144], %broadcast_in_dim3A_139 {strides = array<i32>} : memref<1024x16xi32, #tpu.memory_space<vmem>>, vector<1024x1xi32>,
    %eq3A_146 = vector.broadcast %broadcast_in_dim3A_139 : vector<1024x1xi32> to vector<1024x1024xi32>
    %eq3A_147 = arith.cmpi eq, %iota3A, %eq3A_146 : vector<1024x1024xi32>
    %jit3A_148 = arith.constant 0x7F800000 : f32
    %broadcast_in_dim3A_149 = vector.broadcast %jit3A_148 : f32 to vector<1024x1024xf32>
    %select_n3A_150 = arith.select %eq3A_147, %broadcast_in_dim3A_149, %select_n3A_128 : vector<1024x1024xi1>, vector<1024x1024xf32>
    %reduce_min3A_151 = arith.constant dense<0x7F800000> : vector<1024xf32>
    %reduce_min3A_152 = vector.multi_reduction <minimumf>, %select_n3A_150, %reduce_min3A_151 [1] : vector<1024x1024xf32> to vector<1024xf32>
    %broadcast_in_dim3A_153 = vector.shape_cast %reduce_min3A_152 : vector<1024xf32> to vector<1024x1xf32>
    %le3A_154 = vector.broadcast %broadcast_in_dim3A_153 : vector<1024x1xf32> to vector<1024x1024xf32>
    %le3A_155 = arith.cmpf ole, %select_n3A_150, %le3A_154 : vector<1024x1024xf32>
    %jit3A_156 = arith.constant 1024 : i32
    %broadcast_in_dim3A_157 = vector.broadcast %jit3A_156 : i32 to vector<1024x1024xi32>
    %select_n3A_158 = arith.select %le3A_155, %iota3A, %broadcast_in_dim3A_157 : vector<1024x1024xi1>, vector<1024x1024xi32>
    %reduce_min3A_159 = arith.constant dense<2147483647> : vector<1024xi32>
    %reduce_min3A_160 = vector.multi_reduction <minsi>, %select_n3A_158, %reduce_min3A_159 [1] : vector<1024x1024xi32> to vector<1024xi32>
    %broadcast_in_dim3A_161 = vector.shape_cast %reduce_min3A_160 : vector<1024xi32> to vector<1024x1xi32>
    %swap3A_162 = arith.constant 0 : index
    %swap3A_163 = arith.constant 6 : index
    %swap3A_164 = vector.load %arg2[%swap3A_162, %swap3A_163] : memref<1024x16xf32, #tpu.memory_space<vmem>>, vector<1024x1xf32>
    tpu.vector_store %arg2[%swap3A_162, %swap3A_163], %broadcast_in_dim3A_153 {strides = array<i32>} : memref<1024x16xf32, #tpu.memory_space<vmem>>, vector<1024x1xf32>,
    %swap3A_165 = arith.constant 0 : index
    %swap3A_166 = arith.constant 6 : index
    %swap3A_167 = vector.load %arg3[%swap3A_165, %swap3A_166] : memref<1024x16xi32, #tpu.memory_space<vmem>>, vector<1024x1xi32>
    tpu.vector_store %arg3[%swap3A_165, %swap3A_166], %broadcast_in_dim3A_161 {strides = array<i32>} : memref<1024x16xi32, #tpu.memory_space<vmem>>, vector<1024x1xi32>,
    %eq3A_168 = vector.broadcast %broadcast_in_dim3A_161 : vector<1024x1xi32> to vector<1024x1024xi32>
    %eq3A_169 = arith.cmpi eq, %iota3A, %eq3A_168 : vector<1024x1024xi32>
    %jit3A_170 = arith.constant 0x7F800000 : f32
    %broadcast_in_dim3A_171 = vector.broadcast %jit3A_170 : f32 to vector<1024x1024xf32>
    %select_n3A_172 = arith.select %eq3A_169, %broadcast_in_dim3A_171, %select_n3A_150 : vector<1024x1024xi1>, vector<1024x1024xf32>
    %reduce_min3A_173 = arith.constant dense<0x7F800000> : vector<1024xf32>
    %reduce_min3A_174 = vector.multi_reduction <minimumf>, %select_n3A_172, %reduce_min3A_173 [1] : vector<1024x1024xf32> to vector<1024xf32>
    %broadcast_in_dim3A_175 = vector.shape_cast %reduce_min3A_174 : vector<1024xf32> to vector<1024x1xf32>
    %le3A_176 = vector.broadcast %broadcast_in_dim3A_175 : vector<1024x1xf32> to vector<1024x1024xf32>
    %le3A_177 = arith.cmpf ole, %select_n3A_172, %le3A_176 : vector<1024x1024xf32>
    %jit3A_178 = arith.constant 1024 : i32
    %broadcast_in_dim3A_179 = vector.broadcast %jit3A_178 : i32 to vector<1024x1024xi32>
    %select_n3A_180 = arith.select %le3A_177, %iota3A, %broadcast_in_dim3A_179 : vector<1024x1024xi1>, vector<1024x1024xi32>
    %reduce_min3A_181 = arith.constant dense<2147483647> : vector<1024xi32>
    %reduce_min3A_182 = vector.multi_reduction <minsi>, %select_n3A_180, %reduce_min3A_181 [1] : vector<1024x1024xi32> to vector<1024xi32>
    %broadcast_in_dim3A_183 = vector.shape_cast %reduce_min3A_182 : vector<1024xi32> to vector<1024x1xi32>
    %swap3A_184 = arith.constant 0 : index
    %swap3A_185 = arith.constant 7 : index
    %swap3A_186 = vector.load %arg2[%swap3A_184, %swap3A_185] : memref<1024x16xf32, #tpu.memory_space<vmem>>, vector<1024x1xf32>
    tpu.vector_store %arg2[%swap3A_184, %swap3A_185], %broadcast_in_dim3A_175 {strides = array<i32>} : memref<1024x16xf32, #tpu.memory_space<vmem>>, vector<1024x1xf32>,
    %swap3A_187 = arith.constant 0 : index
    %swap3A_188 = arith.constant 7 : index
    %swap3A_189 = vector.load %arg3[%swap3A_187, %swap3A_188] : memref<1024x16xi32, #tpu.memory_space<vmem>>, vector<1024x1xi32>
    tpu.vector_store %arg3[%swap3A_187, %swap3A_188], %broadcast_in_dim3A_183 {strides = array<i32>} : memref<1024x16xi32, #tpu.memory_space<vmem>>, vector<1024x1xi32>,
    %eq3A_190 = vector.broadcast %broadcast_in_dim3A_183 : vector<1024x1xi32> to vector<1024x1024xi32>
    %eq3A_191 = arith.cmpi eq, %iota3A, %eq3A_190 : vector<1024x1024xi32>
    %jit3A_192 = arith.constant 0x7F800000 : f32
    %broadcast_in_dim3A_193 = vector.broadcast %jit3A_192 : f32 to vector<1024x1024xf32>
    %select_n3A_194 = arith.select %eq3A_191, %broadcast_in_dim3A_193, %select_n3A_172 : vector<1024x1024xi1>, vector<1024x1024xf32>
    %reduce_min3A_195 = arith.constant dense<0x7F800000> : vector<1024xf32>
    %reduce_min3A_196 = vector.multi_reduction <minimumf>, %select_n3A_194, %reduce_min3A_195 [1] : vector<1024x1024xf32> to vector<1024xf32>
    %broadcast_in_dim3A_197 = vector.shape_cast %reduce_min3A_196 : vector<1024xf32> to vector<1024x1xf32>
    %le3A_198 = vector.broadcast %broadcast_in_dim3A_197 : vector<1024x1xf32> to vector<1024x1024xf32>
    %le3A_199 = arith.cmpf ole, %select_n3A_194, %le3A_198 : vector<1024x1024xf32>
    %jit3A_200 = arith.constant 1024 : i32
    %broadcast_in_dim3A_201 = vector.broadcast %jit3A_200 : i32 to vector<1024x1024xi32>
    %select_n3A_202 = arith.select %le3A_199, %iota3A, %broadcast_in_dim3A_201 : vector<1024x1024xi1>, vector<1024x1024xi32>
    %reduce_min3A_203 = arith.constant dense<2147483647> : vector<1024xi32>
    %reduce_min3A_204 = vector.multi_reduction <minsi>, %select_n3A_202, %reduce_min3A_203 [1] : vector<1024x1024xi32> to vector<1024xi32>
    %broadcast_in_dim3A_205 = vector.shape_cast %reduce_min3A_204 : vector<1024xi32> to vector<1024x1xi32>
    %swap3A_206 = arith.constant 0 : index
    %swap3A_207 = arith.constant 8 : index
    %swap3A_208 = vector.load %arg2[%swap3A_206, %swap3A_207] : memref<1024x16xf32, #tpu.memory_space<vmem>>, vector<1024x1xf32>
    tpu.vector_store %arg2[%swap3A_206, %swap3A_207], %broadcast_in_dim3A_197 {strides = array<i32>} : memref<1024x16xf32, #tpu.memory_space<vmem>>, vector<1024x1xf32>,
    %swap3A_209 = arith.constant 0 : index
    %swap3A_210 = arith.constant 8 : index
    %swap3A_211 = vector.load %arg3[%swap3A_209, %swap3A_210] : memref<1024x16xi32, #tpu.memory_space<vmem>>, vector<1024x1xi32>
    tpu.vector_store %arg3[%swap3A_209, %swap3A_210], %broadcast_in_dim3A_205 {strides = array<i32>} : memref<1024x16xi32, #tpu.memory_space<vmem>>, vector<1024x1xi32>,
    %eq3A_212 = vector.broadcast %broadcast_in_dim3A_205 : vector<1024x1xi32> to vector<1024x1024xi32>
    %eq3A_213 = arith.cmpi eq, %iota3A, %eq3A_212 : vector<1024x1024xi32>
    %jit3A_214 = arith.constant 0x7F800000 : f32
    %broadcast_in_dim3A_215 = vector.broadcast %jit3A_214 : f32 to vector<1024x1024xf32>
    %select_n3A_216 = arith.select %eq3A_213, %broadcast_in_dim3A_215, %select_n3A_194 : vector<1024x1024xi1>, vector<1024x1024xf32>
    %reduce_min3A_217 = arith.constant dense<0x7F800000> : vector<1024xf32>
    %reduce_min3A_218 = vector.multi_reduction <minimumf>, %select_n3A_216, %reduce_min3A_217 [1] : vector<1024x1024xf32> to vector<1024xf32>
    %broadcast_in_dim3A_219 = vector.shape_cast %reduce_min3A_218 : vector<1024xf32> to vector<1024x1xf32>
    %le3A_220 = vector.broadcast %broadcast_in_dim3A_219 : vector<1024x1xf32> to vector<1024x1024xf32>
    %le3A_221 = arith.cmpf ole, %select_n3A_216, %le3A_220 : vector<1024x1024xf32>
    %jit3A_222 = arith.constant 1024 : i32
    %broadcast_in_dim3A_223 = vector.broadcast %jit3A_222 : i32 to vector<1024x1024xi32>
    %select_n3A_224 = arith.select %le3A_221, %iota3A, %broadcast_in_dim3A_223 : vector<1024x1024xi1>, vector<1024x1024xi32>
    %reduce_min3A_225 = arith.constant dense<2147483647> : vector<1024xi32>
    %reduce_min3A_226 = vector.multi_reduction <minsi>, %select_n3A_224, %reduce_min3A_225 [1] : vector<1024x1024xi32> to vector<1024xi32>
    %broadcast_in_dim3A_227 = vector.shape_cast %reduce_min3A_226 : vector<1024xi32> to vector<1024x1xi32>
    %swap3A_228 = arith.constant 0 : index
    %swap3A_229 = arith.constant 9 : index
    %swap3A_230 = vector.load %arg2[%swap3A_228, %swap3A_229] : memref<1024x16xf32, #tpu.memory_space<vmem>>, vector<1024x1xf32>
    tpu.vector_store %arg2[%swap3A_228, %swap3A_229], %broadcast_in_dim3A_219 {strides = array<i32>} : memref<1024x16xf32, #tpu.memory_space<vmem>>, vector<1024x1xf32>,
    %swap3A_231 = arith.constant 0 : index
    %swap3A_232 = arith.constant 9 : index
    %swap3A_233 = vector.load %arg3[%swap3A_231, %swap3A_232] : memref<1024x16xi32, #tpu.memory_space<vmem>>, vector<1024x1xi32>
    tpu.vector_store %arg3[%swap3A_231, %swap3A_232], %broadcast_in_dim3A_227 {strides = array<i32>} : memref<1024x16xi32, #tpu.memory_space<vmem>>, vector<1024x1xi32>,
    %eq3A_234 = vector.broadcast %broadcast_in_dim3A_227 : vector<1024x1xi32> to vector<1024x1024xi32>
    %eq3A_235 = arith.cmpi eq, %iota3A, %eq3A_234 : vector<1024x1024xi32>
    %jit3A_236 = arith.constant 0x7F800000 : f32
    %broadcast_in_dim3A_237 = vector.broadcast %jit3A_236 : f32 to vector<1024x1024xf32>
    %select_n3A_238 = arith.select %eq3A_235, %broadcast_in_dim3A_237, %select_n3A_216 : vector<1024x1024xi1>, vector<1024x1024xf32>
    %reduce_min3A_239 = arith.constant dense<0x7F800000> : vector<1024xf32>
    %reduce_min3A_240 = vector.multi_reduction <minimumf>, %select_n3A_238, %reduce_min3A_239 [1] : vector<1024x1024xf32> to vector<1024xf32>
    %broadcast_in_dim3A_241 = vector.shape_cast %reduce_min3A_240 : vector<1024xf32> to vector<1024x1xf32>
    %le3A_242 = vector.broadcast %broadcast_in_dim3A_241 : vector<1024x1xf32> to vector<1024x1024xf32>
    %le3A_243 = arith.cmpf ole, %select_n3A_238, %le3A_242 : vector<1024x1024xf32>
    %jit3A_244 = arith.constant 1024 : i32
    %broadcast_in_dim3A_245 = vector.broadcast %jit3A_244 : i32 to vector<1024x1024xi32>
    %select_n3A_246 = arith.select %le3A_243, %iota3A, %broadcast_in_dim3A_245 : vector<1024x1024xi1>, vector<1024x1024xi32>
    %reduce_min3A_247 = arith.constant dense<2147483647> : vector<1024xi32>
    %reduce_min3A_248 = vector.multi_reduction <minsi>, %select_n3A_246, %reduce_min3A_247 [1] : vector<1024x1024xi32> to vector<1024xi32>
    %broadcast_in_dim3A_249 = vector.shape_cast %reduce_min3A_248 : vector<1024xi32> to vector<1024x1xi32>
    %swap3A_250 = arith.constant 0 : index
    %swap3A_251 = arith.constant 10 : index
    %swap3A_252 = vector.load %arg2[%swap3A_250, %swap3A_251] : memref<1024x16xf32, #tpu.memory_space<vmem>>, vector<1024x1xf32>
    tpu.vector_store %arg2[%swap3A_250, %swap3A_251], %broadcast_in_dim3A_241 {strides = array<i32>} : memref<1024x16xf32, #tpu.memory_space<vmem>>, vector<1024x1xf32>,
    %swap3A_253 = arith.constant 0 : index
    %swap3A_254 = arith.constant 10 : index
    %swap3A_255 = vector.load %arg3[%swap3A_253, %swap3A_254] : memref<1024x16xi32, #tpu.memory_space<vmem>>, vector<1024x1xi32>
    tpu.vector_store %arg3[%swap3A_253, %swap3A_254], %broadcast_in_dim3A_249 {strides = array<i32>} : memref<1024x16xi32, #tpu.memory_space<vmem>>, vector<1024x1xi32>,
    %eq3A_256 = vector.broadcast %broadcast_in_dim3A_249 : vector<1024x1xi32> to vector<1024x1024xi32>
    %eq3A_257 = arith.cmpi eq, %iota3A, %eq3A_256 : vector<1024x1024xi32>
    %jit3A_258 = arith.constant 0x7F800000 : f32
    %broadcast_in_dim3A_259 = vector.broadcast %jit3A_258 : f32 to vector<1024x1024xf32>
    %select_n3A_260 = arith.select %eq3A_257, %broadcast_in_dim3A_259, %select_n3A_238 : vector<1024x1024xi1>, vector<1024x1024xf32>
    %reduce_min3A_261 = arith.constant dense<0x7F800000> : vector<1024xf32>
    %reduce_min3A_262 = vector.multi_reduction <minimumf>, %select_n3A_260, %reduce_min3A_261 [1] : vector<1024x1024xf32> to vector<1024xf32>
    %broadcast_in_dim3A_263 = vector.shape_cast %reduce_min3A_262 : vector<1024xf32> to vector<1024x1xf32>
    %le3A_264 = vector.broadcast %broadcast_in_dim3A_263 : vector<1024x1xf32> to vector<1024x1024xf32>
    %le3A_265 = arith.cmpf ole, %select_n3A_260, %le3A_264 : vector<1024x1024xf32>
    %jit3A_266 = arith.constant 1024 : i32
    %broadcast_in_dim3A_267 = vector.broadcast %jit3A_266 : i32 to vector<1024x1024xi32>
    %select_n3A_268 = arith.select %le3A_265, %iota3A, %broadcast_in_dim3A_267 : vector<1024x1024xi1>, vector<1024x1024xi32>
    %reduce_min3A_269 = arith.constant dense<2147483647> : vector<1024xi32>
    %reduce_min3A_270 = vector.multi_reduction <minsi>, %select_n3A_268, %reduce_min3A_269 [1] : vector<1024x1024xi32> to vector<1024xi32>
    %broadcast_in_dim3A_271 = vector.shape_cast %reduce_min3A_270 : vector<1024xi32> to vector<1024x1xi32>
    %swap3A_272 = arith.constant 0 : index
    %swap3A_273 = arith.constant 11 : index
    %swap3A_274 = vector.load %arg2[%swap3A_272, %swap3A_273] : memref<1024x16xf32, #tpu.memory_space<vmem>>, vector<1024x1xf32>
    tpu.vector_store %arg2[%swap3A_272, %swap3A_273], %broadcast_in_dim3A_263 {strides = array<i32>} : memref<1024x16xf32, #tpu.memory_space<vmem>>, vector<1024x1xf32>,
    %swap3A_275 = arith.constant 0 : index
    %swap3A_276 = arith.constant 11 : index
    %swap3A_277 = vector.load %arg3[%swap3A_275, %swap3A_276] : memref<1024x16xi32, #tpu.memory_space<vmem>>, vector<1024x1xi32>
    tpu.vector_store %arg3[%swap3A_275, %swap3A_276], %broadcast_in_dim3A_271 {strides = array<i32>} : memref<1024x16xi32, #tpu.memory_space<vmem>>, vector<1024x1xi32>,
    %eq3A_278 = vector.broadcast %broadcast_in_dim3A_271 : vector<1024x1xi32> to vector<1024x1024xi32>
    %eq3A_279 = arith.cmpi eq, %iota3A, %eq3A_278 : vector<1024x1024xi32>
    %jit3A_280 = arith.constant 0x7F800000 : f32
    %broadcast_in_dim3A_281 = vector.broadcast %jit3A_280 : f32 to vector<1024x1024xf32>
    %select_n3A_282 = arith.select %eq3A_279, %broadcast_in_dim3A_281, %select_n3A_260 : vector<1024x1024xi1>, vector<1024x1024xf32>
    %reduce_min3A_283 = arith.constant dense<0x7F800000> : vector<1024xf32>
    %reduce_min3A_284 = vector.multi_reduction <minimumf>, %select_n3A_282, %reduce_min3A_283 [1] : vector<1024x1024xf32> to vector<1024xf32>
    %broadcast_in_dim3A_285 = vector.shape_cast %reduce_min3A_284 : vector<1024xf32> to vector<1024x1xf32>
    %le3A_286 = vector.broadcast %broadcast_in_dim3A_285 : vector<1024x1xf32> to vector<1024x1024xf32>
    %le3A_287 = arith.cmpf ole, %select_n3A_282, %le3A_286 : vector<1024x1024xf32>
    %jit3A_288 = arith.constant 1024 : i32
    %broadcast_in_dim3A_289 = vector.broadcast %jit3A_288 : i32 to vector<1024x1024xi32>
    %select_n3A_290 = arith.select %le3A_287, %iota3A, %broadcast_in_dim3A_289 : vector<1024x1024xi1>, vector<1024x1024xi32>
    %reduce_min3A_291 = arith.constant dense<2147483647> : vector<1024xi32>
    %reduce_min3A_292 = vector.multi_reduction <minsi>, %select_n3A_290, %reduce_min3A_291 [1] : vector<1024x1024xi32> to vector<1024xi32>
    %broadcast_in_dim3A_293 = vector.shape_cast %reduce_min3A_292 : vector<1024xi32> to vector<1024x1xi32>
    %swap3A_294 = arith.constant 0 : index
    %swap3A_295 = arith.constant 12 : index
    %swap3A_296 = vector.load %arg2[%swap3A_294, %swap3A_295] : memref<1024x16xf32, #tpu.memory_space<vmem>>, vector<1024x1xf32>
    tpu.vector_store %arg2[%swap3A_294, %swap3A_295], %broadcast_in_dim3A_285 {strides = array<i32>} : memref<1024x16xf32, #tpu.memory_space<vmem>>, vector<1024x1xf32>,
    %swap3A_297 = arith.constant 0 : index
    %swap3A_298 = arith.constant 12 : index
    %swap3A_299 = vector.load %arg3[%swap3A_297, %swap3A_298] : memref<1024x16xi32, #tpu.memory_space<vmem>>, vector<1024x1xi32>
    tpu.vector_store %arg3[%swap3A_297, %swap3A_298], %broadcast_in_dim3A_293 {strides = array<i32>} : memref<1024x16xi32, #tpu.memory_space<vmem>>, vector<1024x1xi32>,
    %eq3A_300 = vector.broadcast %broadcast_in_dim3A_293 : vector<1024x1xi32> to vector<1024x1024xi32>
    %eq3A_301 = arith.cmpi eq, %iota3A, %eq3A_300 : vector<1024x1024xi32>
    %jit3A_302 = arith.constant 0x7F800000 : f32
    %broadcast_in_dim3A_303 = vector.broadcast %jit3A_302 : f32 to vector<1024x1024xf32>
    %select_n3A_304 = arith.select %eq3A_301, %broadcast_in_dim3A_303, %select_n3A_282 : vector<1024x1024xi1>, vector<1024x1024xf32>
    %reduce_min3A_305 = arith.constant dense<0x7F800000> : vector<1024xf32>
    %reduce_min3A_306 = vector.multi_reduction <minimumf>, %select_n3A_304, %reduce_min3A_305 [1] : vector<1024x1024xf32> to vector<1024xf32>
    %broadcast_in_dim3A_307 = vector.shape_cast %reduce_min3A_306 : vector<1024xf32> to vector<1024x1xf32>
    %le3A_308 = vector.broadcast %broadcast_in_dim3A_307 : vector<1024x1xf32> to vector<1024x1024xf32>
    %le3A_309 = arith.cmpf ole, %select_n3A_304, %le3A_308 : vector<1024x1024xf32>
    %jit3A_310 = arith.constant 1024 : i32
    %broadcast_in_dim3A_311 = vector.broadcast %jit3A_310 : i32 to vector<1024x1024xi32>
    %select_n3A_312 = arith.select %le3A_309, %iota3A, %broadcast_in_dim3A_311 : vector<1024x1024xi1>, vector<1024x1024xi32>
    %reduce_min3A_313 = arith.constant dense<2147483647> : vector<1024xi32>
    %reduce_min3A_314 = vector.multi_reduction <minsi>, %select_n3A_312, %reduce_min3A_313 [1] : vector<1024x1024xi32> to vector<1024xi32>
    %broadcast_in_dim3A_315 = vector.shape_cast %reduce_min3A_314 : vector<1024xi32> to vector<1024x1xi32>
    %swap3A_316 = arith.constant 0 : index
    %swap3A_317 = arith.constant 13 : index
    %swap3A_318 = vector.load %arg2[%swap3A_316, %swap3A_317] : memref<1024x16xf32, #tpu.memory_space<vmem>>, vector<1024x1xf32>
    tpu.vector_store %arg2[%swap3A_316, %swap3A_317], %broadcast_in_dim3A_307 {strides = array<i32>} : memref<1024x16xf32, #tpu.memory_space<vmem>>, vector<1024x1xf32>,
    %swap3A_319 = arith.constant 0 : index
    %swap3A_320 = arith.constant 13 : index
    %swap3A_321 = vector.load %arg3[%swap3A_319, %swap3A_320] : memref<1024x16xi32, #tpu.memory_space<vmem>>, vector<1024x1xi32>
    tpu.vector_store %arg3[%swap3A_319, %swap3A_320], %broadcast_in_dim3A_315 {strides = array<i32>} : memref<1024x16xi32, #tpu.memory_space<vmem>>, vector<1024x1xi32>,
    %eq3A_322 = vector.broadcast %broadcast_in_dim3A_315 : vector<1024x1xi32> to vector<1024x1024xi32>
    %eq3A_323 = arith.cmpi eq, %iota3A, %eq3A_322 : vector<1024x1024xi32>
    %jit3A_324 = arith.constant 0x7F800000 : f32
    %broadcast_in_dim3A_325 = vector.broadcast %jit3A_324 : f32 to vector<1024x1024xf32>
    %select_n3A_326 = arith.select %eq3A_323, %broadcast_in_dim3A_325, %select_n3A_304 : vector<1024x1024xi1>, vector<1024x1024xf32>
    %reduce_min3A_327 = arith.constant dense<0x7F800000> : vector<1024xf32>
    %reduce_min3A_328 = vector.multi_reduction <minimumf>, %select_n3A_326, %reduce_min3A_327 [1] : vector<1024x1024xf32> to vector<1024xf32>
    %broadcast_in_dim3A_329 = vector.shape_cast %reduce_min3A_328 : vector<1024xf32> to vector<1024x1xf32>
    %le3A_330 = vector.broadcast %broadcast_in_dim3A_329 : vector<1024x1xf32> to vector<1024x1024xf32>
    %le3A_331 = arith.cmpf ole, %select_n3A_326, %le3A_330 : vector<1024x1024xf32>
    %jit3A_332 = arith.constant 1024 : i32
    %broadcast_in_dim3A_333 = vector.broadcast %jit3A_332 : i32 to vector<1024x1024xi32>
    %select_n3A_334 = arith.select %le3A_331, %iota3A, %broadcast_in_dim3A_333 : vector<1024x1024xi1>, vector<1024x1024xi32>
    %reduce_min3A_335 = arith.constant dense<2147483647> : vector<1024xi32>
    %reduce_min3A_336 = vector.multi_reduction <minsi>, %select_n3A_334, %reduce_min3A_335 [1] : vector<1024x1024xi32> to vector<1024xi32>
    %broadcast_in_dim3A_337 = vector.shape_cast %reduce_min3A_336 : vector<1024xi32> to vector<1024x1xi32>
    %swap3A_338 = arith.constant 0 : index
    %swap3A_339 = arith.constant 14 : index
    %swap3A_340 = vector.load %arg2[%swap3A_338, %swap3A_339] : memref<1024x16xf32, #tpu.memory_space<vmem>>, vector<1024x1xf32>
    tpu.vector_store %arg2[%swap3A_338, %swap3A_339], %broadcast_in_dim3A_329 {strides = array<i32>} : memref<1024x16xf32, #tpu.memory_space<vmem>>, vector<1024x1xf32>,
    %swap3A_341 = arith.constant 0 : index
    %swap3A_342 = arith.constant 14 : index
    %swap3A_343 = vector.load %arg3[%swap3A_341, %swap3A_342] : memref<1024x16xi32, #tpu.memory_space<vmem>>, vector<1024x1xi32>
    tpu.vector_store %arg3[%swap3A_341, %swap3A_342], %broadcast_in_dim3A_337 {strides = array<i32>} : memref<1024x16xi32, #tpu.memory_space<vmem>>, vector<1024x1xi32>,
    %eq3A_344 = vector.broadcast %broadcast_in_dim3A_337 : vector<1024x1xi32> to vector<1024x1024xi32>
    %eq3A_345 = arith.cmpi eq, %iota3A, %eq3A_344 : vector<1024x1024xi32>
    %jit3A_346 = arith.constant 0x7F800000 : f32
    %broadcast_in_dim3A_347 = vector.broadcast %jit3A_346 : f32 to vector<1024x1024xf32>
    %select_n3A_348 = arith.select %eq3A_345, %broadcast_in_dim3A_347, %select_n3A_326 : vector<1024x1024xi1>, vector<1024x1024xf32>
    %reduce_min3A_349 = arith.constant dense<0x7F800000> : vector<1024xf32>
    %reduce_min3A_350 = vector.multi_reduction <minimumf>, %select_n3A_348, %reduce_min3A_349 [1] : vector<1024x1024xf32> to vector<1024xf32>
    %broadcast_in_dim3A_351 = vector.shape_cast %reduce_min3A_350 : vector<1024xf32> to vector<1024x1xf32>
    %le3A_352 = vector.broadcast %broadcast_in_dim3A_351 : vector<1024x1xf32> to vector<1024x1024xf32>
    %le3A_353 = arith.cmpf ole, %select_n3A_348, %le3A_352 : vector<1024x1024xf32>
    %jit3A_354 = arith.constant 1024 : i32
    %broadcast_in_dim3A_355 = vector.broadcast %jit3A_354 : i32 to vector<1024x1024xi32>
    %select_n3A_356 = arith.select %le3A_353, %iota3A, %broadcast_in_dim3A_355 : vector<1024x1024xi1>, vector<1024x1024xi32>
    %reduce_min3A_357 = arith.constant dense<2147483647> : vector<1024xi32>
    %reduce_min3A_358 = vector.multi_reduction <minsi>, %select_n3A_356, %reduce_min3A_357 [1] : vector<1024x1024xi32> to vector<1024xi32>
    %broadcast_in_dim3A_359 = vector.shape_cast %reduce_min3A_358 : vector<1024xi32> to vector<1024x1xi32>
    %swap3A_360 = arith.constant 0 : index
    %swap3A_361 = arith.constant 15 : index
    %swap3A_362 = vector.load %arg2[%swap3A_360, %swap3A_361] : memref<1024x16xf32, #tpu.memory_space<vmem>>, vector<1024x1xf32>
    tpu.vector_store %arg2[%swap3A_360, %swap3A_361], %broadcast_in_dim3A_351 {strides = array<i32>} : memref<1024x16xf32, #tpu.memory_space<vmem>>, vector<1024x1xf32>,
    %swap3A_363 = arith.constant 0 : index
    %swap3A_364 = arith.constant 15 : index
    %swap3A_365 = vector.load %arg3[%swap3A_363, %swap3A_364] : memref<1024x16xi32, #tpu.memory_space<vmem>>, vector<1024x1xi32>
    tpu.vector_store %arg3[%swap3A_363, %swap3A_364], %broadcast_in_dim3A_359 {strides = array<i32>} : memref<1024x16xi32, #tpu.memory_space<vmem>>, vector<1024x1xi32>,
    return
  }
}

</mosaic_0001>

<sc_bundles>
// kernel: gather_offload_async_start
scs
__scs_entry_jumppad:
0x0: {  	(pc) =	sbr.rel $0x88, $3  }
0x1: {  	(tag) =	ssettag $0x0;
	lr =	simm.s32 $0x1  }
0x2: {  	[smem:$0x3F79] =	sst lr;
	_ =	strace $0xD0000000  }
0x3: {  	_ = 	snop  }
0x4: {  	_ = 	snop  }
0x5: {  	_ = 	snop  }
0x6: {  	_ = 	snop  }
0x7: {  	_ = 	snop  }
__scs_overlays_trampoline_lowered:
0x8: {  	[smem:$0x3F88] =	sst s0  }
0x9: {  	[smem:$0x3F89] =	sst s1  }
0xa: {  	[smem:$0x3F8A] =	sst s2  }
0xb: {  	[smem:$0x3F8B] =	sst s3  }
0xc: {  	[smem:$0x3F8C] =	sst s4  }
0xd: {  	[smem:$0x3F8D] =	sst s5  }
0xe: {  	[smem:$0x3F8E] =	sst s6  }
0xf: {  	[smem:$0x3F8F] =	sst s7  }
0x10: {  	[smem:$0x3F90] =	sst s8  }
0x11: {  	[smem:$0x3F91] =	sst s9;
	s0 =	simm.s32 @!p0 $0x0  }
0x12: {  	s1 =	sld [smem:$0x3F77];
	s0 =	simm.s32 @p0 $0x1  }
0x13: {  	[smem:$0x3F92] =	sst s0;
	s0 =	simm.s32 @!p1 $0x0  }
0x14: {  	s2 =	sld [smem:$0x3F76];
	s0 =	simm.s32 @p1 $0x1  }
0x15: {  	[smem:$0x3F93] =	sst s0;
	s0 =	simm.s32 @!p2 $0x0  }
0x16: {  	s3 =	sld [smem:$0x3FDB];
	s0 =	simm.s32 @p2 $0x1  }
0x17: {  	s4 =	simm.s32 $0x1BF5;
	[smem:$0x3F95] =	sst s0  }
0x18: {  	s0 =	sld [smem:$0x3F78];
	_ =	swait.ge [sflag:s4], $0x0  }
0x19: {  	s7 =	sld [smem:$0x3F79]  }
0x1a: {  	s8 =	sadd.s32 $0xFFFFE003, lr  }
0x1b: {  	s9 =	sadd.s32 $0xFFFFFEF7, lr;
	s5 =	simm.s32 $0xFFFFFFFF;
	p2 =	slt.u32 s8, $0xFFFFF086  }
0x1c: {  	p1 =	slt.u32 s9, $0xF7A;
	s5 =	simm.s32 @!p2 $0x0  }
0x1d: {  	s5 =	simm.s32 @p1 $0x1;
	p0 =	seq.s32 s7, s2  }
0x1e: {  	s7 =	smul.u32 @!p0 $0xF7A, s2;
	p2 =	seq.s32 @!p0 s5, $0x0  }
0x1f: {  	s9 =	smul.u32 $0xF7A, s1;
	s8 =	simm.s32 @!p0 $0x1BF5;
	p2 =	por !p2, p0  }
0x20: {  	[sflag:s8] =	ssyncset.s32 @!p0 $0xFFFFF086;
	s6 =	sadd.s32 @!p0 s3, s7;
	s7 =	simm.s32 @!p0 $0x108  }
0x21: {  	s3 =	sadd.s32 s3, s9;
	s6 =	sadd.s32 @!p0 $0x88, s6;
	s7 =	simm.s32 @p2 $0x1082  }
0x22: {  	[simem:s7], [sflag:s8] =	dma.local @!p0 [hbm:s6], $0xF7A  }
0x23: {  	s9 =	sor.u32 $0xD0000000, s2;
	s6 =	simm.s32 $0x108;
	_ =	swait.ge @!p0 [sflag:s8], $0x0  }
0x24: {  	s3 =	sadd.s32 $0x88, s3;
	s6 =	simm.s32 @!p1 $0x1082;
	[sflag:s4] =	ssyncset.s32 $0xFFFFF086  }
0x25: {  	[simem:s6], [sflag:s4] =	dma.local [hbm:s3], $0xF7A  }
0x26: {  	[smem:$0x3F79] =	sst s1;
	(tag) =	ssettag s2;
	_ =	strace s9  }
0x27: {  	s1 =	sld [smem:$0x3F89]  }
0x28: {  	s2 =	sld [smem:$0x3F8A]  }
0x29: {  	s4 =	sld [smem:$0x3F8C]  }
0x2a: {  	p0 =	seq.s32 s5, $0x0;
	s5 =	sld [smem:$0x3F8D]  }
0x2b: {  	s6 =	sld [smem:$0x3F8E]  }
0x2c: {  	s7 =	sld [smem:$0x3F8F]  }
0x2d: {  	s3 =	simm.s32 $0x108;
	s8 =	sld [smem:$0x3F90]  }
0x2e: {  	s3 =	simm.s32 @!p0 $0x1082;
	s9 =	sld [smem:$0x3F91]  }
0x2f: {  	lr =	sadd.s32 s0, s3;
	s0 =	sld [smem:$0x3F88]  }
0x30: {  	s3 =	sld [smem:$0x3F8B]  }
0x31: {  	[smem:$0x3F94] =	sst s10  }
0x32: {  	s10 =	sld [smem:$0x3F92];
	_ =	sdelay $0x3  }
0x33: {  	p0 =	seq.s32 s10, $0x1;
	s10 =	sld [smem:$0x3F94];
	_ =	sdelay $0x3  }
0x34: {  	[smem:$0x3F94] =	sst s10  }
0x35: {  	s10 =	sld [smem:$0x3F93];
	_ =	sdelay $0x3  }
0x36: {  	p1 =	seq.s32 s10, $0x1;
	s10 =	sld [smem:$0x3F94];
	_ =	sdelay $0x3  }
0x37: {  	[smem:$0x3F94] =	sst s10  }
0x38: {  	s10 =	sld [smem:$0x3F95]  }
0x39: {  	_ = 	snop;
	(pc) =	sbr.ind lr, $3  }
0x3a: {  	_ = 	snop  }
0x3b: {  	_ = 	snop  }
0x3c: {  	p2 =	seq.s32 s10, $0x1;
	s10 =	sld [smem:$0x3F94]  }
0x3d: {  	_ =	shalt  }
0x3e: {  	_ =	shalt  }
0x3f: {  	_ =	shalt  }
0x40: {  	_ =	shalt  }
0x41: {  	_ =	shalt  }
0x42: {  	_ =	shalt  }
0x43: {  	_ =	shalt  }
0x44: {  	_ =	shalt  }
0x45: {  	_ =	shalt  }
0x46: {  	_ =	shalt  }
0x47: {  	_ =	shalt  }
0x48: {  	_ =	shalt  }
0x49: {  	_ =	shalt  }
0x4a: {  	_ =	shalt  }
0x4b: {  	_ =	shalt  }
0x4c: {  	_ =	shalt  }
0x4d: {  	_ =	shalt  }
0x4e: {  	_ =	shalt  }
0x4f: {  	_ =	shalt  }
0x50: {  	_ =	shalt  }
0x51: {  	_ =	shalt  }
0x52: {  	_ =	shalt  }
0x53: {  	_ =	shalt  }
0x54: {  	_ =	shalt  }
0x55: {  	_ =	shalt  }
0x56: {  	_ =	shalt  }
0x57: {  	_ =	shalt  }
0x58: {  	_ =	shalt  }
0x59: {  	_ =	shalt  }
0x5a: {  	_ =	shalt  }
0x5b: {  	_ =	shalt  }
0x5c: {  	_ =	shalt  }
0x5d: {  	_ =	shalt  }
0x5e: {  	_ =	shalt  }
0x5f: {  	_ =	shalt  }
0x60: {  	_ =	shalt  }
0x61: {  	_ =	shalt  }
0x62: {  	_ =	shalt  }
0x63: {  	_ =	shalt  }
0x64: {  	_ =	shalt  }
0x65: {  	_ =	shalt  }
0x66: {  	_ =	shalt  }
0x67: {  	_ =	shalt  }
0x68: {  	_ =	shalt  }
0x69: {  	_ =	shalt  }
0x6a: {  	_ =	shalt  }
0x6b: {  	_ =	shalt  }
0x6c: {  	_ =	shalt  }
0x6d: {  	_ =	shalt  }
0x6e: {  	_ =	shalt  }
0x6f: {  	_ =	shalt  }
0x70: {  	_ =	shalt  }
0x71: {  	_ =	shalt  }
0x72: {  	_ =	shalt  }
0x73: {  	_ =	shalt  }
0x74: {  	_ =	shalt  }
0x75: {  	_ =	shalt  }
0x76: {  	_ =	shalt  }
0x77: {  	_ =	shalt  }
0x78: {  	_ =	shalt  }
0x79: {  	_ =	shalt  }
0x7a: {  	_ =	shalt  }
0x7b: {  	_ =	shalt  }
0x7c: {  	_ =	shalt  }
0x7d: {  	_ =	shalt  }
0x7e: {  	_ =	shalt  }
0x7f: {  	_ =	shalt  }
0x80: {  	_ =	shalt  }
0x81: {  	_ =	shalt  }
0x82: {  	_ =	shalt  }
0x83: {  	_ =	shalt  }
0x84: {  	_ =	shalt  }
0x85: {  	_ =	shalt  }
0x86: {  	_ =	shalt  }
0x87: {  	_ =	shalt  }
.Lfunc_end0:
.L_simem_size_0:
called_computation_lowered:
.L_overlay_start_0:
0x88: {  	s2 =	sld [smem:$0x3FD9]  }
0x89: {  	s3 =	sld [smem:$0x3FFE];
	_ =	sdelay $0x1  }
0x8a: {  	s1 =	srdreg.scid  }
0x8b: {  	s0 =	sand.u32 $0x1, s1  }
0x8c: {  	s14 =	sshll.u32 s0, $0xA;
	s2 =	sadd.s32 s3, s2  }
0x8d: {  	s2 =	sadd.s32 s2, s14  }
0x8e: {  	[smem:$0x3FA0] =	sst s2  }
0x8f: {  	_ = 	snop  }
0x90: {  	s2 =	sld [smem:$0x3FD0];
	_ =	sdelay $0x2  }
0x91: {  	s15 =	simm.s32 $0xA;
	s4 =	simm.s32 $0x10  }
0x92: {  	[smem:s4], [sflag:s15] =	dma.local [hbm:s2], $0x1  }
0x93: {  	_ =	swait.eq [sflag:s15], $0x1  }
0x94: {  	[sflag:s15] =	ssyncset.done $0x0  }
0x95: {  	[sflag:s15] =	ssyncadd.s32 $0xFFFFFFFF  }
0x96: {  	s16 =	sld [smem:$0x16];
	(tm) =	ssettm $0x1  }
0x97: {  	s17 =	sld [smem:$0x3FFB];
	_ =	sdelay $0x3  }
0x98: {  	_ =	strace s17  }
0x99: {  	s3 =	sld [smem:$0x3FFC];
	_ =	sdelay $0x3  }
0x9a: {  	_ =	strace s3  }
0x9b: {  	s3 =	sld [smem:$0x3FFD];
	_ =	sdelay $0x3  }
0x9c: {  	_ =	strace s3  }
0x9d: {  	_ =	strace $0x8FFFFFFF  }
0x9e: {  	s18 =	sld [smem:$0x3FDB];
	_ =	sdelay $0x1  }
0x9f: {  	s19 =	simm.s32 $_scs_section_size  }
0xa0: {  	s5 =	simm.s32 $_size__tile_overlayer_lowered;
	s6 =	simm.s32 $_tile_overlayer_lowered  }
0xa1: {  	s22 =	simm.s32 $0x1BFF;
	s21 =	sshll.u32 s6, $0x1;
	s3 =	sadd.s32 s19, s18  }
0xa2: {  	s7 =	simm.s32 $0x0;
	s20 =	sshll.u32 s5, $0x1;
	s5 =	sadd.s32 s21, s3  }
0xa3: {  	[timem:s7], [sflag:s22] =	dma.local [hbm:s5], s20  }
0xa4: {  	_ =	swait.ge [sflag:s22], s20  }
0xa5: {  	s4 =	ssub.s32 $0x0, s20;
	[sflag:s22] =	ssyncset.done $0x0  }
0xa6: {  	[sflag:s22] =	ssyncadd.s32 s4;
	_ =	sdelay $0x1  }
0xa7: {  	s23 =	simm.s32 $0x1B8B  }
0xa8: {  	_ =	swait.ge [sflag:s23], $0x1  }
0xa9: {  	[sflag:s23] =	ssyncset.done $0x0  }
0xaa: {  	s25 =	simm.s32 $0x1B8E;
	s24 =	sld [smem:$0x3FFE];
	[sflag:s23] =	ssyncadd.s32 $0xFFFFFFFF  }
0xab: {  	s26 =	simm.s32 $execute0_lowered;
	[smem:$0x3FD2] =	sst s25  }
0xac: {  	s5 =	sshll.u32 s26, $0x1;
	_ =	strace $0x80000049;
	[dreg:$0x1] =	wrdreg $0xFFFFFFFF  }
0xad: {  	s28 =	simm.s32 $_size_execute0_lowered;
	s3 =	sadd.s32 s3, s5;
	[dreg:$0x0] =	wrdreg $0x0  }
0xae: {  	s5 =	sshll.u32 s28, $0x1;
	[dreg:$0x2] =	wrdreg s3  }
0xaf: {  	[dreg:$0x3] =	wrdreg s5  }
0xb0: {  	[dreg:$0x4] =	wrdreg $0xC0  }
0xb1: {  	_ =	task [dreg:s7], $0x5FFFF  }
0xb2: {  	[dreg:$0x1] =	wrdreg $0xFFFFFFFF  }
0xb3: {  	[dreg:$0x0] =	wrdreg $0x60  }
0xb4: {  	[dreg:$0x2] =	wrdreg s16  }
0xb5: {  	[dreg:$0x3] =	wrdreg s24  }
0xb6: {  	[dreg:$0x4] =	wrdreg $0x9  }
0xb7: {  	_ =	task.clear_ibuf [dreg:s7], $0x5FFFF;
	_ =	strace $0x90000049  }
0xb8: {  	s29 =	simm.s32 $0x9;
	_ =	strace $0x8000004B  }
0xb9: {  	_ =	swait.ge [sflag:s29], $0x1  }
0xba: {  	[sflag:s29] =	ssyncadd.s32 $0xFFFFFFFF  }
0xbb: {  	_ =	strace $0x9000004B  }
0xbc: {  	_ =	sfence  }
0xbd: {  	s30 =	sld [smem:$0x0];
	_ =	sdelay $0x2  }
0xbe: {  	s31 =	sshll.u32 s1, $0xD;
	s1 =	sshrl.u32 s1, $0x2  }
0xbf: {  	s3 =	sand.u32 $0x4000, s31;
	s1 =	sadd.s32 s1, s30  }
0xc0: {  	s0 =	sor.u32 s3, s0;
	s1 =	sshll.u32 s1, $0x11  }
0xc1: {  	s0 =	sor.u32 s1, s0  }
0xc2: {  	s0 =	sadd.s32 $0x8F2B, s0  }
0xc3: {  	[sflag:s0] =	ssyncadd.remote.s32 $0x1  }
0xc4: {  	_ =	sfence.sel $0xFFFF  }
0xc5: {  	[dreg:$0x0] =	wrdreg $0xFFFFFFFF;
	(pc) =	sbr.abs _section_cstart, $3  }
0xc6: {  	[dreg:$0x1] =	wrdreg $0xFFFFFFFF  }
0xc7: {  	_ =	task.clear_ibuf [dreg:s7], $0x2FFFF;
	_ =	strace $0x9FFFFFFF  }
0xc8: {  	(tm) =	ssettm $0x7FFFFFFF  }
0xc9: {  	_ =	shalt  }
tec
execute0_lowered:
.L_overlay_start_1:
0x0: {  	(tag) =	ssettag $0x1  }
0x1: {  	s1 =	srdreg.scid;
	s2 =	rddreg [dreg:$0x0]  }
0x2: {  	s0 =	stileid.u32;
	s5 =	rddreg [dreg:$0x1];
	s6 =	simm.s32 $0x1  }
0x3: {  	s9 =	simm.s32 $0x1;
	s10 =	simm.s32 $0x3;
	s1 =	sshll.u32 s1, $0x8  }
0x4: {  	s13 =	simm.s32 $0x0;
	s3 =	sshll.u32 s0, $0x9;
	s4 =	sand.u32 $0x100, s1  }
0x5: {  	s12 =	simm.s32 $0x0;
	s1 =	rddreg [dreg:$0x2];
	s3 =	sor.u32 s3, s4  }
0x6: {  	_ =	strace $0x8000004A;
	s4 =	sadd.s32 $0xF000, s5;
	s8 =	ssub.s32 $0x4000, s3  }
.Ltmp0:
0x7: {  	s5 =	sadd.s32 $0x8200, s5;
	s7 =	sand.u32 $0x1F00, s8;
	(pc) =	sbr.rel .LBB2_1-.Ltmp0, $4  }
0x8: {  	[sflag:s6] =	ssyncpa.u1 $0x0;
	s11 =	smov.u32 s3;
	p0 =	sne.s32 s7, $0x0  }
0x9: {  	s8 =	sshrl.u32 s8, $0xD;
	s7 =	simm.s32 $0x2;
	s9 =	simm.s32 @!p0 $0x0  }
0xa: {  	[sflag:s7] =	ssyncpa.u1 $0x0;
	p0 =	por $0x0, $0x0;
	s8 =	sadd.s32 s9, s8  }
0xb: {  	vm0 =	vmmov $0xffff;
	[sflag:s10] =	ssyncpa.u1 $0x0;
	s10 =	simm.s32 $0x0;
	s9 =	sadd.s32 $0x1, s8  }
.LBB2_4:
0xc: {  	vm1 =	veq.s32 v0, $0x80000000;
	v63 =	vand.u32 $0x3FF, v0;
	v2 =	vand.u32 $0x3FF, v2  }
0xd: {  	v0 =	vsel vm1, $0xFFFFFFFF, v63;
	v2 =	vsel vm1, $0xFFFFFFFF, v2  }
0xe: {  	v3 =	vshll.u32 v2, $0xA;
	v4 =	vshll.u32 v0, $0x3  }
0xf: {  	v2 =	vshll.u32 v2, $0x7;
	v3 =	vand.u32 $0xFFFFE000, v3;
	v4 =	vand.u32 $0xFFFFFC00, v4  }
0x10: {  	v2 =	vand.u32 $0x380, v2;
	v3 =	vadd.s32 v4, v3  }
0x11: {  	v0 =	vand.u32 $0x7F, v0;
	v2 =	vor.u32 v2, v3  }
0x12: {  	v0 =	vor.u32 v0, v2;
	_ =	sdelay $0x1  }
0x13: {  	(ifvalue) =	ssetifvalue $0x7FFFFFFF;
	s14 =	sadd.s32 $0x10, s14  }
0x14: {  	[tilespmem:s14], [sflag:$0x1] =	stream.indirect_vreg.gather [hbm4b:s2+s10], $0x1, v1, vm0, $0x4038;
	[tilespmem:$0x400] =	vst v63  }
0x15: {  	(ifvalue) =	ssetifvalue $0x7FFFFFFF;
	s14 =	sadd.s32 $0x10, s14  }
0x16: {  	[tilespmem:s14], [sflag:$0x1] =	stream.indirect_vreg.gather [hbm4b:s2+s10], $0x1, v0, vm0, $0x4038;
	[tilespmem:$0x400] =	vst v63  }
0x17: {  	_ =	swait.ge [sflag:s6], $0x100  }
0x18: {  	s30 =	sshrl.u32 s13, $0x3;
	[sflag:s6] =	ssyncset.done $0x0  }
0x19: {  	s31 =	sand.u32 $0x7, s13;
	s14 =	sadd.s32 s5, s30;
	[sflag:s6] =	ssyncadd.s32 $0xFFFFFF00  }
0x1a: {  	[hbm4b:s14+s31] =	stream.linear.scatter [tilespmem:s15], [sflag:$0x3], $0x100, $0x38;
	[tilespmem:$0x400] =	vst v63  }
.LBB2_5:
0x1b: {  	s15 =	sadd.s32 $0x2000, s11  }
0x1c: {  	p2 =	sgt.s32 s15, $0x3FFF  }
0x1d: {  	s15 =	smov.u32 @p2 s3;
	p2 =	sne.s32 s12, s9  }
.Ltmp1:
0x1e: {  	p1 =	slt.u32 s12, $0x2;
	(pc) =	sbr.rel @!p2 .LBB2_6-.Ltmp1, $4  }
0x1f: {  	s14 =	simm.s32 @!p1 $0x3  }
0x20: {  	s16 =	sadd.s32 $0x1, s12;
	_ =	swait.ge @!p1 [sflag:s14], $0x100  }
0x21: {  	s13 =	smov.u32 s11;
	p0 =	por !p0, !p0;
	[sflag:s14] =	ssyncset.done @!p1 $0x0  }
0x22: {  	s12 =	smov.u32 s16;
	s11 =	smov.u32 s15;
	[sflag:s14] =	ssyncadd.s32 @!p1 $0xFFFFFF00  }
.LBB2_1:
0x23: {  	p1 =	sge.u32 s12, s8  }
0x24: {  	s14 =	sxor.u32 @!p1 $0xFFFFFFFF, s12  }
0x25: {  	s31 =	sadd.s32 $0xFFFFFFFF, s12;
	s15 =	sshrl.u32 @!p1 s11, $0x3;
	s14 =	sshll.u32 @!p1 s14, $0x8  }
0x26: {  	s16 =	sand.u32 @!p1 $0x7, s11;
	s15 =	sadd.s32 @!p1 s4, s15;
	s14 =	sand.u32 @!p1 $0x100, s14  }
0x27: {  	[tilespmem:s14], [sflag:$0x2] =	stream.linear.gather @!p1 [hbm4b:s15+s16], $0x100, $0x38;
	[tilespmem:$0x400] =	vst v63  }
0x28: {  	p1 =	sge.u32 s31, s8  }
.Ltmp2:
0x29: {  	_ = 	snop;
	(pc) =	sbr.rel @p1 .LBB2_5-.Ltmp2, $1  }
0x2a: {  	_ =	sdelay $0x3  }
0x2b: {  	s14 =	simm.s32 $0x1  }
0x2c: {  	_ =	swait.ge [sflag:s7], $0x100;
	s14 =	simm.s32 @!p0 $0x0  }
0x2d: {  	[sflag:s7] =	ssyncset.done $0x0;
	s14 =	sshll.u32 s14, $0x8  }
0x2e: {  	[sflag:s7] =	ssyncadd.s32 $0xFFFFFF00;
	(ifvalue) =	ssetifvalue $0x7FFFFFFF;
	v0 =	vld.msk [tilespmem:s14+$0x0 ss:$0x1], $0xffff;
	_ =	sdelay $0x4  }
0x2f: {  	s15 =	sadd.s32 $0x10, s14;
	v1 =	vshrl.u32 v0, $0xA  }
0x30: {  	v2 =	vld.msk [tilespmem:s15+$0x0 ss:$0x1], $0xffff;
	vm1 =	veq.s32 v0, $0x80000000;
	v0 =	vand.u32 $0x3FF, v0;
	v1 =	vand.u32 $0x3FF, v1  }
0x31: {  	v0 =	vsel vm1, $0xFFFFFFFF, v0;
	v1 =	vsel vm1, $0xFFFFFFFF, v1  }
0x32: {  	v4 =	vshll.u32 v0, $0x3;
	v3 =	vshll.u32 v1, $0xA  }
0x33: {  	v4 =	vand.u32 $0xFFFFFC00, v4;
	v1 =	vshll.u32 v1, $0x7;
	v3 =	vand.u32 $0xFFFFE000, v3  }
0x34: {  	v0 =	vand.u32 $0x7F, v0;
	v1 =	vand.u32 $0x380, v1;
	v3 =	vadd.s32 v4, v3  }
0x35: {  	vm1 =	veq.s32 v2, $0x80000000;
	v1 =	vor.u32 v1, v3;
	v3 =	vshrl.u32 v2, $0xA  }
0x36: {  	s17 =	sadd.s32 $0x10, s15;
	v2 =	vand.u32 $0x3FF, v2;
	v1 =	vor.u32 v0, v1;
	v3 =	vand.u32 $0x3FF, v3  }
0x37: {  	v0 =	vld.msk [tilespmem:s17+$0x0 ss:$0x1], $0xffff;
	v2 =	vsel vm1, $0xFFFFFFFF, v2;
	v3 =	vsel vm1, $0xFFFFFFFF, v3  }
0x38: {  	v5 =	vshll.u32 v2, $0x3;
	v63 =	vshll.u32 v3, $0xA  }
0x39: {  	s31 =	sshll.u32 s12, $0x8;
	v5 =	vand.u32 $0xFFFFFC00, v5;
	v3 =	vshll.u32 v3, $0x7;
	v4 =	vand.u32 $0xFFFFE000, v63  }
0x3a: {  	s14 =	sor.u32 $0x200, s14;
	s15 =	sand.u32 $0x100, s31;
	(ifvalue) =	ssetifvalue $0x7FFFFFFF;
	v3 =	vand.u32 $0x380, v3;
	v4 =	vadd.s32 v5, v4  }
0x3b: {  	[tilespmem:s14], [sflag:$0x1] =	stream.indirect_vreg.gather [hbm4b:s2+s10], $0x1, v1, vm0, $0x4038;
	v1 =	vand.u32 $0x7F, v2;
	v3 =	vor.u32 v3, v4;
	[tilespmem:$0x400] =	vst v63  }
0x3c: {  	s16 =	simm.s32 $0x20;
	s15 =	sor.u32 $0x200, s15;
	s17 =	sadd.s32 $0x10, s17;
	v2 =	vshrl.u32 v0, $0xA;
	v1 =	vor.u32 v1, v3  }
.LBB2_3:
0x3d: {  	s16 =	sadd.s32 $0x10, s16;
	vm1 =	veq.s32 v0, $0x80000000;
	v3 =	vand.u32 $0x3FF, v0;
	v0 =	vld.msk [tilespmem:s17+$0x0 ss:$0x1], $0xffff;
	v2 =	vand.u32 $0x3FF, v2  }
0x3e: {  	p1 =	slt.u32 s16, $0xF0;
	v3 =	vsel vm1, $0xFFFFFFFF, v3;
	v2 =	vsel vm1, $0xFFFFFFFF, v2  }
.Ltmp3:
0x3f: {  	v4 =	vshll.u32 v2, $0xA;
	v5 =	vshll.u32 v3, $0x3;
	(pc) =	sbr.rel @p1 .LBB2_3-.Ltmp3, $4  }
0x40: {  	s14 =	sadd.s32 $0x10, s14;
	v2 =	vshll.u32 v2, $0x7;
	v4 =	vand.u32 $0xFFFFE000, v4;
	v5 =	vand.u32 $0xFFFFFC00, v5;
	(ifvalue) =	ssetifvalue $0x7FFFFFFF  }
0x41: {  	v2 =	vand.u32 $0x380, v2;
	v4 =	vadd.s32 v5, v4;
	[tilespmem:s14], [sflag:$0x1] =	stream.indirect_vreg.gather [hbm4b:s2+s10], $0x1, v1, vm0, $0x4038;
	[tilespmem:$0x400] =	vst v63  }
0x42: {  	v1 =	vand.u32 $0x7F, v3;
	v3 =	vor.u32 v2, v4  }
0x43: {  	s17 =	sadd.s32 $0x10, s17;
	v2 =	vshrl.u32 v0, $0xA;
	v1 =	vor.u32 v1, v3  }
.Ltmp4:
0x44: {  	_ = 	snop;
	(pc) =	sbr.rel .LBB2_4-.Ltmp4, $1  }
0x45: {  	_ =	sdelay $0x3  }
.LBB2_6:
0x46: {  	_ =	sfence.sel $0x180000  }
0x47: {  	s2 =	simm.s32 $0x2;
	[bflag:$0x0] =	sbarrier.arrive $0xFFFF  }
0x48: {  	s30 =	simm.s32 $0x3;
	[sflag:s2] =	ssyncpa.u1 $0x1  }
0x49: {  	s31 =	simm.s32 $0x1;
	[sflag:s30] =	ssyncpa.u1 $0x1  }
0x4a: {  	[sflag:s31] =	ssyncpa.u1 $0x1  }
0x4b: {  	p0 =	sne.s32 s0, $0x0;
	_ =	strace $0x9000004A  }
0x4c: {  	s0 =	sadd.s32 @!p0 $0x100000, s1;
	[bflag:$0x2] =	sbarrier.arrive $0xFFFF  }
0x4d: {  	[sflag:s0] =	ssyncadd.tile.s32 @!p0 $0x1;
	_ =	shalt  }
.Lfunc_end2:
_tile_overlayer_lowered:
.L_overlay_start_2:
0x4e: {  	(tag) =	ssettag $0x2  }
0x4f: {  	s0 =	rddreg [dreg:$0x0];
	s2 =	stileid.u32  }
0x50: {  	s1 =	rddreg [dreg:$0x1];
	p0 =	sne.s32 s2, $0x0  }
0x51: {  	s3 =	rddreg [dreg:$0x2];
	[bflag:$0x3] =	sbarrier.arrive $0xFFFF;
	s2 =	simm.s32 @!p0 $0x1C01  }
0x52: {  	[timem:s3], [sflag:s2] =	dma.local @!p0 [hbm:s0], s1  }
0x53: {  	s0 =	simm.s32 @!p0 $0x1  }
0x54: {  	_ =	swait.ge @!p0 [sflag:s0], s1  }
0x55: {  	s1 =	ssub.s32 @!p0 $0x0, s1;
	[sflag:s0] =	ssyncset.done @!p0 $0x0  }
0x56: {  	[sflag:s0] =	ssyncadd.s32 @!p0 s1  }
0x57: {  	[bflag:$0x3] =	sbarrier.arrive $0xFFFF  }
0x58: {  	_ =	shalt  }

// kernel: kernel.5.cloned.1.call-start
scs
__scs_entry_jumppad:
0x0: {  	(pc) =	sbr.rel $0x88, $3  }
0x1: {  	(tag) =	ssettag $0x0;
	lr =	simm.s32 $0x1  }
0x2: {  	[smem:$0x3F79] =	sst lr;
	_ =	strace $0xD0000000  }
0x3: {  	_ = 	snop  }
0x4: {  	_ = 	snop  }
0x5: {  	_ = 	snop  }
0x6: {  	_ = 	snop  }
0x7: {  	_ = 	snop  }
__scs_overlays_trampoline_lowered:
0x8: {  	[smem:$0x3F88] =	sst s0  }
0x9: {  	[smem:$0x3F89] =	sst s1  }
0xa: {  	[smem:$0x3F8A] =	sst s2  }
0xb: {  	[smem:$0x3F8B] =	sst s3  }
0xc: {  	[smem:$0x3F8C] =	sst s4  }
0xd: {  	[smem:$0x3F8D] =	sst s5  }
0xe: {  	[smem:$0x3F8E] =	sst s6  }
0xf: {  	[smem:$0x3F8F] =	sst s7  }
0x10: {  	[smem:$0x3F90] =	sst s8  }
0x11: {  	[smem:$0x3F91] =	sst s9;
	s0 =	simm.s32 @!p0 $0x0  }
0x12: {  	s1 =	sld [smem:$0x3F77];
	s0 =	simm.s32 @p0 $0x1  }
0x13: {  	[smem:$0x3F92] =	sst s0;
	s0 =	simm.s32 @!p1 $0x0  }
0x14: {  	s2 =	sld [smem:$0x3F76];
	s0 =	simm.s32 @p1 $0x1  }
0x15: {  	[smem:$0x3F93] =	sst s0;
	s0 =	simm.s32 @!p2 $0x0  }
0x16: {  	s3 =	sld [smem:$0x3FDB];
	s0 =	simm.s32 @p2 $0x1  }
0x17: {  	s4 =	simm.s32 $0x1BF5;
	[smem:$0x3F95] =	sst s0  }
0x18: {  	s0 =	sld [smem:$0x3F78];
	_ =	swait.ge [sflag:s4], $0x0  }
0x19: {  	s7 =	sld [smem:$0x3F79]  }
0x1a: {  	s8 =	sadd.s32 $0xFFFFE003, lr  }
0x1b: {  	s9 =	sadd.s32 $0xFFFFFEF7, lr;
	s5 =	simm.s32 $0xFFFFFFFF;
	p2 =	slt.u32 s8, $0xFFFFF086  }
0x1c: {  	p1 =	slt.u32 s9, $0xF7A;
	s5 =	simm.s32 @!p2 $0x0  }
0x1d: {  	s5 =	simm.s32 @p1 $0x1;
	p0 =	seq.s32 s7, s2  }
0x1e: {  	s7 =	smul.u32 @!p0 $0xF7A, s2;
	p2 =	seq.s32 @!p0 s5, $0x0  }
0x1f: {  	s9 =	smul.u32 $0xF7A, s1;
	s8 =	simm.s32 @!p0 $0x1BF5;
	p2 =	por !p2, p0  }
0x20: {  	[sflag:s8] =	ssyncset.s32 @!p0 $0xFFFFF086;
	s6 =	sadd.s32 @!p0 s3, s7;
	s7 =	simm.s32 @!p0 $0x108  }
0x21: {  	s3 =	sadd.s32 s3, s9;
	s6 =	sadd.s32 @!p0 $0x88, s6;
	s7 =	simm.s32 @p2 $0x1082  }
0x22: {  	[simem:s7], [sflag:s8] =	dma.local @!p0 [hbm:s6], $0xF7A  }
0x23: {  	s9 =	sor.u32 $0xD0000000, s2;
	s6 =	simm.s32 $0x108;
	_ =	swait.ge @!p0 [sflag:s8], $0x0  }
0x24: {  	s3 =	sadd.s32 $0x88, s3;
	s6 =	simm.s32 @!p1 $0x1082;
	[sflag:s4] =	ssyncset.s32 $0xFFFFF086  }
0x25: {  	[simem:s6], [sflag:s4] =	dma.local [hbm:s3], $0xF7A  }
0x26: {  	[smem:$0x3F79] =	sst s1;
	(tag) =	ssettag s2;
	_ =	strace s9  }
0x27: {  	s1 =	sld [smem:$0x3F89]  }
0x28: {  	s2 =	sld [smem:$0x3F8A]  }
0x29: {  	s4 =	sld [smem:$0x3F8C]  }
0x2a: {  	p0 =	seq.s32 s5, $0x0;
	s5 =	sld [smem:$0x3F8D]  }
0x2b: {  	s6 =	sld [smem:$0x3F8E]  }
0x2c: {  	s7 =	sld [smem:$0x3F8F]  }
0x2d: {  	s3 =	simm.s32 $0x108;
	s8 =	sld [smem:$0x3F90]  }
0x2e: {  	s3 =	simm.s32 @!p0 $0x1082;
	s9 =	sld [smem:$0x3F91]  }
0x2f: {  	lr =	sadd.s32 s0, s3;
	s0 =	sld [smem:$0x3F88]  }
0x30: {  	s3 =	sld [smem:$0x3F8B]  }
0x31: {  	[smem:$0x3F94] =	sst s10  }
0x32: {  	s10 =	sld [smem:$0x3F92];
	_ =	sdelay $0x3  }
0x33: {  	p0 =	seq.s32 s10, $0x1;
	s10 =	sld [smem:$0x3F94];
	_ =	sdelay $0x3  }
0x34: {  	[smem:$0x3F94] =	sst s10  }
0x35: {  	s10 =	sld [smem:$0x3F93];
	_ =	sdelay $0x3  }
0x36: {  	p1 =	seq.s32 s10, $0x1;
	s10 =	sld [smem:$0x3F94];
	_ =	sdelay $0x3  }
0x37: {  	[smem:$0x3F94] =	sst s10  }
0x38: {  	s10 =	sld [smem:$0x3F95]  }
0x39: {  	_ = 	snop;
	(pc) =	sbr.ind lr, $3  }
0x3a: {  	_ = 	snop  }
0x3b: {  	_ = 	snop  }
0x3c: {  	p2 =	seq.s32 s10, $0x1;
	s10 =	sld [smem:$0x3F94]  }
0x3d: {  	_ =	shalt  }
0x3e: {  	_ =	shalt  }
0x3f: {  	_ =	shalt  }
0x40: {  	_ =	shalt  }
0x41: {  	_ =	shalt  }
0x42: {  	_ =	shalt  }
0x43: {  	_ =	shalt  }
0x44: {  	_ =	shalt  }
0x45: {  	_ =	shalt  }
0x46: {  	_ =	shalt  }
0x47: {  	_ =	shalt  }
0x48: {  	_ =	shalt  }
0x49: {  	_ =	shalt  }
0x4a: {  	_ =	shalt  }
0x4b: {  	_ =	shalt  }
0x4c: {  	_ =	shalt  }
0x4d: {  	_ =	shalt  }
0x4e: {  	_ =	shalt  }
0x4f: {  	_ =	shalt  }
0x50: {  	_ =	shalt  }
0x51: {  	_ =	shalt  }
0x52: {  	_ =	shalt  }
0x53: {  	_ =	shalt  }
0x54: {  	_ =	shalt  }
0x55: {  	_ =	shalt  }
0x56: {  	_ =	shalt  }
0x57: {  	_ =	shalt  }
0x58: {  	_ =	shalt  }
0x59: {  	_ =	shalt  }
0x5a: {  	_ =	shalt  }
0x5b: {  	_ =	shalt  }
0x5c: {  	_ =	shalt  }
0x5d: {  	_ =	shalt  }
0x5e: {  	_ =	shalt  }
0x5f: {  	_ =	shalt  }
0x60: {  	_ =	shalt  }
0x61: {  	_ =	shalt  }
0x62: {  	_ =	shalt  }
0x63: {  	_ =	shalt  }
0x64: {  	_ =	shalt  }
0x65: {  	_ =	shalt  }
0x66: {  	_ =	shalt  }
0x67: {  	_ =	shalt  }
0x68: {  	_ =	shalt  }
0x69: {  	_ =	shalt  }
0x6a: {  	_ =	shalt  }
0x6b: {  	_ =	shalt  }
0x6c: {  	_ =	shalt  }
0x6d: {  	_ =	shalt  }
0x6e: {  	_ =	shalt  }
0x6f: {  	_ =	shalt  }
0x70: {  	_ =	shalt  }
0x71: {  	_ =	shalt  }
0x72: {  	_ =	shalt  }
0x73: {  	_ =	shalt  }
0x74: {  	_ =	shalt  }
0x75: {  	_ =	shalt  }
0x76: {  	_ =	shalt  }
0x77: {  	_ =	shalt  }
0x78: {  	_ =	shalt  }
0x79: {  	_ =	shalt  }
0x7a: {  	_ =	shalt  }
0x7b: {  	_ =	shalt  }
0x7c: {  	_ =	shalt  }
0x7d: {  	_ =	shalt  }
0x7e: {  	_ =	shalt  }
0x7f: {  	_ =	shalt  }
0x80: {  	_ =	shalt  }
0x81: {  	_ =	shalt  }
0x82: {  	_ =	shalt  }
0x83: {  	_ =	shalt  }
0x84: {  	_ =	shalt  }
0x85: {  	_ =	shalt  }
0x86: {  	_ =	shalt  }
0x87: {  	_ =	shalt  }
.Lfunc_end0:
.L_simem_size_0:
called_computation.1_lowered:
.L_overlay_start_0:
0x88: {  	s2 =	sld [smem:$0x3FD9]  }
0x89: {  	s3 =	sld [smem:$0x3FFE];
	_ =	sdelay $0x1  }
0x8a: {  	s1 =	srdreg.scid  }
0x8b: {  	s0 =	sand.u32 $0x1, s1  }
0x8c: {  	s14 =	sshll.u32 s0, $0xA;
	s2 =	sadd.s32 s3, s2  }
0x8d: {  	s2 =	sadd.s32 s2, s14  }
0x8e: {  	[smem:$0x3FA0] =	sst s2  }
0x8f: {  	_ = 	snop  }
0x90: {  	s2 =	sld [smem:$0x3FD0];
	_ =	sdelay $0x2  }
0x91: {  	s15 =	simm.s32 $0xA;
	s4 =	simm.s32 $0x10  }
0x92: {  	[smem:s4], [sflag:s15] =	dma.local [hbm:s2], $0x1  }
0x93: {  	_ =	swait.eq [sflag:s15], $0x1  }
0x94: {  	[sflag:s15] =	ssyncset.done $0x0  }
0x95: {  	[sflag:s15] =	ssyncadd.s32 $0xFFFFFFFF  }
0x96: {  	s16 =	sld [smem:$0x16];
	(tm) =	ssettm $0x1  }
0x97: {  	s17 =	sld [smem:$0x3FFB];
	_ =	sdelay $0x3  }
0x98: {  	_ =	strace s17  }
0x99: {  	s3 =	sld [smem:$0x3FFC];
	_ =	sdelay $0x3  }
0x9a: {  	_ =	strace s3  }
0x9b: {  	s3 =	sld [smem:$0x3FFD];
	_ =	sdelay $0x3  }
0x9c: {  	_ =	strace s3  }
0x9d: {  	_ =	strace $0x8FFFFFFF  }
0x9e: {  	s18 =	sld [smem:$0x3FDB];
	_ =	sdelay $0x1  }
0x9f: {  	s19 =	simm.s32 $_scs_section_size  }
0xa0: {  	s5 =	simm.s32 $_size__tile_overlayer_lowered;
	s6 =	simm.s32 $_tile_overlayer_lowered  }
0xa1: {  	s22 =	simm.s32 $0x1BFF;
	s21 =	sshll.u32 s6, $0x1;
	s3 =	sadd.s32 s19, s18  }
0xa2: {  	s7 =	simm.s32 $0x0;
	s20 =	sshll.u32 s5, $0x1;
	s5 =	sadd.s32 s21, s3  }
0xa3: {  	[timem:s7], [sflag:s22] =	dma.local [hbm:s5], s20  }
0xa4: {  	_ =	swait.ge [sflag:s22], s20  }
0xa5: {  	s4 =	ssub.s32 $0x0, s20;
	[sflag:s22] =	ssyncset.done $0x0  }
0xa6: {  	[sflag:s22] =	ssyncadd.s32 s4;
	_ =	sdelay $0x1  }
0xa7: {  	s23 =	simm.s32 $0x1B8B  }
0xa8: {  	_ =	swait.ge [sflag:s23], $0x1  }
0xa9: {  	[sflag:s23] =	ssyncset.done $0x0  }
0xaa: {  	s25 =	simm.s32 $0x1B8E;
	s24 =	sld [smem:$0x3FFE];
	[sflag:s23] =	ssyncadd.s32 $0xFFFFFFFF  }
0xab: {  	s26 =	simm.s32 $execute0_lowered;
	[smem:$0x3FD2] =	sst s25  }
0xac: {  	s5 =	sshll.u32 s26, $0x1;
	_ =	strace $0x80000046;
	[dreg:$0x1] =	wrdreg $0xFFFFFFFF  }
0xad: {  	s28 =	simm.s32 $_size_execute0_lowered;
	s3 =	sadd.s32 s3, s5;
	[dreg:$0x0] =	wrdreg $0x0  }
0xae: {  	s5 =	sshll.u32 s28, $0x1;
	[dreg:$0x2] =	wrdreg s3  }
0xaf: {  	[dreg:$0x3] =	wrdreg s5  }
0xb0: {  	[dreg:$0x4] =	wrdreg $0xC0  }
0xb1: {  	_ =	task [dreg:s7], $0x5FFFF  }
0xb2: {  	[dreg:$0x1] =	wrdreg $0xFFFFFFFF  }
0xb3: {  	[dreg:$0x0] =	wrdreg $0x60  }
0xb4: {  	[dreg:$0x2] =	wrdreg s24  }
0xb5: {  	[dreg:$0x3] =	wrdreg s16  }
0xb6: {  	[dreg:$0x4] =	wrdreg $0x9  }
0xb7: {  	_ =	task.clear_ibuf [dreg:s7], $0x5FFFF;
	_ =	strace $0x90000046  }
0xb8: {  	s29 =	simm.s32 $0x9;
	_ =	strace $0x80000048  }
0xb9: {  	_ =	swait.ge [sflag:s29], $0x1  }
0xba: {  	[sflag:s29] =	ssyncadd.s32 $0xFFFFFFFF  }
0xbb: {  	_ =	strace $0x90000048  }
0xbc: {  	_ =	sfence  }
0xbd: {  	s30 =	sld [smem:$0x0];
	_ =	sdelay $0x2  }
0xbe: {  	s31 =	sshll.u32 s1, $0xD;
	s1 =	sshrl.u32 s1, $0x2  }
0xbf: {  	s3 =	sand.u32 $0x4000, s31;
	s1 =	sadd.s32 s1, s30  }
0xc0: {  	s0 =	sor.u32 s3, s0;
	s1 =	sshll.u32 s1, $0x11  }
0xc1: {  	s0 =	sor.u32 s1, s0  }
0xc2: {  	s0 =	sadd.s32 $0x8F2B, s0  }
0xc3: {  	[sflag:s0] =	ssyncadd.remote.s32 $0x1  }
0xc4: {  	_ =	sfence.sel $0xFFFF  }
0xc5: {  	[dreg:$0x0] =	wrdreg $0xFFFFFFFF;
	(pc) =	sbr.abs _section_cstart, $3  }
0xc6: {  	[dreg:$0x1] =	wrdreg $0xFFFFFFFF  }
0xc7: {  	_ =	task.clear_ibuf [dreg:s7], $0x2FFFF;
	_ =	strace $0x9FFFFFFF  }
0xc8: {  	(tm) =	ssettm $0x7FFFFFFF  }
0xc9: {  	_ =	shalt  }
tec
execute0_lowered:
.L_overlay_start_1:
0x0: {  	(tag) =	ssettag $0x1  }
0x1: {  	s3 =	srdreg.scid  }
0x2: {  	s1 =	stileid.u32;
	s6 =	sand.u32 $0x1, s3  }
0x3: {  	s7 =	sshll.u32 s1, $0x1;
	s8 =	ssub.s32 $0x2, s6  }
0x4: {  	s7 =	sor.u32 s6, s7;
	s9 =	sshrl.u32 s8, $0x1  }
0x5: {  	s4 =	rddreg [dreg:$0x0];
	s6 =	ssub.s32 s8, s9;
	s8 =	sshll.u32 s7, $0x5  }
0x6: {  	s5 =	rddreg [dreg:$0x1];
	s2 =	simm.s32 $0x0;
	s23 =	sor.u32 $0x1, s8  }
0x7: {  	[smem:$0x7FF] =	sst s2;
	s10 =	sor.u32 $0x2, s8;
	v17 =	vmov s23  }
0x8: {  	s0 =	rddreg [dreg:$0x2];
	_ =	strace $0x80000047;
	s11 =	sor.u32 $0x3, s8;
	v18 =	vmov s10;
	[tilespmem:$0x1FEA0] =	vst v17  }
0x9: {  	s24 =	sor.u32 $0x4, s8;
	v19 =	vmov s11;
	[tilespmem:$0x1FEB0] =	vst v18  }
0xa: {  	s12 =	sor.u32 $0x5, s8;
	v20 =	vmov s24;
	[tilespmem:$0x1FEC0] =	vst v19  }
0xb: {  	s13 =	sor.u32 $0x6, s8;
	v21 =	vmov s12;
	[tilespmem:$0x1FED0] =	vst v20  }
0xc: {  	s25 =	sor.u32 $0x7, s8;
	v41 =	vmov s13;
	[tilespmem:$0x1FEE0] =	vst v21  }
0xd: {  	s26 =	sor.u32 $0x8, s8;
	v42 =	vmov s25;
	[tilespmem:$0x1FEF0] =	vst v41  }
0xe: {  	s28 =	sor.u32 $0x9, s8;
	v43 =	vmov s26;
	[tilespmem:$0x1FF00] =	vst v42  }
0xf: {  	s29 =	sor.u32 $0xA, s8;
	v44 =	vmov s28;
	[tilespmem:$0x1FF10] =	vst v43  }
0x10: {  	s30 =	sor.u32 $0xB, s8;
	v45 =	vmov s29;
	[tilespmem:$0x1FF20] =	vst v44  }
0x11: {  	s31 =	sor.u32 $0xC, s8;
	v46 =	vmov s30;
	[tilespmem:$0x1FF30] =	vst v45  }
0x12: {  	s14 =	sor.u32 $0xF, s8;
	v47 =	vmov s31;
	[tilespmem:$0x1FF40] =	vst v46  }
0x13: {  	s15 =	sor.u32 $0x10, s8;
	v50 =	vmov s14;
	[tilespmem:$0x1FF50] =	vst v47  }
0x14: {  	s16 =	sor.u32 $0x11, s8;
	v51 =	vmov s15;
	[tilespmem:$0x1FF80] =	vst v50  }
0x15: {  	s3 =	sadd.s32 $0x8000, s4;
	s4 =	sadd.s32 $0x8800, s4;
	s17 =	sor.u32 $0x12, s8;
	v52 =	vmov s16;
	[tilespmem:$0x1FF90] =	vst v51  }
0x16: {  	s9 =	simm.s32 $0x8000;
	s18 =	sor.u32 $0x13, s8;
	s19 =	sor.u32 $0x14, s8;
	v53 =	vmov s17;
	[tilespmem:$0x1FFA0] =	vst v52  }
0x17: {  	s20 =	sor.u32 $0x15, s8;
	s21 =	sor.u32 $0x16, s8;
	s22 =	sor.u32 $0x17, s8;
	v54 =	vmov s18;
	[tilespmem:$0x1FFB0] =	vst v53  }
0x18: {  	v58 =	vlaneseq.u32;
	s6 =	smax.u32 s6, $0x1;
	s10 =	sor.u32 $0xD, s8;
	s11 =	sor.u32 $0xE, s8;
	v55 =	vmov s19;
	[tilespmem:$0x1FFC0] =	vst v54  }
.Ltmp0:
0x19: {  	v33 =	vimm.f32 $+Inf;
	v27 =	vmov s8;
	s23 =	sor.u32 $0x18, s8;
	v56 =	vmov s20;
	s24 =	sor.u32 $0x19, s8;
	[tilespmem:$0x1FFD0] =	vst v55;
	(pc) =	sbr.rel .LBB2_1-.Ltmp0, $4  }
0x1a: {  	v57 =	vmov s21;
	s25 =	sor.u32 $0x1A, s8;
	s26 =	sor.u32 $0x1B, s8;
	v22 =	vmov s22;
	s28 =	sor.u32 $0x1C, s8;
	v48 =	vmov s10;
	[tilespmem:$0x1FFE0] =	vst v56  }
0x1b: {  	s29 =	sor.u32 $0x1D, s8;
	s30 =	sshll.u32 s7, $0xC;
	s8 =	sor.u32 $0x1E, s8;
	v49 =	vmov s11;
	v23 =	vmov s23;
	v24 =	vmov s24;
	[tilespmem:$0x1FFF0] =	vst v57  }
0x1c: {  	s31 =	sshllo.u32 s7, $0x5;
	s7 =	simm.s32 $0x1;
	v25 =	vmov s25;
	v26 =	vmov s26;
	s5 =	sadd.s32 s5, s30;
	v28 =	vmov s28;
	[tilespmem:$0x1FF60] =	vst v48  }
0x1d: {  	v29 =	vmov s29;
	v30 =	vmov s8;
	s8 =	simm.s32 $0x4000;
	v31 =	vmov s31;
	s10 =	simm.s32 $0x10000;
	s11 =	simm.s32 $0x0;
	[tilespmem:$0x1FF70] =	vst v49  }
.LBB2_15:
0x1e: {  	[hbm4b:s5+s2] =	stream.linear.scatter [tilespmem:s9], [sflag:$0x1], $0x8000, $0x38;
	[tilespmem:$0x18010] =	vst v63  }
0x1f: {  	_ =	swait.ge [sflag:s7], $0x8000  }
0x20: {  	v17 =	vld [tilespmem:$0x1FEA0]  }
0x21: {  	v18 =	vld [tilespmem:$0x1FEB0]  }
0x22: {  	v19 =	vld [tilespmem:$0x1FEC0]  }
0x23: {  	v20 =	vld [tilespmem:$0x1FED0]  }
0x24: {  	v21 =	vld [tilespmem:$0x1FEE0]  }
0x25: {  	v41 =	vld [tilespmem:$0x1FEF0]  }
0x26: {  	v42 =	vld [tilespmem:$0x1FF00]  }
0x27: {  	v43 =	vld [tilespmem:$0x1FF10]  }
0x28: {  	v44 =	vld [tilespmem:$0x1FF20]  }
0x29: {  	v45 =	vld [tilespmem:$0x1FF30]  }
0x2a: {  	v46 =	vld [tilespmem:$0x1FF40]  }
0x2b: {  	s11 =	sadd.s32 $0x1, s11;
	v47 =	vld [tilespmem:$0x1FF50]  }
0x2c: {  	p0 =	sne.s32 s11, s6;
	v48 =	vld [tilespmem:$0x1FF60]  }
.Ltmp1:
0x2d: {  	v49 =	vld [tilespmem:$0x1FF70];
	(pc) =	sbr.rel @!p0 .LBB2_16-.Ltmp1, $4  }
0x2e: {  	v50 =	vld [tilespmem:$0x1FF80]  }
0x2f: {  	v51 =	vld [tilespmem:$0x1FF90]  }
0x30: {  	[sflag:s7] =	ssyncset.done $0x0;
	v52 =	vld [tilespmem:$0x1FFA0]  }
0x31: {  	v53 =	vld [tilespmem:$0x1FFB0];
	[sflag:s7] =	ssyncadd.s32 $0xFFFF8000  }
.LBB2_1:
0x32: {  	[tilespmem:s2], [sflag:$0x1] =	stream.linear.gather [hbm4b:s3+s2], $0x4000, $0x38;
	[tilespmem:$0x18010] =	vst v63  }
0x33: {  	_ =	swait.ge [sflag:s7], $0x4000  }
0x34: {  	[sflag:s7] =	ssyncset.done $0x0  }
0x35: {  	[sflag:s7] =	ssyncadd.s32 $0xFFFFC000  }
0x36: {  	[tilespmem:s8], [sflag:$0x1] =	stream.linear.gather [hbm4b:s4+s2], $0x4000, $0x38;
	[tilespmem:$0x18010] =	vst v63  }
0x37: {  	v0 =	vor.u32 s2, v58;
	_ =	swait.ge [sflag:s7], $0x4000  }
0x38: {  	vm0 =	veq.s32 v0, v31;
	[sflag:s7] =	ssyncset.done $0x0  }
0x39: {  	s12 =	simm.s32 $0x0;
	vm10 =	veq.s32 v0, v17;
	v1 =	vsel vm0, $0x0, v33;
	[sflag:s7] =	ssyncadd.s32 $0xFFFFC000  }
0x3a: {  	vm12 =	veq.s32 v0, v19;
	v2 =	vsel vm10, $0x0, v33;
	[tilespmem:s12+$0xFC00] =	vst v1  }
0x3b: {  	vm1 =	veq.s32 v0, v27;
	vm15 =	veq.s32 v0, v41;
	v3 =	vsel vm12, $0x0, v33;
	[tilespmem:s12+$0x8400] =	vst v2  }
0x3c: {  	vm11 =	veq.s32 v0, v18;
	vm6 =	veq.s32 v0, v44;
	v4 =	vsel vm15, $0x0, v33;
	[tilespmem:s12+$0x8C00] =	vst v3  }
0x3d: {  	vm13 =	veq.s32 v0, v20;
	vm9 =	veq.s32 v0, v47;
	v5 =	vsel vm6, $0x0, v33;
	[tilespmem:s12+$0x9800] =	vst v4  }
0x3e: {  	vm14 =	veq.s32 v0, v21;
	vm10 =	veq.s32 v0, v48;
	v6 =	vsel vm9, $0x0, v33;
	[tilespmem:s12+$0xA400] =	vst v5  }
0x3f: {  	vm4 =	veq.s32 v0, v42;
	vm12 =	veq.s32 v0, v50;
	v7 =	vsel vm10, $0x0, v33;
	[tilespmem:s12+$0xB000] =	vst v6  }
0x40: {  	vm5 =	veq.s32 v0, v43;
	v9 =	vsel vm12, $0x0, v33;
	vm15 =	veq.s32 v0, v53;
	[tilespmem:s12+$0xB400] =	vst v7  }
0x41: {  	s13 =	simm.s32 $0x10;
	vm7 =	veq.s32 v0, v45;
	vm8 =	veq.s32 v0, v46;
	v10 =	vsel vm15, $0x0, v33;
	[tilespmem:s12+$0xBC00] =	vst v9  }
0x42: {  	v34 =	vor.u32 s13, v58;
	vm6 =	veq.s32 v0, v56;
	v1 =	vsel vm1, $0x0, v33;
	[tilespmem:s12+$0xC800] =	vst v10  }
0x43: {  	vm9 =	veq.s32 v0, v23;
	vm10 =	veq.s32 v0, v24;
	v2 =	vsel vm13, $0x0, v33;
	[tilespmem:s12+$0x8000] =	vst v1  }
0x44: {  	v38 =	vsel vm9, $0x0, v33;
	vm12 =	veq.s32 v0, v26;
	v3 =	vsel vm4, $0x0, v33;
	[tilespmem:s12+$0x9000] =	vst v2  }
0x45: {  	v37 =	vsel vm10, $0x0, v33;
	v35 =	vsel vm12, $0x0, v33;
	v4 =	vsel vm8, $0x0, v33;
	[tilespmem:s12+$0x9C00] =	vst v3  }
0x46: {  	vm15 =	veq.s32 v0, v30;
	vm13 =	veq.s32 v0, v51;
	v1 =	vsel vm11, $0x0, v33;
	[tilespmem:s12+$0xAC00] =	vst v4  }
0x47: {  	vm4 =	veq.s32 v0, v54;
	vm8 =	veq.s32 v0, v22;
	v2 =	vsel vm5, $0x0, v33;
	[tilespmem:s12+$0x8800] =	vst v1  }
0x48: {  	vm11 =	veq.s32 v0, v49;
	v5 =	vsel vm13, $0x0, v33;
	vm5 =	veq.s32 v0, v55;
	[tilespmem:s12+$0xA000] =	vst v2  }
0x49: {  	v4 =	vsel vm4, $0x0, v33;
	v39 =	vsel vm8, $0x0, v33;
	vm13 =	veq.s32 v0, v28;
	[tilespmem:s12+$0xC000] =	vst v5  }
0x4a: {  	v1 =	vsel vm14, $0x0, v33;
	v8 =	vsel vm11, $0x0, v33;
	vm14 =	veq.s32 v0, v52;
	[tilespmem:s12+$0xCC00] =	vst v4  }
0x4b: {  	v3 =	vsel vm5, $0x0, v33;
	v2 =	vsel vm6, $0x0, v33;
	vm11 =	veq.s32 v0, v25;
	[tilespmem:s12+$0x9400] =	vst v1  }
0x4c: {  	v32 =	vsel vm13, $0x0, v33;
	v1 =	vsel vm7, $0x0, v33;
	vm7 =	veq.s32 v0, v57;
	[tilespmem:s12+$0xB800] =	vst v8  }
0x4d: {  	v36 =	vsel vm11, $0x0, v33;
	[tilespmem:s12+$0xA800] =	vst v1;
	v1 =	vsel vm14, $0x0, v33;
	vm14 =	veq.s32 v0, v29  }
0x4e: {  	s14 =	simm.s32 $0x40;
	s15 =	simm.s32 $0x80;
	v40 =	vsel vm7, $0x0, v33;
	v0 =	vsel vm15, $0x0, v33;
	[tilespmem:s12+$0xC400] =	vst v1;
	v1 =	vsel vm14, $0x0, v33  }
.LBB2_2:
0x4f: {  	[tilespmem:s12+$0xD000] =	vst v3;
	vm1 =	veq.s32 v34, v19;
	v3 =	vimm.s32 $0x0  }
0x50: {  	[tilespmem:s12+$0xD400] =	vst v2;
	vm4 =	veq.s32 v34, v41;
	v2 =	vimm.s32 $0x0;
	v3 =	vsel vm1, $0xFFFFFFFF, v3  }
0x51: {  	vm11 =	veq.s32 v34, v31;
	v2 =	vsel vm4, $0xFFFFFFFF, v2;
	[tilespmem:$0x1FDC0] =	vst v3  }
0x52: {  	s16 =	sshra.s32 s14, $0x2;
	vm5 =	veq.s32 v34, v43;
	v3 =	vsel vm11, $0x0, v33;
	[tilespmem:$0x1FDD0] =	vst v2;
	v2 =	vimm.s32 $0x0  }
0x53: {  	[tilespmem:s16+$0xFC00] =	vst v3;
	v2 =	vsel vm5, $0xFFFFFFFF, v2  }
0x54: {  	[tilespmem:$0x1FDE0] =	vst v2  }
0x55: {  	[tilespmem:s12+$0xD800] =	vst v40  }
0x56: {  	[tilespmem:s12+$0xDC00] =	vst v39  }
0x57: {  	[tilespmem:s12+$0xE000] =	vst v38  }
0x58: {  	[tilespmem:s12+$0xE400] =	vst v37  }
0x59: {  	[tilespmem:s12+$0xF800] =	vst v0;
	v0 =	vld [tilespmem:$0x1FDC0]  }
0x5a: {  	[tilespmem:s12+$0xE800] =	vst v36  }
0x5b: {  	vm6 =	veq.s32 v34, v44;
	v2 =	vimm.s32 $0x0;
	[tilespmem:s12+$0xEC00] =	vst v35  }
0x5c: {  	[tilespmem:s12+$0xF000] =	vst v32;
	v2 =	vsel vm6, $0xFFFFFFFF, v2  }
0x5d: {  	vm12 =	veq.s32 v34, v18;
	vm7 =	veq.s32 v34, v47;
	[tilespmem:$0x1FDF0] =	vst v2;
	v2 =	vimm.s32 $0x0  }
0x5e: {  	v3 =	vsel vm12, $0x0, v33;
	[tilespmem:s12+$0xF400] =	vst v1;
	v2 =	vsel vm7, $0xFFFFFFFF, v2;
	vm12 =	vnez.u8 v0  }
0x5f: {  	s12 =	smov.u32 s16;
	[tilespmem:$0x1FE00] =	vst v2;
	v0 =	vsel vm12, $0x0, v33  }
0x60: {  	[tilespmem:s12+$0x8C00] =	vst v0;
	v0 =	vld [tilespmem:$0x1FE00];
	_ =	sdelay $0x1  }
0x61: {  	vm8 =	veq.s32 v34, v50;
	v2 =	vimm.s32 $0x0  }
0x62: {  	v2 =	vsel vm8, $0xFFFFFFFF, v2  }
0x63: {  	vm0 =	veq.s32 v34, v27;
	vm15 =	veq.s32 v34, v42;
	[tilespmem:$0x1FE10] =	vst v2  }
0x64: {  	v4 =	vimm.s32 $0x0;
	v5 =	vsel vm15, $0x0, v33;
	vm15 =	vnez.u8 v0;
	v0 =	vld [tilespmem:$0x1FE10]  }
0x65: {  	vm9 =	veq.s32 v34, v53;
	v4 =	vsel vm0, $0xFFFFFFFF, v4;
	v2 =	vimm.s32 $0x0  }
0x66: {  	vm10 =	veq.s32 v34, v17;
	[tilespmem:$0x1FDA0] =	vst v4;
	v4 =	vimm.s32 $0x0;
	v2 =	vsel vm9, $0xFFFFFFFF, v2  }
0x67: {  	v4 =	vsel vm10, $0xFFFFFFFF, v4;
	vm10 =	veq.s32 v34, v56;
	[tilespmem:$0x1FE20] =	vst v2;
	v2 =	vimm.s32 $0x0  }
0x68: {  	vm4 =	veq.s32 v34, v49;
	vm11 =	veq.s32 v34, v23;
	v2 =	vsel vm10, $0xFFFFFFFF, v2  }
0x69: {  	v12 =	vsel vm4, $0x0, v33;
	[tilespmem:$0x1FE30] =	vst v2;
	v2 =	vimm.s32 $0x0;
	vm4 =	vnez.u8 v0;
	v0 =	vld [tilespmem:$0x1FE20]  }
0x6a: {  	v2 =	vsel vm11, $0xFFFFFFFF, v2  }
0x6b: {  	vm0 =	veq.s32 v34, v25;
	[tilespmem:$0x1FE40] =	vst v2;
	v2 =	vimm.s32 $0x0  }
0x6c: {  	[tilespmem:s12+$0x8800] =	vst v3;
	v2 =	vsel vm0, $0xFFFFFFFF, v2  }
0x6d: {  	vm6 =	veq.s32 v34, v52;
	v3 =	vld [tilespmem:$0x1FDF0];
	vm0 =	veq.s32 v34, v26;
	[tilespmem:$0x1FE50] =	vst v2;
	v2 =	vimm.s32 $0x0  }
0x6e: {  	v15 =	vsel vm6, $0x0, v33;
	v2 =	vsel vm0, $0xFFFFFFFF, v2;
	vm6 =	vnez.u8 v0;
	v0 =	vld [tilespmem:$0x1FE30]  }
0x6f: {  	vm14 =	veq.s32 v34, v21;
	vm0 =	veq.s32 v34, v28;
	[tilespmem:$0x1FE60] =	vst v2;
	v2 =	vimm.s32 $0x0  }
0x70: {  	[tilespmem:$0x1FDB0] =	vst v4;
	v4 =	vsel vm14, $0x0, v33;
	v2 =	vsel vm0, $0xFFFFFFFF, v2  }
0x71: {  	vm8 =	veq.s32 v34, v55;
	vm0 =	veq.s32 v34, v29;
	[tilespmem:$0x1FE70] =	vst v2;
	v2 =	vimm.s32 $0x0  }
0x72: {  	vm14 =	vnez.u8 v3;
	v3 =	vsel vm8, $0x0, v33;
	v2 =	vsel vm0, $0xFFFFFFFF, v2  }
0x73: {  	vm0 =	veq.s32 v34, v30;
	[tilespmem:$0x1FE80] =	vst v2;
	v2 =	vimm.s32 $0x0;
	vm8 =	vnez.u8 v0;
	v0 =	vld [tilespmem:$0x1FE40]  }
0x74: {  	v1 =	vld [tilespmem:$0x1FDA0];
	v2 =	vsel vm0, $0xFFFFFFFF, v2  }
0x75: {  	[tilespmem:$0x1FE90] =	vst v2;
	v2 =	vld [tilespmem:$0x1FDB0];
	_ =	sdelay $0x1  }
0x76: {  	vm10 =	veq.s32 v34, v22  }
0x77: {  	v39 =	vsel vm10, $0x0, v33;
	vm10 =	vnez.u8 v0;
	v0 =	vld [tilespmem:$0x1FE50]  }
0x78: {  	vm0 =	vnez.u8 v1  }
0x79: {  	v1 =	vsel vm0, $0x0, v33;
	vm0 =	vnez.u8 v2  }
0x7a: {  	v2 =	vsel vm0, $0x0, v33  }
0x7b: {  	vm11 =	veq.s32 v34, v24;
	[tilespmem:s12+$0x8400] =	vst v2;
	v2 =	vld [tilespmem:$0x1FDD0]  }
0x7c: {  	v37 =	vsel vm11, $0x0, v33;
	vm11 =	vnez.u8 v0;
	v0 =	vld [tilespmem:$0x1FE60];
	_ =	sdelay $0x3  }
0x7d: {  	v6 =	vld [tilespmem:$0x1FDE0];
	vm12 =	vnez.u8 v2  }
0x7e: {  	vm1 =	veq.s32 v34, v45;
	[tilespmem:s12+$0x9400] =	vst v4;
	v2 =	vsel vm12, $0x0, v33;
	vm12 =	vnez.u8 v0;
	v0 =	vld [tilespmem:$0x1FE70]  }
0x7f: {  	vm2 =	veq.s32 v34, v46;
	v8 =	vsel vm1, $0x0, v33;
	[tilespmem:s12+$0x9C00] =	vst v5  }
0x80: {  	v9 =	vsel vm2, $0x0, v33;
	[tilespmem:s12+$0xA800] =	vst v8  }
0x81: {  	vm13 =	veq.s32 v34, v20;
	vm3 =	veq.s32 v34, v48;
	[tilespmem:s12+$0xAC00] =	vst v9  }
0x82: {  	v11 =	vsel vm3, $0x0, v33;
	[tilespmem:s12+$0x8000] =	vst v1;
	v1 =	vsel vm13, $0x0, v33;
	vm13 =	vnez.u8 v6  }
0x83: {  	vm5 =	veq.s32 v34, v51;
	[tilespmem:s12+$0xB400] =	vst v11;
	v6 =	vsel vm13, $0x0, v33;
	vm13 =	vnez.u8 v0;
	v0 =	vld [tilespmem:$0x1FE80]  }
0x84: {  	v14 =	vsel vm5, $0x0, v33;
	[tilespmem:s12+$0xB800] =	vst v12  }
0x85: {  	[tilespmem:s12+$0xC000] =	vst v14;
	vm7 =	veq.s32 v34, v54  }
0x86: {  	[tilespmem:s12+$0xC400] =	vst v15;
	v16 =	vsel vm7, $0x0, v33  }
0x87: {  	[tilespmem:s12+$0xCC00] =	vst v16;
	v7 =	vsel vm14, $0x0, v33  }
0x88: {  	[tilespmem:s12+$0xA400] =	vst v7;
	v10 =	vsel vm15, $0x0, v33;
	vm14 =	vnez.u8 v0;
	v0 =	vld [tilespmem:$0x1FE90]  }
0x89: {  	p0 =	sne.s32 s15, $0xFC0;
	[tilespmem:s12+$0xB000] =	vst v10;
	v13 =	vsel vm4, $0x0, v33  }
.Ltmp2:
0x8a: {  	s13 =	sadd.s32 $0x10, s13;
	vm9 =	veq.s32 v34, v57;
	[tilespmem:s12+$0xBC00] =	vst v13;
	(pc) =	sbr.rel @p0 .LBB2_2-.Ltmp2, $4  }
0x8b: {  	v40 =	vsel vm9, $0x0, v33;
	v34 =	vor.u32 s13, v58;
	[tilespmem:s12+$0x9000] =	vst v1  }
0x8c: {  	v4 =	vsel vm6, $0x0, v33;
	v38 =	vsel vm10, $0x0, v33;
	[tilespmem:s12+$0x9800] =	vst v2;
	v2 =	vsel vm8, $0x0, v33  }
0x8d: {  	[tilespmem:s12+$0xC800] =	vst v4;
	v36 =	vsel vm11, $0x0, v33;
	v35 =	vsel vm12, $0x0, v33;
	vm15 =	vnez.u8 v0  }
0x8e: {  	s14 =	smov.u32 s15;
	s15 =	sadd.s32 $0x40, s15;
	[tilespmem:s12+$0xA000] =	vst v6;
	v32 =	vsel vm13, $0x0, v33;
	v1 =	vsel vm14, $0x0, v33;
	v0 =	vsel vm15, $0x0, v33  }
0x8f: {  	vm0 =	veq.s32 v34, v31;
	[tilespmem:s12+$0xD000] =	vst v3  }
0x90: {  	s13 =	sshra.s32 s14, $0x2;
	[tilespmem:s12+$0xD400] =	vst v2;
	v13 =	vsel vm0, $0x0, v33  }
0x91: {  	[tilespmem:s13+$0xFC00] =	vst v13  }
0x92: {  	[tilespmem:s12+$0xD800] =	vst v40  }
0x93: {  	[tilespmem:s12+$0xDC00] =	vst v39  }
0x94: {  	[tilespmem:s12+$0xE000] =	vst v38  }
0x95: {  	[tilespmem:s12+$0xE400] =	vst v37  }
0x96: {  	[tilespmem:s12+$0xE800] =	vst v36  }
0x97: {  	[tilespmem:s12+$0xEC00] =	vst v35  }
0x98: {  	[tilespmem:s12+$0xF000] =	vst v32  }
0x99: {  	vm9 =	veq.s32 v34, v27;
	[tilespmem:s12+$0xF400] =	vst v1  }
0x9a: {  	vm10 =	veq.s32 v34, v17;
	v14 =	vsel vm9, $0x0, v33;
	[tilespmem:s12+$0xF800] =	vst v0  }
0x9b: {  	vm11 =	veq.s32 v34, v18;
	v15 =	vsel vm10, $0x0, v33;
	[tilespmem:s13+$0x8000] =	vst v14  }
0x9c: {  	vm12 =	veq.s32 v34, v19;
	v16 =	vsel vm11, $0x0, v33;
	[tilespmem:s13+$0x8400] =	vst v15  }
0x9d: {  	vm13 =	veq.s32 v34, v20;
	v17 =	vsel vm12, $0x0, v33;
	[tilespmem:s13+$0x8800] =	vst v16  }
0x9e: {  	vm14 =	veq.s32 v34, v21;
	v18 =	vsel vm13, $0x0, v33;
	[tilespmem:s13+$0x8C00] =	vst v17  }
0x9f: {  	vm15 =	veq.s32 v34, v41;
	v19 =	vsel vm14, $0x0, v33;
	[tilespmem:s13+$0x9000] =	vst v18  }
0xa0: {  	vm4 =	veq.s32 v34, v42;
	v32 =	vsel vm15, $0x0, v33;
	[tilespmem:s13+$0x9400] =	vst v19  }
0xa1: {  	vm5 =	veq.s32 v34, v43;
	v35 =	vsel vm4, $0x0, v33;
	[tilespmem:s13+$0x9800] =	vst v32  }
0xa2: {  	vm6 =	veq.s32 v34, v44;
	v36 =	vsel vm5, $0x0, v33;
	[tilespmem:s13+$0x9C00] =	vst v35  }
0xa3: {  	vm7 =	veq.s32 v34, v45;
	v37 =	vsel vm6, $0x0, v33;
	[tilespmem:s13+$0xA000] =	vst v36  }
0xa4: {  	vm8 =	veq.s32 v34, v46;
	v38 =	vsel vm7, $0x0, v33;
	[tilespmem:s13+$0xA400] =	vst v37  }
0xa5: {  	vm9 =	veq.s32 v34, v47;
	v39 =	vsel vm8, $0x0, v33;
	[tilespmem:s13+$0xA800] =	vst v38  }
0xa6: {  	vm10 =	veq.s32 v34, v48;
	v40 =	vsel vm9, $0x0, v33;
	[tilespmem:s13+$0xAC00] =	vst v39  }
0xa7: {  	vm11 =	veq.s32 v34, v49;
	v41 =	vsel vm10, $0x0, v33;
	[tilespmem:s13+$0xB000] =	vst v40  }
0xa8: {  	vm12 =	veq.s32 v34, v50;
	v42 =	vsel vm11, $0x0, v33;
	[tilespmem:s13+$0xB400] =	vst v41  }
0xa9: {  	vm13 =	veq.s32 v34, v51;
	v43 =	vsel vm12, $0x0, v33;
	[tilespmem:s13+$0xB800] =	vst v42  }
0xaa: {  	vm14 =	veq.s32 v34, v52;
	v44 =	vsel vm13, $0x0, v33;
	[tilespmem:s13+$0xBC00] =	vst v43  }
0xab: {  	v45 =	vsel vm14, $0x0, v33;
	vm10 =	veq.s32 v34, v24;
	[tilespmem:s13+$0xC000] =	vst v44  }
0xac: {  	vm11 =	veq.s32 v34, v25;
	vm15 =	veq.s32 v34, v53;
	v53 =	vsel vm10, $0x0, v33;
	[tilespmem:s13+$0xC400] =	vst v45  }
0xad: {  	vm12 =	veq.s32 v34, v26;
	v59 =	vsel vm11, $0x0, v33;
	[tilespmem:s13+$0xE400] =	vst v53  }
0xae: {  	vm13 =	veq.s32 v34, v28;
	v60 =	vsel vm12, $0x0, v33;
	[tilespmem:s13+$0xE800] =	vst v59  }
0xaf: {  	vm14 =	veq.s32 v34, v29;
	v61 =	vsel vm13, $0x0, v33;
	[tilespmem:s13+$0xEC00] =	vst v60  }
0xb0: {  	v62 =	vsel vm14, $0x0, v33;
	[tilespmem:s13+$0xF000] =	vst v61  }
0xb1: {  	vm4 =	veq.s32 v34, v54;
	v46 =	vsel vm15, $0x0, v33;
	[tilespmem:s13+$0xF400] =	vst v62  }
0xb2: {  	vm5 =	veq.s32 v34, v55;
	v47 =	vsel vm4, $0x0, v33;
	[tilespmem:s13+$0xC800] =	vst v46  }
0xb3: {  	vm6 =	veq.s32 v34, v56;
	v48 =	vsel vm5, $0x0, v33;
	[tilespmem:s13+$0xCC00] =	vst v47  }
0xb4: {  	vm7 =	veq.s32 v34, v57;
	v49 =	vsel vm6, $0x0, v33;
	[tilespmem:s13+$0xD000] =	vst v48  }
0xb5: {  	vm8 =	veq.s32 v34, v22;
	v50 =	vsel vm7, $0x0, v33;
	[tilespmem:s13+$0xD400] =	vst v49  }
.Ltmp3:
0xb6: {  	vm9 =	veq.s32 v34, v23;
	v51 =	vsel vm8, $0x0, v33;
	[tilespmem:s13+$0xD800] =	vst v50;
	(pc) =	sbr.rel .LBB2_4-.Ltmp3, $4  }
0xb7: {  	v52 =	vsel vm9, $0x0, v33;
	vm15 =	veq.s32 v34, v30;
	[tilespmem:s13+$0xDC00] =	vst v51  }
0xb8: {  	[tilespmem:s13+$0xE000] =	vst v52;
	v63 =	vsel vm15, $0x0, v33  }
0xb9: {  	v53 =	vimm.s32 $0x1;
	[tilespmem:s13+$0xF800] =	vst v63  }
0xba: {  	s12 =	simm.s32 $0x0;
	s13 =	simm.s32 $0x1;
	[tilespmem:$0x18000] =	vst v53  }
.LBB2_14:
0xbb: {  	v0 =	vxor.u32 $0x80000000, v53  }
0xbc: {  	(xrf0) =	vmax.scan.msk.u32 $0xffff, v0;
	_ =	sdelay $0x5  }
0xbd: {  	v0, _, _ =	vpop (xrf0)  }
0xbe: {  	(v2sf) =	vpush v0, $0xF;
	_ =	sdelay $0x9  }
0xbf: {  	s12 =	sadd.s32 $0x1, s12  }
0xc0: {  	p0 =	sne.s32 s12, $0x10  }
.Ltmp4:
0xc1: {  	_ = 	snop;
	(pc) =	sbr.rel @!p0 .LBB2_15-.Ltmp4, $3  }
0xc2: {  	_ =	sdelay $0x1  }
0xc3: {  	s13 =	spop (v2sf)  }
0xc4: {  	s13 =	sxor.u32 $0x80000000, s13  }
.LBB2_4:
0xc5: {  	p0 =	slt.s32 s13, $0x1  }
.Ltmp5:
0xc6: {  	_ = 	snop;
	(pc) =	sbr.rel @p0 .LBB2_14-.Ltmp5, $1  }
0xc7: {  	_ =	sdelay $0x3  }
0xc8: {  	s13 =	simm.s32 $0x10000;
	s14 =	simm.s32 $0x8000;
	s15 =	simm.s32 $0x0  }
.LBB2_6:
0xc9: {  	s16 =	sshll.u32 s15, $0x4  }
0xca: {  	v0 =	vld [tilespmem:s16+$0x4000]  }
0xcb: {  	v1 =	vld [tilespmem:s16+$0x4400]  }
0xcc: {  	v2 =	vld [tilespmem:s16+$0x4800]  }
0xcd: {  	v3 =	vld [tilespmem:s16+$0x4C00]  }
0xce: {  	v4 =	vld [tilespmem:s16+$0x5000]  }
0xcf: {  	v5 =	vld [tilespmem:s16+$0x5400]  }
0xd0: {  	v6 =	vld [tilespmem:s16+$0x5800]  }
0xd1: {  	v7 =	vld [tilespmem:s16+$0x5C00]  }
0xd2: {  	v8 =	vld [tilespmem:s16+$0x6000]  }
0xd3: {  	v9 =	vld [tilespmem:s16+$0x6400]  }
0xd4: {  	v10 =	vld [tilespmem:s16+$0x6800]  }
0xd5: {  	v11 =	vld [tilespmem:s16+$0x6C00]  }
0xd6: {  	v12 =	vld [tilespmem:s16+$0x7000]  }
0xd7: {  	v13 =	vld [tilespmem:s16+$0x7400]  }
0xd8: {  	v14 =	vld [tilespmem:s16+$0x7800]  }
0xd9: {  	v15 =	vld [tilespmem:s16+$0x7C00]  }
0xda: {  	s17 =	sor.u32 $0x400, s16;
	v34 =	vld [tilespmem:s16+$0x0]  }
0xdb: {  	s18 =	sor.u32 $0x800, s16;
	v35 =	vld [tilespmem:s17+$0x0]  }
0xdc: {  	s31 =	sor.u32 $0xC00, s16;
	v36 =	vld [tilespmem:s18+$0x0]  }
0xdd: {  	s19 =	sor.u32 $0x1000, s16;
	v37 =	vld [tilespmem:s31+$0x0]  }
0xde: {  	s20 =	sor.u32 $0x1400, s16;
	v38 =	vld [tilespmem:s19+$0x0]  }
0xdf: {  	s21 =	sor.u32 $0x1800, s16;
	v39 =	vld [tilespmem:s20+$0x0]  }
0xe0: {  	s22 =	sor.u32 $0x1C00, s16;
	v40 =	vld [tilespmem:s21+$0x0]  }
0xe1: {  	s23 =	sor.u32 $0x2000, s16;
	v41 =	vld [tilespmem:s22+$0x0]  }
0xe2: {  	s24 =	sor.u32 $0x2400, s16;
	v42 =	vld [tilespmem:s23+$0x0]  }
0xe3: {  	s25 =	sor.u32 $0x2800, s16;
	v43 =	vld [tilespmem:s24+$0x0]  }
0xe4: {  	s26 =	sor.u32 $0x2C00, s16;
	v44 =	vld [tilespmem:s25+$0x0]  }
0xe5: {  	s28 =	sor.u32 $0x3000, s16;
	v45 =	vld [tilespmem:s26+$0x0]  }
0xe6: {  	s29 =	sor.u32 $0x3400, s16;
	v46 =	vld [tilespmem:s28+$0x0]  }
0xe7: {  	s30 =	sor.u32 $0x3800, s16;
	v47 =	vld [tilespmem:s29+$0x0]  }
0xe8: {  	s16 =	sor.u32 $0x3C00, s16;
	v48 =	vld [tilespmem:s30+$0x0]  }
0xe9: {  	v49 =	vld [tilespmem:s16+$0x0]  }
0xea: {  	v16 =	vld.idx.msk [tilespmem:v0+s9+$0x0], $0xffff  }
0xeb: {  	v17 =	vld.idx.msk [tilespmem:v1+s9+$0x0], $0xffff  }
0xec: {  	v32 =	vld.idx.msk [tilespmem:v2+s9+$0x0], $0xffff  }
0xed: {  	v51 =	vld.idx.msk [tilespmem:v3+s9+$0x0], $0xffff  }
0xee: {  	v52 =	vld.idx.msk [tilespmem:v4+s9+$0x0], $0xffff  }
0xef: {  	v53 =	vld.idx.msk [tilespmem:v5+s9+$0x0], $0xffff  }
0xf0: {  	v54 =	vld.idx.msk [tilespmem:v6+s9+$0x0], $0xffff  }
0xf1: {  	v55 =	vld.idx.msk [tilespmem:v7+s9+$0x0], $0xffff  }
0xf2: {  	v56 =	vld.idx.msk [tilespmem:v8+s9+$0x0], $0xffff  }
0xf3: {  	v57 =	vld.idx.msk [tilespmem:v9+s9+$0x0], $0xffff  }
0xf4: {  	v58 =	vld.idx.msk [tilespmem:v10+s9+$0x0], $0xffff  }
0xf5: {  	v59 =	vld.idx.msk [tilespmem:v11+s9+$0x0], $0xffff  }
0xf6: {  	v61 =	vld.idx.msk [tilespmem:v13+s9+$0x0], $0xffff;
	v16 =	vadd.f32 v16, v34;
	v17 =	vadd.f32 v17, v35  }
0xf7: {  	v50 =	vadd.s32 $0x400, v0;
	v0 =	vld.idx.msk [tilespmem:v14+s9+$0x0], $0xffff;
	v32 =	vadd.f32 v32, v36;
	v62 =	vadd.f32 v51, v37  }
0xf8: {  	v60 =	vld.idx.msk [tilespmem:v12+s9+$0x0], $0xffff;
	v51 =	vadd.s32 $0x400, v1;
	v63 =	vadd.f32 v52, v38;
	v53 =	vadd.f32 v53, v39  }
0xf9: {  	v1 =	vld.idx.msk [tilespmem:v15+s9+$0x0], $0xffff;
	v52 =	vadd.s32 $0x400, v2;
	v2 =	vadd.f32 v54, v40;
	v54 =	vadd.f32 v55, v41  }
0xfa: {  	v55 =	vadd.f32 v56, v42;
	v56 =	vadd.f32 v57, v43  }
0xfb: {  	s31 =	simm.s32 $0x0;
	v57 =	vadd.f32 v58, v44;
	v58 =	vadd.f32 v59, v45  }
0xfc: {  	v18 =	vadd.s32 s31, v50;
	v59 =	vadd.f32 v61, v47;
	v0 =	vadd.f32 v0, v48  }
0xfd: {  	v16 =	vmin.f32 v16, v17;
	v17 =	vadd.f32 v60, v46;
	v32 =	vmin.f32 v32, v62  }
0xfe: {  	v60 =	vmin.f32 v63, v53;
	v2 =	vmin.f32 v2, v54;
	v1 =	vadd.f32 v1, v49  }
0xff: {  	v61 =	vmin.f32 v55, v56;
	v62 =	vld [tilespmem:s14+$0x0];
	v63 =	vmin.f32 v57, v58;
	v16 =	vmin.f32 v16, v32  }
0x100: {  	v17 =	vmin.f32 v17, v59;
	v0 =	vmin.f32 v0, v1;
	v1 =	vmin.f32 v60, v2  }
0x101: {  	v2 =	vmin.f32 v61, v63;
	v61 =	vadd.s32 $0x400, v11;
	v0 =	vmin.f32 v17, v0  }
0x102: {  	v17 =	vadd.s32 s31, v51;
	v1 =	vmin.f32 v16, v1;
	v0 =	vmin.f32 v2, v0  }
0x103: {  	v59 =	vadd.s32 $0x400, v9;
	v9 =	vadd.s32 s31, v61;
	v0 =	vmin.f32 v1, v0  }
0x104: {  	v53 =	vadd.s32 $0x400, v3;
	v2 =	vadd.s32 s31, v52;
	v0 =	vmin.f32 v62, v0  }
0x105: {  	v54 =	vadd.s32 $0x400, v4;
	v1 =	vadd.s32 s31, v53;
	[tilespmem:s13+$0x0] =	vst v0  }
0x106: {  	v56 =	vadd.s32 $0x400, v6;
	v3 =	vadd.s32 s31, v54;
	v16 =	vld.idx.msk [tilespmem:v18+s9+$0x0], $0xffff  }
0x107: {  	v55 =	vadd.s32 $0x400, v5;
	v57 =	vadd.s32 $0x400, v7;
	v4 =	vadd.s32 s31, v56;
	v17 =	vld.idx.msk [tilespmem:v17+s9+$0x0], $0xffff  }
0x108: {  	v58 =	vadd.s32 $0x400, v8;
	v5 =	vadd.s32 s31, v57;
	v60 =	vadd.s32 $0x400, v10;
	v10 =	vld.idx.msk [tilespmem:v9+s9+$0x0], $0xffff  }
0x109: {  	v6 =	vadd.s32 s31, v58;
	v18 =	vld.idx.msk [tilespmem:v2+s9+$0x0], $0xffff  }
0x10a: {  	v0 =	vadd.s32 s31, v55;
	v19 =	vld.idx.msk [tilespmem:v1+s9+$0x0], $0xffff  }
0x10b: {  	v7 =	vadd.s32 s31, v59;
	v1 =	vld.idx.msk [tilespmem:v3+s9+$0x0], $0xffff  }
0x10c: {  	v32 =	vadd.s32 $0x400, v13;
	v8 =	vadd.s32 s31, v60;
	v3 =	vld.idx.msk [tilespmem:v4+s9+$0x0], $0xffff  }
0x10d: {  	v62 =	vadd.s32 $0x400, v12;
	v12 =	vadd.s32 s31, v32;
	v4 =	vld.idx.msk [tilespmem:v5+s9+$0x0], $0xffff  }
0x10e: {  	v63 =	vadd.s32 $0x400, v14;
	v11 =	vadd.s32 s31, v62;
	v5 =	vld.idx.msk [tilespmem:v6+s9+$0x0], $0xffff  }
0x10f: {  	v13 =	vadd.s32 s31, v63;
	v2 =	vld.idx.msk [tilespmem:v0+s9+$0x0], $0xffff;
	v0 =	vadd.s32 $0x400, v15  }
0x110: {  	v6 =	vld.idx.msk [tilespmem:v7+s9+$0x0], $0xffff;
	v20 =	vadd.s32 s31, v0  }
0x111: {  	v7 =	vld.idx.msk [tilespmem:v8+s9+$0x0], $0xffff  }
0x112: {  	v9 =	vld.idx.msk [tilespmem:v12+s9+$0x0], $0xffff  }
0x113: {  	v8 =	vld.idx.msk [tilespmem:v11+s9+$0x0], $0xffff  }
0x114: {  	s18 =	simm.s32 $0x400;
	v11 =	vld.idx.msk [tilespmem:v13+s9+$0x0], $0xffff;
	v12 =	vadd.f32 v16, v34;
	v15 =	vadd.f32 v17, v35  }
0x115: {  	s19 =	simm.s32 $0x800;
	s17 =	smov.u32 s14;
	s16 =	smov.u32 s13;
	v14 =	vadd.f32 v18, v36;
	v16 =	vadd.f32 v19, v37;
	v13 =	vld.idx.msk [tilespmem:v20+s9+$0x0], $0xffff  }
.LBB2_7:
0x116: {  	p0 =	sne.s32 s19, $0x7C00;
	v1 =	vadd.f32 v1, v38;
	v2 =	vadd.f32 v2, v39  }
0x117: {  	v3 =	vadd.f32 v3, v40;
	v4 =	vadd.f32 v4, v41  }
0x118: {  	v17 =	vadd.s32 s18, v50;
	v5 =	vadd.f32 v5, v42;
	v6 =	vadd.f32 v6, v43  }
0x119: {  	v7 =	vadd.f32 v7, v44;
	v10 =	vadd.f32 v10, v45;
	v12 =	vmin.f32 v12, v15  }
0x11a: {  	v8 =	vadd.f32 v8, v46;
	v14 =	vmin.f32 v14, v16;
	v9 =	vadd.f32 v9, v47  }
0x11b: {  	s17 =	sadd.s32 $0x400, s17;
	v12 =	vmin.f32 v12, v14;
	v11 =	vadd.f32 v11, v48;
	v13 =	vadd.f32 v13, v49  }
0x11c: {  	v1 =	vmin.f32 v1, v2;
	v2 =	vmin.f32 v3, v4;
	v3 =	vmin.f32 v5, v6;
	v4 =	vld [tilespmem:s17+$0x0]  }
0x11d: {  	v5 =	vmin.f32 v7, v10;
	v6 =	vmin.f32 v8, v9;
	v7 =	vmin.f32 v11, v13  }
0x11e: {  	v1 =	vmin.f32 v1, v2;
	v2 =	vmin.f32 v3, v5;
	v3 =	vmin.f32 v6, v7  }
0x11f: {  	v5 =	vadd.s32 s18, v51;
	v1 =	vmin.f32 v12, v1;
	v2 =	vmin.f32 v2, v3  }
0x120: {  	v3 =	vadd.s32 s18, v52;
	v1 =	vmin.f32 v1, v2  }
0x121: {  	s16 =	sadd.s32 $0x400, s16;
	v2 =	vadd.s32 s18, v53;
	v1 =	vmin.f32 v4, v1  }
0x122: {  	v4 =	vadd.s32 s18, v54;
	[tilespmem:s16+$0x0] =	vst v1  }
0x123: {  	v6 =	vadd.s32 s18, v55;
	v11 =	vld.idx.msk [tilespmem:v17+s9+$0x0], $0xffff  }
0x124: {  	v13 =	vld.idx.msk [tilespmem:v5+s9+$0x0], $0xffff;
	v5 =	vadd.s32 s18, v56  }
0x125: {  	v7 =	vadd.s32 s18, v57;
	v14 =	vld.idx.msk [tilespmem:v3+s9+$0x0], $0xffff  }
0x126: {  	v8 =	vadd.s32 s18, v58;
	v16 =	vld.idx.msk [tilespmem:v2+s9+$0x0], $0xffff  }
0x127: {  	v9 =	vadd.s32 s18, v59;
	v1 =	vld.idx.msk [tilespmem:v4+s9+$0x0], $0xffff  }
0x128: {  	v10 =	vadd.s32 s18, v60;
	v2 =	vld.idx.msk [tilespmem:v6+s9+$0x0], $0xffff  }
0x129: {  	v12 =	vadd.s32 s18, v61;
	v3 =	vld.idx.msk [tilespmem:v5+s9+$0x0], $0xffff  }
0x12a: {  	v15 =	vadd.s32 s18, v62;
	v4 =	vld.idx.msk [tilespmem:v7+s9+$0x0], $0xffff  }
0x12b: {  	v17 =	vadd.s32 s18, v32;
	v5 =	vld.idx.msk [tilespmem:v8+s9+$0x0], $0xffff  }
0x12c: {  	v18 =	vadd.s32 s18, v63;
	v6 =	vld.idx.msk [tilespmem:v9+s9+$0x0], $0xffff  }
0x12d: {  	v19 =	vadd.s32 s18, v0;
	s18 =	smov.u32 s19;
	v7 =	vld.idx.msk [tilespmem:v10+s9+$0x0], $0xffff  }
.Ltmp6:
0x12e: {  	v10 =	vld.idx.msk [tilespmem:v12+s9+$0x0], $0xffff;
	(pc) =	sbr.rel @p0 .LBB2_7-.Ltmp6, $4  }
0x12f: {  	v8 =	vld.idx.msk [tilespmem:v15+s9+$0x0], $0xffff  }
0x130: {  	v9 =	vld.idx.msk [tilespmem:v17+s9+$0x0], $0xffff  }
0x131: {  	v12 =	vadd.f32 v11, v34;
	v15 =	vadd.f32 v13, v35;
	v11 =	vld.idx.msk [tilespmem:v18+s9+$0x0], $0xffff  }
0x132: {  	s19 =	sadd.s32 $0x400, s19;
	v14 =	vadd.f32 v14, v36;
	v16 =	vadd.f32 v16, v37;
	v13 =	vld.idx.msk [tilespmem:v19+s9+$0x0], $0xffff  }
0x133: {  	v0 =	vadd.f32 v1, v38;
	v39 =	vadd.f32 v2, v39  }
0x134: {  	v40 =	vadd.f32 v3, v40;
	v41 =	vadd.f32 v4, v41  }
0x135: {  	v50 =	vadd.f32 v5, v42;
	v51 =	vadd.f32 v6, v43  }
0x136: {  	v52 =	vadd.f32 v7, v44;
	v53 =	vadd.f32 v10, v45;
	v54 =	vmin.f32 v12, v15  }
0x137: {  	v8 =	vadd.f32 v8, v46;
	v55 =	vmin.f32 v14, v16;
	v9 =	vadd.f32 v9, v47  }
0x138: {  	s17 =	sadd.s32 $0x400, s17;
	v10 =	vmin.f32 v54, v55;
	v11 =	vadd.f32 v11, v48;
	v13 =	vadd.f32 v13, v49  }
0x139: {  	s15 =	sadd.s32 $0x1, s15;
	v58 =	vld [tilespmem:s17+$0x0];
	v0 =	vmin.f32 v0, v39;
	v56 =	vmin.f32 v40, v41;
	v57 =	vmin.f32 v50, v51  }
0x13a: {  	p0 =	sne.s32 s15, $0x40;
	v59 =	vmin.f32 v52, v53;
	v60 =	vmin.f32 v8, v9;
	v61 =	vmin.f32 v11, v13  }
.Ltmp7:
0x13b: {  	v0 =	vmin.f32 v0, v56;
	v62 =	vmin.f32 v57, v59;
	v63 =	vmin.f32 v60, v61;
	(pc) =	sbr.rel @p0 .LBB2_6-.Ltmp7, $4  }
0x13c: {  	v0 =	vmin.f32 v10, v0;
	v1 =	vmin.f32 v62, v63  }
0x13d: {  	v0 =	vmin.f32 v0, v1  }
0x13e: {  	s16 =	sadd.s32 $0x400, s16;
	v0 =	vmin.f32 v58, v0  }
0x13f: {  	s13 =	sadd.s32 $0x10, s13;
	s14 =	sadd.s32 $0x10, s14;
	[tilespmem:s16+$0x0] =	vst v0  }
0x140: {  	s13 =	simm.s32 $0x0  }
0x141: {  	v53 =	vimm.s32 $0x0;
	s14 =	simm.s32 $0x8000;
	s15 =	simm.s32 $0x10000;
	s16 =	simm.s32 $0x0  }
.LBB2_10:
0x142: {  	s17 =	sshll.u32 s16, $0x4  }
0x143: {  	v0 =	vld [tilespmem:s17+$0x4000]  }
0x144: {  	v1 =	vld [tilespmem:s17+$0x4400]  }
0x145: {  	v2 =	vld [tilespmem:s17+$0x4800]  }
0x146: {  	v3 =	vld [tilespmem:s17+$0x4C00]  }
0x147: {  	v4 =	vld [tilespmem:s17+$0x5000]  }
0x148: {  	v5 =	vld [tilespmem:s17+$0x5400]  }
0x149: {  	v6 =	vld [tilespmem:s17+$0x5800]  }
0x14a: {  	v7 =	vld [tilespmem:s17+$0x5C00]  }
0x14b: {  	v8 =	vld [tilespmem:s17+$0x6000]  }
0x14c: {  	v9 =	vld [tilespmem:s17+$0x6400]  }
0x14d: {  	v10 =	vld [tilespmem:s17+$0x6800]  }
0x14e: {  	v11 =	vld [tilespmem:s17+$0x6C00]  }
0x14f: {  	v12 =	vld [tilespmem:s17+$0x7000]  }
0x150: {  	v13 =	vld [tilespmem:s17+$0x7400]  }
0x151: {  	v14 =	vld [tilespmem:s17+$0x7800]  }
0x152: {  	v15 =	vld [tilespmem:s17+$0x7C00]  }
0x153: {  	s18 =	sor.u32 $0x400, s17;
	v34 =	vld [tilespmem:s17+$0x0]  }
0x154: {  	s19 =	sor.u32 $0x800, s17;
	v35 =	vld [tilespmem:s18+$0x0]  }
0x155: {  	s31 =	sor.u32 $0xC00, s17;
	v36 =	vld [tilespmem:s19+$0x0]  }
0x156: {  	s20 =	sor.u32 $0x1000, s17;
	v37 =	vld [tilespmem:s31+$0x0]  }
0x157: {  	s21 =	sor.u32 $0x1400, s17;
	v38 =	vld [tilespmem:s20+$0x0]  }
0x158: {  	s22 =	sor.u32 $0x1800, s17;
	v39 =	vld [tilespmem:s21+$0x0]  }
0x159: {  	s23 =	sor.u32 $0x1C00, s17;
	v40 =	vld [tilespmem:s22+$0x0]  }
0x15a: {  	s24 =	sor.u32 $0x2000, s17;
	v41 =	vld [tilespmem:s23+$0x0]  }
0x15b: {  	s25 =	sor.u32 $0x2400, s17;
	v42 =	vld [tilespmem:s24+$0x0]  }
0x15c: {  	s26 =	sor.u32 $0x2800, s17;
	v43 =	vld [tilespmem:s25+$0x0]  }
0x15d: {  	s28 =	sor.u32 $0x2C00, s17;
	v44 =	vld [tilespmem:s26+$0x0]  }
0x15e: {  	s29 =	sor.u32 $0x3000, s17;
	v45 =	vld [tilespmem:s28+$0x0]  }
0x15f: {  	s30 =	sor.u32 $0x3400, s17;
	v46 =	vld [tilespmem:s29+$0x0]  }
0x160: {  	s31 =	sor.u32 $0x3800, s17;
	v47 =	vld [tilespmem:s30+$0x0]  }
0x161: {  	s17 =	sor.u32 $0x3C00, s17;
	v48 =	vld [tilespmem:s31+$0x0]  }
0x162: {  	v49 =	vld [tilespmem:s17+$0x0]  }
0x163: {  	v16 =	vld.idx.msk [tilespmem:v0+s10+$0x0], $0xffff  }
0x164: {  	v17 =	vld.idx.msk [tilespmem:v1+s10+$0x0], $0xffff  }
0x165: {  	v18 =	vld.idx.msk [tilespmem:v2+s10+$0x0], $0xffff  }
0x166: {  	v19 =	vld.idx.msk [tilespmem:v3+s10+$0x0], $0xffff  }
0x167: {  	v20 =	vld.idx.msk [tilespmem:v4+s10+$0x0], $0xffff  }
0x168: {  	v32 =	vld.idx.msk [tilespmem:v5+s10+$0x0], $0xffff  }
0x169: {  	v54 =	vld.idx.msk [tilespmem:v6+s10+$0x0], $0xffff  }
0x16a: {  	v55 =	vld.idx.msk [tilespmem:v7+s10+$0x0], $0xffff  }
0x16b: {  	v56 =	vld.idx.msk [tilespmem:v8+s10+$0x0], $0xffff  }
0x16c: {  	v57 =	vld.idx.msk [tilespmem:v9+s10+$0x0], $0xffff  }
0x16d: {  	v58 =	vld.idx.msk [tilespmem:v10+s10+$0x0], $0xffff  }
0x16e: {  	v59 =	vld.idx.msk [tilespmem:v11+s10+$0x0], $0xffff  }
0x16f: {  	v60 =	vld.idx.msk [tilespmem:v12+s10+$0x0], $0xffff  }
0x170: {  	v61 =	vld.idx.msk [tilespmem:v13+s10+$0x0], $0xffff;
	v16 =	vadd.f32 v16, v34;
	v17 =	vadd.f32 v17, v35  }
0x171: {  	v50 =	vadd.s32 $0x400, v0;
	v0 =	vld.idx.msk [tilespmem:v14+s10+$0x0], $0xffff;
	v18 =	vadd.f32 v18, v36;
	v19 =	vadd.f32 v19, v37  }
0x172: {  	v51 =	vadd.s32 $0x400, v1;
	v1 =	vld.idx.msk [tilespmem:v15+s10+$0x0], $0xffff;
	v20 =	vadd.f32 v20, v38;
	v32 =	vadd.f32 v32, v39  }
0x173: {  	v52 =	vadd.s32 $0x400, v2;
	v2 =	vadd.f32 v54, v40;
	v54 =	vadd.f32 v55, v41  }
0x174: {  	v55 =	vadd.f32 v56, v42;
	v56 =	vadd.f32 v57, v43  }
0x175: {  	v57 =	vadd.f32 v58, v44;
	v63 =	vadd.f32 v59, v45  }
0x176: {  	v61 =	vadd.f32 v61, v47;
	v0 =	vadd.f32 v0, v48  }
0x177: {  	v1 =	vadd.f32 v1, v49;
	v16 =	vmin.f32 v16, v17;
	v17 =	vadd.f32 v60, v46  }
0x178: {  	v18 =	vmin.f32 v18, v19;
	v2 =	vmin.f32 v2, v54;
	v19 =	vmin.f32 v55, v56  }
0x179: {  	v63 =	vmin.f32 v57, v63;
	v16 =	vmin.f32 v16, v18;
	v18 =	vmin.f32 v20, v32;
	v20 =	vld [tilespmem:s15+$0x0]  }
0x17a: {  	v0 =	vmin.f32 v0, v1;
	v17 =	vmin.f32 v17, v61;
	v1 =	vmin.f32 v18, v2  }
0x17b: {  	v2 =	vmin.f32 v19, v63;
	v0 =	vmin.f32 v17, v0;
	v17 =	vadd.s32 s13, v51  }
0x17c: {  	v1 =	vmin.f32 v16, v1;
	v16 =	vadd.s32 s13, v52;
	v0 =	vmin.f32 v2, v0  }
0x17d: {  	v0 =	vmin.f32 v1, v0  }
0x17e: {  	v62 =	vadd.s32 s13, v50;
	v54 =	vadd.s32 $0x400, v3;
	v0 =	vmin.f32 v20, v0  }
0x17f: {  	v57 =	vadd.s32 $0x400, v6;
	v1 =	vadd.s32 s13, v54;
	[tilespmem:s14+$0x0] =	vst v0  }
0x180: {  	v58 =	vadd.s32 $0x400, v7;
	v3 =	vld.idx.msk [tilespmem:v17+s10+$0x0], $0xffff;
	v17 =	vadd.s32 s13, v57  }
0x181: {  	v55 =	vadd.s32 $0x400, v4;
	v4 =	vld.idx.msk [tilespmem:v16+s10+$0x0], $0xffff;
	v16 =	vadd.s32 s13, v58  }
0x182: {  	v56 =	vadd.s32 $0x400, v5;
	v18 =	vadd.s32 s13, v55  }
0x183: {  	v59 =	vadd.s32 $0x400, v8;
	v19 =	vadd.s32 s13, v56;
	v2 =	vld.idx.msk [tilespmem:v62+s10+$0x0], $0xffff  }
0x184: {  	v62 =	vadd.s32 $0x400, v11;
	v5 =	vld.idx.msk [tilespmem:v1+s10+$0x0], $0xffff;
	v1 =	vadd.s32 s13, v59  }
0x185: {  	v63 =	vadd.s32 $0x400, v12;
	v8 =	vld.idx.msk [tilespmem:v17+s10+$0x0], $0xffff;
	v17 =	vadd.s32 s13, v62  }
0x186: {  	v60 =	vadd.s32 $0x400, v9;
	v9 =	vld.idx.msk [tilespmem:v16+s10+$0x0], $0xffff;
	v16 =	vadd.s32 s13, v63  }
0x187: {  	v32 =	vadd.s32 $0x400, v13;
	v61 =	vadd.s32 $0x400, v10;
	v6 =	vld.idx.msk [tilespmem:v18+s10+$0x0], $0xffff;
	v18 =	vadd.s32 s13, v60  }
0x188: {  	v21 =	vadd.s32 s13, v32;
	v7 =	vld.idx.msk [tilespmem:v19+s10+$0x0], $0xffff;
	v19 =	vadd.s32 s13, v61  }
0x189: {  	vm0 =	vlt.f32 v0, v20;
	vm1 =	vgt.f32 v0, v20;
	v0 =	vadd.s32 $0x400, v14;
	v10 =	vld.idx.msk [tilespmem:v1+s10+$0x0], $0xffff  }
0x18a: {  	v1 =	vadd.s32 $0x400, v15;
	v13 =	vld.idx.msk [tilespmem:v17+s10+$0x0], $0xffff;
	v17 =	vadd.s32 s13, v0  }
0x18b: {  	v14 =	vld.idx.msk [tilespmem:v16+s10+$0x0], $0xffff;
	v16 =	vadd.s32 s13, v1  }
0x18c: {  	v11 =	vld.idx.msk [tilespmem:v18+s10+$0x0], $0xffff  }
0x18d: {  	s19 =	simm.s32 $0x400;
	vm0 =	vmor vm1, vm0;
	v12 =	vld.idx.msk [tilespmem:v19+s10+$0x0], $0xffff  }
0x18e: {  	s20 =	simm.s32 $0x800;
	s18 =	smov.u32 s15;
	s17 =	smov.u32 s14;
	v53 =	vsel vm0, $0x1, v53;
	v15 =	vld.idx.msk [tilespmem:v21+s10+$0x0], $0xffff  }
.LBB2_11:
0x18f: {  	p0 =	sne.s32 s20, $0x7C00;
	v2 =	vadd.f32 v2, v34;
	v3 =	vadd.f32 v3, v35;
	v17 =	vld.idx.msk [tilespmem:v17+s10+$0x0], $0xffff  }
0x190: {  	v4 =	vadd.f32 v4, v36;
	v5 =	vadd.f32 v5, v37;
	v16 =	vld.idx.msk [tilespmem:v16+s10+$0x0], $0xffff  }
0x191: {  	v6 =	vadd.f32 v6, v38;
	v7 =	vadd.f32 v7, v39  }
0x192: {  	v8 =	vadd.f32 v8, v40;
	v9 =	vadd.f32 v9, v41  }
0x193: {  	v18 =	vadd.s32 s19, v50;
	v10 =	vadd.f32 v10, v42;
	v11 =	vadd.f32 v11, v43  }
0x194: {  	v12 =	vadd.f32 v12, v44;
	v13 =	vadd.f32 v13, v45;
	v2 =	vmin.f32 v2, v3  }
0x195: {  	v4 =	vmin.f32 v4, v5;
	v3 =	vadd.f32 v14, v46;
	v14 =	vadd.f32 v15, v47  }
0x196: {  	s18 =	sadd.s32 $0x400, s18;
	v2 =	vmin.f32 v2, v4;
	v5 =	vadd.f32 v17, v48;
	v15 =	vadd.f32 v16, v49  }
0x197: {  	v4 =	vmin.f32 v6, v7;
	v6 =	vmin.f32 v8, v9;
	v7 =	vmin.f32 v10, v11;
	v8 =	vld [tilespmem:s18+$0x0]  }
0x198: {  	v9 =	vmin.f32 v12, v13;
	v3 =	vmin.f32 v3, v14;
	v5 =	vmin.f32 v5, v15  }
0x199: {  	v4 =	vmin.f32 v4, v6;
	v6 =	vmin.f32 v7, v9;
	v3 =	vmin.f32 v3, v5  }
0x19a: {  	v2 =	vmin.f32 v2, v4;
	v5 =	vadd.s32 s19, v51;
	v3 =	vmin.f32 v6, v3  }
0x19b: {  	v4 =	vadd.s32 s19, v52;
	v2 =	vmin.f32 v2, v3  }
0x19c: {  	s17 =	sadd.s32 $0x400, s17;
	v6 =	vadd.s32 s19, v54;
	v2 =	vmin.f32 v8, v2  }
0x19d: {  	v7 =	vadd.s32 s19, v55;
	[tilespmem:s17+$0x0] =	vst v2;
	vm0 =	vlt.f32 v2, v8;
	vm1 =	vgt.f32 v2, v8  }
0x19e: {  	v8 =	vadd.s32 s19, v56;
	v2 =	vld.idx.msk [tilespmem:v18+s10+$0x0], $0xffff;
	vm0 =	vmor vm1, vm0  }
0x19f: {  	v9 =	vadd.s32 s19, v57;
	v3 =	vld.idx.msk [tilespmem:v5+s10+$0x0], $0xffff;
	v53 =	vsel vm0, $0x1, v53  }
0x1a0: {  	v10 =	vadd.s32 s19, v58;
	v4 =	vld.idx.msk [tilespmem:v4+s10+$0x0], $0xffff  }
0x1a1: {  	v11 =	vadd.s32 s19, v59;
	v5 =	vld.idx.msk [tilespmem:v6+s10+$0x0], $0xffff  }
0x1a2: {  	v12 =	vadd.s32 s19, v60;
	v6 =	vld.idx.msk [tilespmem:v7+s10+$0x0], $0xffff  }
0x1a3: {  	v13 =	vadd.s32 s19, v61;
	v7 =	vld.idx.msk [tilespmem:v8+s10+$0x0], $0xffff  }
0x1a4: {  	v14 =	vadd.s32 s19, v62;
	v8 =	vld.idx.msk [tilespmem:v9+s10+$0x0], $0xffff  }
0x1a5: {  	v15 =	vadd.s32 s19, v63;
	v9 =	vld.idx.msk [tilespmem:v10+s10+$0x0], $0xffff  }
0x1a6: {  	v18 =	vadd.s32 s19, v32;
	v10 =	vld.idx.msk [tilespmem:v11+s10+$0x0], $0xffff  }
.Ltmp8:
0x1a7: {  	v17 =	vadd.s32 s19, v0;
	v11 =	vld.idx.msk [tilespmem:v12+s10+$0x0], $0xffff;
	(pc) =	sbr.rel @p0 .LBB2_11-.Ltmp8, $4  }
0x1a8: {  	v16 =	vadd.s32 s19, v1;
	s19 =	smov.u32 s20;
	v12 =	vld.idx.msk [tilespmem:v13+s10+$0x0], $0xffff  }
0x1a9: {  	v13 =	vld.idx.msk [tilespmem:v14+s10+$0x0], $0xffff  }
0x1aa: {  	v14 =	vld.idx.msk [tilespmem:v15+s10+$0x0], $0xffff  }
0x1ab: {  	s20 =	sadd.s32 $0x400, s20;
	v15 =	vld.idx.msk [tilespmem:v18+s10+$0x0], $0xffff  }
0x1ac: {  	_ =	sdelay $0x2  }
0x1ad: {  	v0 =	vadd.f32 v2, v34;
	v1 =	vadd.f32 v3, v35  }
0x1ae: {  	v50 =	vld.idx.msk [tilespmem:v17+s10+$0x0], $0xffff;
	v51 =	vadd.f32 v4, v36;
	v52 =	vadd.f32 v5, v37  }
0x1af: {  	v54 =	vld.idx.msk [tilespmem:v16+s10+$0x0], $0xffff;
	v6 =	vadd.f32 v6, v38;
	v7 =	vadd.f32 v7, v39  }
0x1b0: {  	v8 =	vadd.f32 v8, v40;
	v9 =	vadd.f32 v9, v41  }
0x1b1: {  	v10 =	vadd.f32 v10, v42;
	v11 =	vadd.f32 v11, v43  }
0x1b2: {  	v12 =	vadd.f32 v12, v44;
	v13 =	vadd.f32 v13, v45;
	v0 =	vmin.f32 v0, v1  }
0x1b3: {  	v3 =	vmin.f32 v51, v52;
	v55 =	vadd.f32 v14, v46;
	v56 =	vadd.f32 v15, v47  }
0x1b4: {  	s18 =	sadd.s32 $0x400, s18;
	v58 =	vmin.f32 v6, v7;
	v2 =	vadd.f32 v50, v48;
	v57 =	vadd.f32 v54, v49  }
0x1b5: {  	v61 =	vld [tilespmem:s18+$0x0];
	v59 =	vmin.f32 v8, v9;
	v60 =	vmin.f32 v10, v11;
	v0 =	vmin.f32 v0, v3  }
0x1b6: {  	v62 =	vmin.f32 v12, v13;
	v1 =	vmin.f32 v55, v56;
	v2 =	vmin.f32 v2, v57  }
0x1b7: {  	s16 =	sadd.s32 $0x1, s16;
	v3 =	vmin.f32 v58, v59;
	v63 =	vmin.f32 v60, v62;
	v1 =	vmin.f32 v1, v2  }
0x1b8: {  	p0 =	sne.s32 s16, $0x40;
	v0 =	vmin.f32 v0, v3;
	v1 =	vmin.f32 v63, v1  }
.Ltmp9:
0x1b9: {  	v0 =	vmin.f32 v0, v1;
	(pc) =	sbr.rel @p0 .LBB2_10-.Ltmp9, $4  }
0x1ba: {  	v0 =	vmin.f32 v61, v0  }
0x1bb: {  	vm0 =	vlt.f32 v0, v61;
	vm1 =	vgt.f32 v0, v61  }
0x1bc: {  	s17 =	sadd.s32 $0x400, s17;
	vm0 =	vmor vm1, vm0  }
0x1bd: {  	s14 =	sadd.s32 $0x10, s14;
	s15 =	sadd.s32 $0x10, s15;
	[tilespmem:s17+$0x0] =	vst v0;
	v53 =	vsel vm0, $0x1, v53  }
.Ltmp10:
0x1be: {  	(pc) =	sbr.rel .LBB2_14-.Ltmp10, $4  }
0x1bf: {  	v54 =	vld [tilespmem:$0x1FFC0]  }
0x1c0: {  	v55 =	vld [tilespmem:$0x1FFD0]  }
0x1c1: {  	v56 =	vld [tilespmem:$0x1FFE0]  }
0x1c2: {  	[tilespmem:$0x18000] =	vst v53;
	v57 =	vld [tilespmem:$0x1FFF0];
	v58 =	vlaneseq.u32  }
.LBB2_16:
0x1c3: {  	_ =	sfence.sel $0x180000  }
0x1c4: {  	[bflag:$0x0] =	sbarrier.arrive $0xFFFF  }
0x1c5: {  	p0 =	sne.s32 s1, $0x0;
	_ =	strace $0x90000047  }
0x1c6: {  	s0 =	sadd.s32 @!p0 $0x100000, s0;
	[bflag:$0x2] =	sbarrier.arrive $0xFFFF  }
0x1c7: {  	[sflag:s0] =	ssyncadd.tile.s32 @!p0 $0x1;
	_ =	shalt  }
.Lfunc_end2:
_tile_overlayer_lowered:
.L_overlay_start_2:
0x1c8: {  	(tag) =	ssettag $0x2  }
0x1c9: {  	s0 =	rddreg [dreg:$0x0];
	s2 =	stileid.u32  }
0x1ca: {  	s1 =	rddreg [dreg:$0x1];
	p0 =	sne.s32 s2, $0x0  }
0x1cb: {  	s3 =	rddreg [dreg:$0x2];
	[bflag:$0x3] =	sbarrier.arrive $0xFFFF;
	s2 =	simm.s32 @!p0 $0x1C01  }
0x1cc: {  	[timem:s3], [sflag:s2] =	dma.local @!p0 [hbm:s0], s1  }
0x1cd: {  	s0 =	simm.s32 @!p0 $0x1  }
0x1ce: {  	_ =	swait.ge @!p0 [sflag:s0], s1  }
0x1cf: {  	s1 =	ssub.s32 @!p0 $0x0, s1;
	[sflag:s0] =	ssyncset.done @!p0 $0x0  }
0x1d0: {  	[sflag:s0] =	ssyncadd.s32 @!p0 s1  }
0x1d1: {  	[bflag:$0x3] =	sbarrier.arrive $0xFFFF  }
0x1d2: {  	_ =	shalt  }

</sc_bundles>
